<compile_context>
chip_gen: v7x
topology: tpu7x:2x2x1
jax: 0.10.2.dev20260603
libtpu: 0.0.44.dev20260713+nightly
codegen_flags: <defaults>
</compile_context>

<pallas_src>
import functools

import jax
import jax.numpy as jnp
from jax import lax
from jax.experimental import pallas as pl
from jax.experimental.pallas import tpu as pltpu
from jax.experimental.pallas import tpu_sc as plsc

D = 32
B = 4096
K = 20
NUM_ROWS = 1000000
RC = 65536
RG = 16
PAD_ROWS = RG * RC
NC = 2
NS = 16
NW = NC * NS
E_W = B // NW


def _sc_gather_body(table, pos_src, pos_dst, neg_src, neg_dst,
                    o_ps, o_pd, o_ns, o_nd,
                    idx_v, pidx_v, rows_a, rows_b, prow_v, acc_v,
                    sem_p, sem_a, sem_b):
    wid = lax.axis_index("s") * NC + lax.axis_index("c")
    base = wid * E_W

    mask_hi = jnp.int32(-65536)

    def unpack(v):
        h = plsc.bitcast(v & mask_hi, jnp.float32)
        l = plsc.bitcast(v << 16, jnp.float32)
        return h, l

    pltpu.sync_copy(pos_src.at[pl.ds(base, E_W)], pidx_v.at[0])
    pltpu.sync_copy(pos_dst.at[pl.ds(base, E_W)], pidx_v.at[1])
    pltpu.sync_copy(neg_src.at[wid], idx_v.at[pl.ds(0, K)])
    pltpu.sync_copy(neg_dst.at[wid], idx_v.at[pl.ds(K, K)])

    cp_p1 = pltpu.async_copy(table.at[pidx_v.at[0]],
                             prow_v.at[pl.ds(0, E_W)], sem_p)
    cp_p2 = pltpu.async_copy(table.at[pidx_v.at[1]],
                             prow_v.at[pl.ds(E_W, E_W)], sem_p)
    cps_a = [pltpu.async_copy(table.at[idx_v.at[c]],
                              rows_a.at[pl.ds(c * E_W, E_W)], sem_a)
             for c in range(K)]
    cps_b = [pltpu.async_copy(table.at[idx_v.at[K + c]],
                              rows_b.at[pl.ds(c * E_W, E_W)], sem_b)
             for c in range(K)]

    cp_p1.wait()
    cp_p2.wait()

    def pos_out(off, out_hbm):
        def unpack_row(e, carry):
            h, l = unpack(prow_v[off + e, :])
            acc_v[e, pl.ds(0, 16)] = h
            acc_v[e, pl.ds(16, 16)] = l
            return carry

        lax.fori_loop(0, E_W, unpack_row, 0)
        pltpu.sync_copy(acc_v, out_hbm.at[pl.ds(base, E_W)])

    pos_out(0, o_ps)
    pos_out(E_W, o_pd)

    def neg_out(rows_v, out_hbm):
        def acc_edge(e, carry):
            r = e * K
            a0, a1 = unpack(rows_v[r, :])
            for kk in range(1, K):
                h, l = unpack(rows_v[r + kk, :])
                a0 = a0 + h
                a1 = a1 + l
            acc_v[e, pl.ds(0, 16)] = a0
            acc_v[e, pl.ds(16, 16)] = a1
            return carry

        lax.fori_loop(0, E_W, acc_edge, 0)
        pltpu.sync_copy(acc_v, out_hbm.at[pl.ds(base, E_W)])

    for cp in cps_a:
        cp.wait()
    neg_out(rows_a, o_ns)
    for cp in cps_b:
        cp.wait()
    neg_out(rows_b, o_nd)


_sc_gather = functools.partial(
    pl.kernel,
    mesh=plsc.VectorSubcoreMesh(core_axis_name="c", subcore_axis_name="s"),
    out_type=[jax.ShapeDtypeStruct((B, D), jnp.float32)] * 4,
    scratch_types=[
        pltpu.VMEM((2 * K, E_W), jnp.int32),
        pltpu.VMEM((2, E_W), jnp.int32),
        pltpu.VMEM((K * E_W, 16), jnp.int32),
        pltpu.VMEM((K * E_W, 16), jnp.int32),
        pltpu.VMEM((2 * E_W, 16), jnp.int32),
        pltpu.VMEM((E_W, D), jnp.float32),
        pltpu.SemaphoreType.DMA,
        pltpu.SemaphoreType.DMA,
        pltpu.SemaphoreType.DMA,
    ],
    compiler_params=pltpu.CompilerParams(use_tc_tiling_on_sc=False,
                                         needs_layout_passes=False),
)(_sc_gather_body)


def _repack_body(at_ref, ehi_ref, elo_ref, out_ref):
    i = pl.program_id(0)
    x = at_ref[...]
    cols = i * RC + jax.lax.broadcasted_iota(jnp.int32, (32, RC), 1)
    x = jnp.where(cols < NUM_ROWS, x, 0.0)
    s = RC // 8
    xc = jnp.concatenate([x[:, j * s:(j + 1) * s] for j in range(8)],
                         axis=0)
    dims = (((0,), (0,)), ((), ()))
    hi = jax.lax.dot_general(xc, ehi_ref[...], dims,
                             preferred_element_type=jnp.float32)
    lo = jax.lax.dot_general(xc, elo_ref[...], dims,
                             preferred_element_type=jnp.float32)
    hi_i = jax.lax.bitcast_convert_type(hi, jnp.int32)
    lo_i = jax.lax.bitcast_convert_type(lo, jnp.int32)
    hi_b = (hi_i + 32768) & jnp.int32(-65536)
    lo_b = jax.lax.shift_right_logical(lo_i + 32768, 16)
    out_ref[...] = hi_b | lo_b


_repack = pl.pallas_call(
    _repack_body,
    grid=(RG,),
    in_specs=[pl.BlockSpec((32, RC), lambda i: (0, i)),
              pl.BlockSpec((256, 128), lambda i: (0, 0)),
              pl.BlockSpec((256, 128), lambda i: (0, 0))],
    out_specs=pl.BlockSpec((RC // 8, 128), lambda i: (i, 0)),
    out_shape=jax.ShapeDtypeStruct((PAD_ROWS // 8, 128), jnp.int32),
)


_QSHIFT = (RC // 8).bit_length() - 1


def _permute_idx(r):
    return ((r & ~(RC - 1)) + ((r & (RC // 8 - 1)) << 3)
            + ((r & (RC - 1)) >> _QSHIFT))


def _selection_mats():
    p = jnp.arange(256, dtype=jnp.int32)[:, None]
    c = jnp.arange(128, dtype=jnp.int32)[None, :]
    base = (c // 16) * 32 + (c % 16) * 2
    ehi = (p == base).astype(jnp.float32)
    elo = (p == base + 1).astype(jnp.float32)
    return ehi, elo


def _tc_loss_body(ps_ref, pd_ref, ns_ref, nd_ref, w_ref, out_ref):
    eps = 1e-8
    epsilon = 1e-7
    w = w_ref[...]

    def norm(x):
        rms = jnp.sqrt(jnp.sum(x * x, axis=-1, keepdims=True) * (1.0 / D))
        return x / (rms + eps) * w

    a = norm(ps_ref[...])
    b = norm(pd_ref[...])
    c = norm(ns_ref[...] * (1.0 / K))
    d = norm(nd_ref[...] * (1.0 / K))
    dpos = jnp.sum(a * b, axis=-1, keepdims=True)
    dneg = jnp.sum(c * d, axis=-1, keepdims=True)

    def log_sig(x):
        return jnp.log(1.0 / (1.0 + jnp.exp(-x)) + epsilon)

    def log_one_minus_sig(x):
        return jnp.log(1.0 - 1.0 / (1.0 + jnp.exp(-x)) + epsilon)

    one = log_sig(dpos * (1.0 / D)) + log_one_minus_sig(dneg * (1.0 / D))
    two = log_sig(dpos) + log_one_minus_sig(dneg)
    out_ref[0, 0] = -(jnp.sum(one) + jnp.sum(two)) * (1.0 / B)


_tc_loss = pl.pallas_call(
    _tc_loss_body,
    out_shape=jax.ShapeDtypeStruct((1, 1), jnp.float32),
    out_specs=pl.BlockSpec(memory_space=pltpu.SMEM),
)


def kernel(pos_edges, neg_edges, node_embeddings, rms_weight):
    pos_src = _permute_idx(pos_edges[0])
    pos_dst = _permute_idx(pos_edges[1])
    neg_src = _permute_idx(neg_edges[0]).reshape(NW, K, E_W)
    neg_dst = _permute_idx(neg_edges[1]).reshape(NW, K, E_W)
    ehi, elo = _selection_mats()
    table_pk = _repack(node_embeddings.T, ehi, elo).reshape(PAD_ROWS, 16)
    ps, pd, ns, nd = _sc_gather(table_pk, pos_src, pos_dst,
                                neg_src, neg_dst)
    w_perm = jnp.concatenate([rms_weight[0::2], rms_weight[1::2]])
    loss = _tc_loss(ps, pd, ns, nd, w_perm.reshape(1, D))
    return loss[0, 0]

# --- scband reference (transcript-rebuilt; emitter-appended) ---
"""Pipeline reference for scband-line-7069516169831 (READ-ONLY COPY).

The authoritative reference and input builder live on the scoring server;
editing this copy changes nothing except your own understanding.
"""

import jax, jax.numpy as jnp
import numpy as np

NUM_NODES = 1000000
EMBED_DIM = 32
BATCH = 4096
NEG_K = 20


def rms_norm(x, weight, eps=1e-08):
    rms = jnp.linalg.norm(x, ord=2, axis=-1, keepdims=True) * (x.shape[-1] ** -0.5)
    x_normalized = x / (rms + eps)
    return weight * x_normalized


def setup_inputs(seed: int = 0) -> dict:
    key = jax.random.key(seed)
    k1, k2, k3 = jax.random.split(key, 3)
    pos_edges = jax.random.randint(k1, (2, BATCH), 0, NUM_NODES, dtype=jnp.int64 if jax.config.jax_enable_x64 else jnp.int32)
    neg_edges = jax.random.randint(k2, (2, BATCH, NEG_K), 0, NUM_NODES, dtype=jnp.int64 if jax.config.jax_enable_x64 else jnp.int32)
    node_embeddings = jax.random.normal(k3, (NUM_NODES, EMBED_DIM), dtype=jnp.float32)
    rms_weight = jnp.ones((EMBED_DIM,), dtype=jnp.float32)
    return {"pos_edges": pos_edges, "neg_edges": neg_edges, "node_embeddings": node_embeddings, "rms_weight": rms_weight}


def reference(pos_edges, neg_edges, node_embeddings, rms_weight):
    epsilon = 1e-07
    pos_src, pos_dst = pos_edges[0], pos_edges[1]
    neg_src, neg_dst = neg_edges[0], neg_edges[1]

    emb_src = jnp.take(node_embeddings, pos_src, axis=0)
    emb_dst = jnp.take(node_embeddings, pos_dst, axis=0)
    emb_src = rms_norm(emb_src, rms_weight)
    emb_dst = rms_norm(emb_dst, rms_weight)

    emb_neg_src = jnp.take(node_embeddings, neg_src, axis=0)
    emb_neg_dst = jnp.take(node_embeddings, neg_dst, axis=0)
    emb_neg_src = jnp.mean(emb_neg_src, axis=1)
    emb_neg_dst = jnp.mean(emb_neg_dst, axis=1)
    emb_neg_src = rms_norm(emb_neg_src, rms_weight)
    emb_neg_dst = rms_norm(emb_neg_dst, rms_weight)

    pos_score = jnp.mean(emb_src * emb_dst, axis=1)
    neg_score = jnp.mean(emb_neg_src * emb_neg_dst, axis=1)
    one_order_loss = -jnp.mean(
        jnp.log(jax.nn.sigmoid(pos_score) + epsilon)
        + jnp.log(1.0 - jax.nn.sigmoid(neg_score) + epsilon)
    )

    pos_edges_score = jnp.diagonal(jnp.matmul(emb_src, emb_dst.T))
    neg_edges_score = jnp.diagonal(jnp.matmul(emb_neg_src, emb_neg_dst.T))
    two_order_loss = -jnp.mean(
        jnp.log(jax.nn.sigmoid(pos_edges_score) + epsilon)
        + jnp.log(1.0 - jax.nn.sigmoid(neg_edges_score) + epsilon)
    )

    return one_order_loss + two_order_loss

if __name__ == "__main__":
    import jax
    _d = setup_inputs()
    print(jax.jit(kernel)(*tuple(_d.values())))

</pallas_src>

<mosaic_0001>
#map = affine_map<(d0, d1) -> (0, 0)>
#map1 = affine_map<(d0, d1) -> (0)>
#map2 = affine_map<(d0, d1) -> (0, 0, 0)>
module attributes {stable_mosaic.version = 14 : i64} {
  func.func @_sc_gather_body(%arg0: i32, %arg1: i32, %arg2: memref<1048576x16xi32, #tpu.memory_space<hbm>>, %arg3: memref<4096xi32, #tpu.memory_space<hbm>>, %arg4: memref<4096xi32, #tpu.memory_space<hbm>>, %arg5: memref<32x20x128xi32, #tpu.memory_space<hbm>>, %arg6: memref<32x20x128xi32, #tpu.memory_space<hbm>>, %arg7: memref<4096x32xf32, #tpu.memory_space<hbm>>, %arg8: memref<4096x32xf32, #tpu.memory_space<hbm>>, %arg9: memref<4096x32xf32, #tpu.memory_space<hbm>>, %arg10: memref<4096x32xf32, #tpu.memory_space<hbm>>, %arg11: memref<40x128xi32, #tpu.memory_space<vmem>>, %arg12: memref<2x128xi32, #tpu.memory_space<vmem>>, %arg13: memref<2560x16xi32, #tpu.memory_space<vmem>>, %arg14: memref<2560x16xi32, #tpu.memory_space<vmem>>, %arg15: memref<256x16xi32, #tpu.memory_space<vmem>>, %arg16: memref<128x32xf32, #tpu.memory_space<vmem>>, %arg17: memref<!tpu.dma_semaphore, #tpu.memory_space<semaphore_mem>>, %arg18: memref<!tpu.dma_semaphore, #tpu.memory_space<semaphore_mem>>, %arg19: memref<!tpu.dma_semaphore, #tpu.memory_space<semaphore_mem>>) attributes {dimension_semantics = [#tpu.dimension_semantics<core_parallel>, #tpu.dimension_semantics<subcore_parallel>], iteration_bounds = array<i64: 2, 16>, scalar_prefetch = 0 : i64, scratch_operands = 9 : i64, tpu.core_type = #tpu.core_type<sc_vector_subcore>, window_params = [{transform_indices = #map}, {transform_indices = #map1}, {transform_indices = #map1}, {transform_indices = #map2}, {transform_indices = #map2}, {transform_indices = #map}, {transform_indices = #map}, {transform_indices = #map}, {transform_indices = #map}]} {
    %mul3A = arith.constant 2 : i32
    %mul3A_0 = arith.muli %arg1, %mul3A : i32
    %add3A = arith.addi %mul3A_0, %arg0 : i32
    %mul3A_1 = arith.constant 128 : i32
    %mul3A_2 = arith.muli %add3A, %mul3A_1 : i32
    %run_scoped3A = arith.constant 0 : i32
    "tpu.region"() ({
      %run_scoped3A_869 = tpu.sem_alloc : memref<!tpu.dma_semaphore, #tpu.memory_space<semaphore_mem>>
      %dma_start3A_870 = arith.constant 0 : i32
      %dma_start3A_871 = tpu.memref_slice %arg12[%run_scoped3A, %dma_start3A_870] : memref<2x128xi32, #tpu.memory_space<vmem>> -> memref<1x128xi32, #tpu.memory_space<vmem>>
      %dma_start3A_872 = tpu.memref_squeeze %dma_start3A_871 : memref<1x128xi32, #tpu.memory_space<vmem>> -> memref<128xi32, #tpu.memory_space<vmem>>
      %dma_start3A_873 = tpu.memref_slice %arg3[%mul3A_2] : memref<4096xi32, #tpu.memory_space<hbm>> -> memref<128xi32, #tpu.memory_space<hbm>>
      %dma_start3A_874 = arith.constant 0 : i32
      %dma_start3A_875 = tpu.memref_slice %arg12[%run_scoped3A, %dma_start3A_874] : memref<2x128xi32, #tpu.memory_space<vmem>> -> memref<1x128xi32, #tpu.memory_space<vmem>>
      %dma_start3A_876 = tpu.memref_squeeze %dma_start3A_875 : memref<1x128xi32, #tpu.memory_space<vmem>> -> memref<128xi32, #tpu.memory_space<vmem>>
      %dma_start3A_877 = tpu.memref_slice %arg3[%mul3A_2] : memref<4096xi32, #tpu.memory_space<hbm>> -> memref<128xi32, #tpu.memory_space<hbm>>
      tpu.enqueue_dma source(%dma_start3A_877 : memref<128xi32, #tpu.memory_space<hbm>>) target(%dma_start3A_876 : memref<128xi32, #tpu.memory_space<vmem>>) target_semaphore(%run_scoped3A_869 : memref<!tpu.dma_semaphore, #tpu.memory_space<semaphore_mem>>)
      %dma_wait3A_878 = arith.constant 0 : i32
      %dma_wait3A_879 = tpu.memref_slice %arg12[%run_scoped3A, %dma_wait3A_878] : memref<2x128xi32, #tpu.memory_space<vmem>> -> memref<1x128xi32, #tpu.memory_space<vmem>>
      %dma_wait3A_880 = tpu.memref_squeeze %dma_wait3A_879 : memref<1x128xi32, #tpu.memory_space<vmem>> -> memref<128xi32, #tpu.memory_space<vmem>>
      %dma_wait3A_881 = tpu.memref_slice %arg3[%mul3A_2] : memref<4096xi32, #tpu.memory_space<hbm>> -> memref<128xi32, #tpu.memory_space<hbm>>
      %dma_wait3A_882 = arith.constant 0 : i32
      %dma_wait3A_883 = tpu.memref_slice %arg12[%run_scoped3A, %dma_wait3A_882] : memref<2x128xi32, #tpu.memory_space<vmem>> -> memref<1x128xi32, #tpu.memory_space<vmem>>
      %dma_wait3A_884 = tpu.memref_squeeze %dma_wait3A_883 : memref<1x128xi32, #tpu.memory_space<vmem>> -> memref<128xi32, #tpu.memory_space<vmem>>
      %dma_wait3A_885 = tpu.memref_slice %arg3[%mul3A_2] : memref<4096xi32, #tpu.memory_space<hbm>> -> memref<128xi32, #tpu.memory_space<hbm>>
      tpu.wait_dma2 semaphore(%run_scoped3A_869 : memref<!tpu.dma_semaphore, #tpu.memory_space<semaphore_mem>>) src(%dma_wait3A_885 : memref<128xi32, #tpu.memory_space<hbm>>) dst(%dma_wait3A_884 : memref<128xi32, #tpu.memory_space<vmem>>)
      tpu.yield
    }) : () -> ()
    %run_scoped3A_3 = arith.constant 1 : i32
    "tpu.region"() ({
      %run_scoped3A_869 = tpu.sem_alloc : memref<!tpu.dma_semaphore, #tpu.memory_space<semaphore_mem>>
      %dma_start3A_870 = arith.constant 0 : i32
      %dma_start3A_871 = tpu.memref_slice %arg12[%run_scoped3A_3, %dma_start3A_870] : memref<2x128xi32, #tpu.memory_space<vmem>> -> memref<1x128xi32, #tpu.memory_space<vmem>>
      %dma_start3A_872 = tpu.memref_squeeze %dma_start3A_871 : memref<1x128xi32, #tpu.memory_space<vmem>> -> memref<128xi32, #tpu.memory_space<vmem>>
      %dma_start3A_873 = tpu.memref_slice %arg4[%mul3A_2] : memref<4096xi32, #tpu.memory_space<hbm>> -> memref<128xi32, #tpu.memory_space<hbm>>
      %dma_start3A_874 = arith.constant 0 : i32
      %dma_start3A_875 = tpu.memref_slice %arg12[%run_scoped3A_3, %dma_start3A_874] : memref<2x128xi32, #tpu.memory_space<vmem>> -> memref<1x128xi32, #tpu.memory_space<vmem>>
      %dma_start3A_876 = tpu.memref_squeeze %dma_start3A_875 : memref<1x128xi32, #tpu.memory_space<vmem>> -> memref<128xi32, #tpu.memory_space<vmem>>
      %dma_start3A_877 = tpu.memref_slice %arg4[%mul3A_2] : memref<4096xi32, #tpu.memory_space<hbm>> -> memref<128xi32, #tpu.memory_space<hbm>>
      tpu.enqueue_dma source(%dma_start3A_877 : memref<128xi32, #tpu.memory_space<hbm>>) target(%dma_start3A_876 : memref<128xi32, #tpu.memory_space<vmem>>) target_semaphore(%run_scoped3A_869 : memref<!tpu.dma_semaphore, #tpu.memory_space<semaphore_mem>>)
      %dma_wait3A_878 = arith.constant 0 : i32
      %dma_wait3A_879 = tpu.memref_slice %arg12[%run_scoped3A_3, %dma_wait3A_878] : memref<2x128xi32, #tpu.memory_space<vmem>> -> memref<1x128xi32, #tpu.memory_space<vmem>>
      %dma_wait3A_880 = tpu.memref_squeeze %dma_wait3A_879 : memref<1x128xi32, #tpu.memory_space<vmem>> -> memref<128xi32, #tpu.memory_space<vmem>>
      %dma_wait3A_881 = tpu.memref_slice %arg4[%mul3A_2] : memref<4096xi32, #tpu.memory_space<hbm>> -> memref<128xi32, #tpu.memory_space<hbm>>
      %dma_wait3A_882 = arith.constant 0 : i32
      %dma_wait3A_883 = tpu.memref_slice %arg12[%run_scoped3A_3, %dma_wait3A_882] : memref<2x128xi32, #tpu.memory_space<vmem>> -> memref<1x128xi32, #tpu.memory_space<vmem>>
      %dma_wait3A_884 = tpu.memref_squeeze %dma_wait3A_883 : memref<1x128xi32, #tpu.memory_space<vmem>> -> memref<128xi32, #tpu.memory_space<vmem>>
      %dma_wait3A_885 = tpu.memref_slice %arg4[%mul3A_2] : memref<4096xi32, #tpu.memory_space<hbm>> -> memref<128xi32, #tpu.memory_space<hbm>>
      tpu.wait_dma2 semaphore(%run_scoped3A_869 : memref<!tpu.dma_semaphore, #tpu.memory_space<semaphore_mem>>) src(%dma_wait3A_885 : memref<128xi32, #tpu.memory_space<hbm>>) dst(%dma_wait3A_884 : memref<128xi32, #tpu.memory_space<vmem>>)
      tpu.yield
    }) : () -> ()
    "tpu.region"() ({
      %run_scoped3A_869 = tpu.sem_alloc : memref<!tpu.dma_semaphore, #tpu.memory_space<semaphore_mem>>
      %dma_start3A_870 = arith.constant 0 : i32
      %dma_start3A_871 = arith.constant 0 : i32
      %dma_start3A_872 = tpu.memref_slice %arg11[%dma_start3A_870, %dma_start3A_871] : memref<40x128xi32, #tpu.memory_space<vmem>> -> memref<20x128xi32, #tpu.memory_space<vmem>>
      %dma_start3A_873 = arith.constant 0 : i32
      %dma_start3A_874 = arith.constant 0 : i32
      %dma_start3A_875 = tpu.memref_slice %arg5[%add3A, %dma_start3A_873, %dma_start3A_874] : memref<32x20x128xi32, #tpu.memory_space<hbm>> -> memref<1x20x128xi32, #tpu.memory_space<hbm>>
      %dma_start3A_876 = tpu.memref_squeeze %dma_start3A_875 : memref<1x20x128xi32, #tpu.memory_space<hbm>> -> memref<20x128xi32, #tpu.memory_space<hbm>>
      %dma_start3A_877 = arith.constant 0 : i32
      %dma_start3A_878 = arith.constant 0 : i32
      %dma_start3A_879 = tpu.memref_slice %arg11[%dma_start3A_877, %dma_start3A_878] : memref<40x128xi32, #tpu.memory_space<vmem>> -> memref<20x128xi32, #tpu.memory_space<vmem>>
      %dma_start3A_880 = arith.constant 0 : i32
      %dma_start3A_881 = arith.constant 0 : i32
      %dma_start3A_882 = tpu.memref_slice %arg5[%add3A, %dma_start3A_880, %dma_start3A_881] : memref<32x20x128xi32, #tpu.memory_space<hbm>> -> memref<1x20x128xi32, #tpu.memory_space<hbm>>
      %dma_start3A_883 = tpu.memref_squeeze %dma_start3A_882 : memref<1x20x128xi32, #tpu.memory_space<hbm>> -> memref<20x128xi32, #tpu.memory_space<hbm>>
      tpu.enqueue_dma source(%dma_start3A_883 : memref<20x128xi32, #tpu.memory_space<hbm>>) target(%dma_start3A_879 : memref<20x128xi32, #tpu.memory_space<vmem>>) target_semaphore(%run_scoped3A_869 : memref<!tpu.dma_semaphore, #tpu.memory_space<semaphore_mem>>)
      %dma_wait3A_884 = arith.constant 0 : i32
      %dma_wait3A_885 = arith.constant 0 : i32
      %dma_wait3A_886 = tpu.memref_slice %arg11[%dma_wait3A_884, %dma_wait3A_885] : memref<40x128xi32, #tpu.memory_space<vmem>> -> memref<20x128xi32, #tpu.memory_space<vmem>>
      %dma_wait3A_887 = arith.constant 0 : i32
      %dma_wait3A_888 = arith.constant 0 : i32
      %dma_wait3A_889 = tpu.memref_slice %arg5[%add3A, %dma_wait3A_887, %dma_wait3A_888] : memref<32x20x128xi32, #tpu.memory_space<hbm>> -> memref<1x20x128xi32, #tpu.memory_space<hbm>>
      %dma_wait3A_890 = tpu.memref_squeeze %dma_wait3A_889 : memref<1x20x128xi32, #tpu.memory_space<hbm>> -> memref<20x128xi32, #tpu.memory_space<hbm>>
      %dma_wait3A_891 = arith.constant 0 : i32
      %dma_wait3A_892 = arith.constant 0 : i32
      %dma_wait3A_893 = tpu.memref_slice %arg11[%dma_wait3A_891, %dma_wait3A_892] : memref<40x128xi32, #tpu.memory_space<vmem>> -> memref<20x128xi32, #tpu.memory_space<vmem>>
      %dma_wait3A_894 = arith.constant 0 : i32
      %dma_wait3A_895 = arith.constant 0 : i32
      %dma_wait3A_896 = tpu.memref_slice %arg5[%add3A, %dma_wait3A_894, %dma_wait3A_895] : memref<32x20x128xi32, #tpu.memory_space<hbm>> -> memref<1x20x128xi32, #tpu.memory_space<hbm>>
      %dma_wait3A_897 = tpu.memref_squeeze %dma_wait3A_896 : memref<1x20x128xi32, #tpu.memory_space<hbm>> -> memref<20x128xi32, #tpu.memory_space<hbm>>
      tpu.wait_dma2 semaphore(%run_scoped3A_869 : memref<!tpu.dma_semaphore, #tpu.memory_space<semaphore_mem>>) src(%dma_wait3A_897 : memref<20x128xi32, #tpu.memory_space<hbm>>) dst(%dma_wait3A_893 : memref<20x128xi32, #tpu.memory_space<vmem>>)
      tpu.yield
    }) : () -> ()
    "tpu.region"() ({
      %run_scoped3A_869 = tpu.sem_alloc : memref<!tpu.dma_semaphore, #tpu.memory_space<semaphore_mem>>
      %dma_start3A_870 = arith.constant 20 : i32
      %dma_start3A_871 = arith.constant 0 : i32
      %dma_start3A_872 = tpu.memref_slice %arg11[%dma_start3A_870, %dma_start3A_871] : memref<40x128xi32, #tpu.memory_space<vmem>> -> memref<20x128xi32, #tpu.memory_space<vmem>>
      %dma_start3A_873 = arith.constant 0 : i32
      %dma_start3A_874 = arith.constant 0 : i32
      %dma_start3A_875 = tpu.memref_slice %arg6[%add3A, %dma_start3A_873, %dma_start3A_874] : memref<32x20x128xi32, #tpu.memory_space<hbm>> -> memref<1x20x128xi32, #tpu.memory_space<hbm>>
      %dma_start3A_876 = tpu.memref_squeeze %dma_start3A_875 : memref<1x20x128xi32, #tpu.memory_space<hbm>> -> memref<20x128xi32, #tpu.memory_space<hbm>>
      %dma_start3A_877 = arith.constant 20 : i32
      %dma_start3A_878 = arith.constant 0 : i32
      %dma_start3A_879 = tpu.memref_slice %arg11[%dma_start3A_877, %dma_start3A_878] : memref<40x128xi32, #tpu.memory_space<vmem>> -> memref<20x128xi32, #tpu.memory_space<vmem>>
      %dma_start3A_880 = arith.constant 0 : i32
      %dma_start3A_881 = arith.constant 0 : i32
      %dma_start3A_882 = tpu.memref_slice %arg6[%add3A, %dma_start3A_880, %dma_start3A_881] : memref<32x20x128xi32, #tpu.memory_space<hbm>> -> memref<1x20x128xi32, #tpu.memory_space<hbm>>
      %dma_start3A_883 = tpu.memref_squeeze %dma_start3A_882 : memref<1x20x128xi32, #tpu.memory_space<hbm>> -> memref<20x128xi32, #tpu.memory_space<hbm>>
      tpu.enqueue_dma source(%dma_start3A_883 : memref<20x128xi32, #tpu.memory_space<hbm>>) target(%dma_start3A_879 : memref<20x128xi32, #tpu.memory_space<vmem>>) target_semaphore(%run_scoped3A_869 : memref<!tpu.dma_semaphore, #tpu.memory_space<semaphore_mem>>)
      %dma_wait3A_884 = arith.constant 20 : i32
      %dma_wait3A_885 = arith.constant 0 : i32
      %dma_wait3A_886 = tpu.memref_slice %arg11[%dma_wait3A_884, %dma_wait3A_885] : memref<40x128xi32, #tpu.memory_space<vmem>> -> memref<20x128xi32, #tpu.memory_space<vmem>>
      %dma_wait3A_887 = arith.constant 0 : i32
      %dma_wait3A_888 = arith.constant 0 : i32
      %dma_wait3A_889 = tpu.memref_slice %arg6[%add3A, %dma_wait3A_887, %dma_wait3A_888] : memref<32x20x128xi32, #tpu.memory_space<hbm>> -> memref<1x20x128xi32, #tpu.memory_space<hbm>>
      %dma_wait3A_890 = tpu.memref_squeeze %dma_wait3A_889 : memref<1x20x128xi32, #tpu.memory_space<hbm>> -> memref<20x128xi32, #tpu.memory_space<hbm>>
      %dma_wait3A_891 = arith.constant 20 : i32
      %dma_wait3A_892 = arith.constant 0 : i32
      %dma_wait3A_893 = tpu.memref_slice %arg11[%dma_wait3A_891, %dma_wait3A_892] : memref<40x128xi32, #tpu.memory_space<vmem>> -> memref<20x128xi32, #tpu.memory_space<vmem>>
      %dma_wait3A_894 = arith.constant 0 : i32
      %dma_wait3A_895 = arith.constant 0 : i32
      %dma_wait3A_896 = tpu.memref_slice %arg6[%add3A, %dma_wait3A_894, %dma_wait3A_895] : memref<32x20x128xi32, #tpu.memory_space<hbm>> -> memref<1x20x128xi32, #tpu.memory_space<hbm>>
      %dma_wait3A_897 = tpu.memref_squeeze %dma_wait3A_896 : memref<1x20x128xi32, #tpu.memory_space<hbm>> -> memref<20x128xi32, #tpu.memory_space<hbm>>
      tpu.wait_dma2 semaphore(%run_scoped3A_869 : memref<!tpu.dma_semaphore, #tpu.memory_space<semaphore_mem>>) src(%dma_wait3A_897 : memref<20x128xi32, #tpu.memory_space<hbm>>) dst(%dma_wait3A_893 : memref<20x128xi32, #tpu.memory_space<vmem>>)
      tpu.yield
    }) : () -> ()
    %dma_start3A = arith.constant 0 : i32
    %dma_start3A_4 = arith.constant 0 : i32
    %dma_start3A_5 = arith.constant 0 : i32
    %dma_start3A_6 = tpu.memref_slice %arg15[%dma_start3A_4, %dma_start3A_5] : memref<256x16xi32, #tpu.memory_space<vmem>> -> memref<128x16xi32, #tpu.memory_space<vmem>>
    %dma_start3A_7 = arith.constant 0 : i32
    %dma_start3A_8 = tpu.memref_slice %arg12[%dma_start3A, %dma_start3A_7] : memref<2x128xi32, #tpu.memory_space<vmem>> -> memref<1x128xi32, #tpu.memory_space<vmem>>
    %dma_start3A_9 = tpu.memref_squeeze %dma_start3A_8 : memref<1x128xi32, #tpu.memory_space<vmem>> -> memref<128xi32, #tpu.memory_space<vmem>>
    %dma_start3A_10 = arith.constant 0 : i32
    %dma_start3A_11 = arith.constant 0 : i32
    %dma_start3A_12 = tpu.memref_slice %arg2[%dma_start3A_10, %dma_start3A_11] : memref<1048576x16xi32, #tpu.memory_space<hbm>> -> memref<1048576x16xi32, #tpu.memory_space<hbm>>
    tpu.enqueue_indirect_dma source(%dma_start3A_12 : memref<1048576x16xi32, #tpu.memory_space<hbm>>) target(%dma_start3A_6 : memref<128x16xi32, #tpu.memory_space<vmem>>) offsets(%dma_start3A_9 : memref<128xi32, #tpu.memory_space<vmem>>) semaphore(%arg17 : memref<!tpu.dma_semaphore, #tpu.memory_space<semaphore_mem>>)
    %dma_start3A_13 = arith.constant 1 : i32
    %dma_start3A_14 = arith.constant 128 : i32
    %dma_start3A_15 = arith.constant 0 : i32
    %dma_start3A_16 = tpu.memref_slice %arg15[%dma_start3A_14, %dma_start3A_15] : memref<256x16xi32, #tpu.memory_space<vmem>> -> memref<128x16xi32, #tpu.memory_space<vmem>>
    %dma_start3A_17 = arith.constant 0 : i32
    %dma_start3A_18 = tpu.memref_slice %arg12[%dma_start3A_13, %dma_start3A_17] : memref<2x128xi32, #tpu.memory_space<vmem>> -> memref<1x128xi32, #tpu.memory_space<vmem>>
    %dma_start3A_19 = tpu.memref_squeeze %dma_start3A_18 : memref<1x128xi32, #tpu.memory_space<vmem>> -> memref<128xi32, #tpu.memory_space<vmem>>
    %dma_start3A_20 = arith.constant 0 : i32
    %dma_start3A_21 = arith.constant 0 : i32
    %dma_start3A_22 = tpu.memref_slice %arg2[%dma_start3A_20, %dma_start3A_21] : memref<1048576x16xi32, #tpu.memory_space<hbm>> -> memref<1048576x16xi32, #tpu.memory_space<hbm>>
    tpu.enqueue_indirect_dma source(%dma_start3A_22 : memref<1048576x16xi32, #tpu.memory_space<hbm>>) target(%dma_start3A_16 : memref<128x16xi32, #tpu.memory_space<vmem>>) offsets(%dma_start3A_19 : memref<128xi32, #tpu.memory_space<vmem>>) semaphore(%arg17 : memref<!tpu.dma_semaphore, #tpu.memory_space<semaphore_mem>>)
    %dma_start3A_23 = arith.constant 0 : i32
    %dma_start3A_24 = arith.constant 0 : i32
    %dma_start3A_25 = arith.constant 0 : i32
    %dma_start3A_26 = tpu.memref_slice %arg13[%dma_start3A_24, %dma_start3A_25] : memref<2560x16xi32, #tpu.memory_space<vmem>> -> memref<128x16xi32, #tpu.memory_space<vmem>>
    %dma_start3A_27 = arith.constant 0 : i32
    %dma_start3A_28 = tpu.memref_slice %arg11[%dma_start3A_23, %dma_start3A_27] : memref<40x128xi32, #tpu.memory_space<vmem>> -> memref<1x128xi32, #tpu.memory_space<vmem>>
    %dma_start3A_29 = tpu.memref_squeeze %dma_start3A_28 : memref<1x128xi32, #tpu.memory_space<vmem>> -> memref<128xi32, #tpu.memory_space<vmem>>
    %dma_start3A_30 = arith.constant 0 : i32
    %dma_start3A_31 = arith.constant 0 : i32
    %dma_start3A_32 = tpu.memref_slice %arg2[%dma_start3A_30, %dma_start3A_31] : memref<1048576x16xi32, #tpu.memory_space<hbm>> -> memref<1048576x16xi32, #tpu.memory_space<hbm>>
    tpu.enqueue_indirect_dma source(%dma_start3A_32 : memref<1048576x16xi32, #tpu.memory_space<hbm>>) target(%dma_start3A_26 : memref<128x16xi32, #tpu.memory_space<vmem>>) offsets(%dma_start3A_29 : memref<128xi32, #tpu.memory_space<vmem>>) semaphore(%arg18 : memref<!tpu.dma_semaphore, #tpu.memory_space<semaphore_mem>>)
    %dma_start3A_33 = arith.constant 1 : i32
    %dma_start3A_34 = arith.constant 128 : i32
    %dma_start3A_35 = arith.constant 0 : i32
    %dma_start3A_36 = tpu.memref_slice %arg13[%dma_start3A_34, %dma_start3A_35] : memref<2560x16xi32, #tpu.memory_space<vmem>> -> memref<128x16xi32, #tpu.memory_space<vmem>>
    %dma_start3A_37 = arith.constant 0 : i32
    %dma_start3A_38 = tpu.memref_slice %arg11[%dma_start3A_33, %dma_start3A_37] : memref<40x128xi32, #tpu.memory_space<vmem>> -> memref<1x128xi32, #tpu.memory_space<vmem>>
    %dma_start3A_39 = tpu.memref_squeeze %dma_start3A_38 : memref<1x128xi32, #tpu.memory_space<vmem>> -> memref<128xi32, #tpu.memory_space<vmem>>
    %dma_start3A_40 = arith.constant 0 : i32
    %dma_start3A_41 = arith.constant 0 : i32
    %dma_start3A_42 = tpu.memref_slice %arg2[%dma_start3A_40, %dma_start3A_41] : memref<1048576x16xi32, #tpu.memory_space<hbm>> -> memref<1048576x16xi32, #tpu.memory_space<hbm>>
    tpu.enqueue_indirect_dma source(%dma_start3A_42 : memref<1048576x16xi32, #tpu.memory_space<hbm>>) target(%dma_start3A_36 : memref<128x16xi32, #tpu.memory_space<vmem>>) offsets(%dma_start3A_39 : memref<128xi32, #tpu.memory_space<vmem>>) semaphore(%arg18 : memref<!tpu.dma_semaphore, #tpu.memory_space<semaphore_mem>>)
    %dma_start3A_43 = arith.constant 2 : i32
    %dma_start3A_44 = arith.constant 256 : i32
    %dma_start3A_45 = arith.constant 0 : i32
    %dma_start3A_46 = tpu.memref_slice %arg13[%dma_start3A_44, %dma_start3A_45] : memref<2560x16xi32, #tpu.memory_space<vmem>> -> memref<128x16xi32, #tpu.memory_space<vmem>>
    %dma_start3A_47 = arith.constant 0 : i32
    %dma_start3A_48 = tpu.memref_slice %arg11[%dma_start3A_43, %dma_start3A_47] : memref<40x128xi32, #tpu.memory_space<vmem>> -> memref<1x128xi32, #tpu.memory_space<vmem>>
    %dma_start3A_49 = tpu.memref_squeeze %dma_start3A_48 : memref<1x128xi32, #tpu.memory_space<vmem>> -> memref<128xi32, #tpu.memory_space<vmem>>
    %dma_start3A_50 = arith.constant 0 : i32
    %dma_start3A_51 = arith.constant 0 : i32
    %dma_start3A_52 = tpu.memref_slice %arg2[%dma_start3A_50, %dma_start3A_51] : memref<1048576x16xi32, #tpu.memory_space<hbm>> -> memref<1048576x16xi32, #tpu.memory_space<hbm>>
    tpu.enqueue_indirect_dma source(%dma_start3A_52 : memref<1048576x16xi32, #tpu.memory_space<hbm>>) target(%dma_start3A_46 : memref<128x16xi32, #tpu.memory_space<vmem>>) offsets(%dma_start3A_49 : memref<128xi32, #tpu.memory_space<vmem>>) semaphore(%arg18 : memref<!tpu.dma_semaphore, #tpu.memory_space<semaphore_mem>>)
    %dma_start3A_53 = arith.constant 3 : i32
    %dma_start3A_54 = arith.constant 384 : i32
    %dma_start3A_55 = arith.constant 0 : i32
    %dma_start3A_56 = tpu.memref_slice %arg13[%dma_start3A_54, %dma_start3A_55] : memref<2560x16xi32, #tpu.memory_space<vmem>> -> memref<128x16xi32, #tpu.memory_space<vmem>>
    %dma_start3A_57 = arith.constant 0 : i32
    %dma_start3A_58 = tpu.memref_slice %arg11[%dma_start3A_53, %dma_start3A_57] : memref<40x128xi32, #tpu.memory_space<vmem>> -> memref<1x128xi32, #tpu.memory_space<vmem>>
    %dma_start3A_59 = tpu.memref_squeeze %dma_start3A_58 : memref<1x128xi32, #tpu.memory_space<vmem>> -> memref<128xi32, #tpu.memory_space<vmem>>
    %dma_start3A_60 = arith.constant 0 : i32
    %dma_start3A_61 = arith.constant 0 : i32
    %dma_start3A_62 = tpu.memref_slice %arg2[%dma_start3A_60, %dma_start3A_61] : memref<1048576x16xi32, #tpu.memory_space<hbm>> -> memref<1048576x16xi32, #tpu.memory_space<hbm>>
    tpu.enqueue_indirect_dma source(%dma_start3A_62 : memref<1048576x16xi32, #tpu.memory_space<hbm>>) target(%dma_start3A_56 : memref<128x16xi32, #tpu.memory_space<vmem>>) offsets(%dma_start3A_59 : memref<128xi32, #tpu.memory_space<vmem>>) semaphore(%arg18 : memref<!tpu.dma_semaphore, #tpu.memory_space<semaphore_mem>>)
    %dma_start3A_63 = arith.constant 4 : i32
    %dma_start3A_64 = arith.constant 512 : i32
    %dma_start3A_65 = arith.constant 0 : i32
    %dma_start3A_66 = tpu.memref_slice %arg13[%dma_start3A_64, %dma_start3A_65] : memref<2560x16xi32, #tpu.memory_space<vmem>> -> memref<128x16xi32, #tpu.memory_space<vmem>>
    %dma_start3A_67 = arith.constant 0 : i32
    %dma_start3A_68 = tpu.memref_slice %arg11[%dma_start3A_63, %dma_start3A_67] : memref<40x128xi32, #tpu.memory_space<vmem>> -> memref<1x128xi32, #tpu.memory_space<vmem>>
    %dma_start3A_69 = tpu.memref_squeeze %dma_start3A_68 : memref<1x128xi32, #tpu.memory_space<vmem>> -> memref<128xi32, #tpu.memory_space<vmem>>
    %dma_start3A_70 = arith.constant 0 : i32
    %dma_start3A_71 = arith.constant 0 : i32
    %dma_start3A_72 = tpu.memref_slice %arg2[%dma_start3A_70, %dma_start3A_71] : memref<1048576x16xi32, #tpu.memory_space<hbm>> -> memref<1048576x16xi32, #tpu.memory_space<hbm>>
    tpu.enqueue_indirect_dma source(%dma_start3A_72 : memref<1048576x16xi32, #tpu.memory_space<hbm>>) target(%dma_start3A_66 : memref<128x16xi32, #tpu.memory_space<vmem>>) offsets(%dma_start3A_69 : memref<128xi32, #tpu.memory_space<vmem>>) semaphore(%arg18 : memref<!tpu.dma_semaphore, #tpu.memory_space<semaphore_mem>>)
    %dma_start3A_73 = arith.constant 5 : i32
    %dma_start3A_74 = arith.constant 640 : i32
    %dma_start3A_75 = arith.constant 0 : i32
    %dma_start3A_76 = tpu.memref_slice %arg13[%dma_start3A_74, %dma_start3A_75] : memref<2560x16xi32, #tpu.memory_space<vmem>> -> memref<128x16xi32, #tpu.memory_space<vmem>>
    %dma_start3A_77 = arith.constant 0 : i32
    %dma_start3A_78 = tpu.memref_slice %arg11[%dma_start3A_73, %dma_start3A_77] : memref<40x128xi32, #tpu.memory_space<vmem>> -> memref<1x128xi32, #tpu.memory_space<vmem>>
    %dma_start3A_79 = tpu.memref_squeeze %dma_start3A_78 : memref<1x128xi32, #tpu.memory_space<vmem>> -> memref<128xi32, #tpu.memory_space<vmem>>
    %dma_start3A_80 = arith.constant 0 : i32
    %dma_start3A_81 = arith.constant 0 : i32
    %dma_start3A_82 = tpu.memref_slice %arg2[%dma_start3A_80, %dma_start3A_81] : memref<1048576x16xi32, #tpu.memory_space<hbm>> -> memref<1048576x16xi32, #tpu.memory_space<hbm>>
    tpu.enqueue_indirect_dma source(%dma_start3A_82 : memref<1048576x16xi32, #tpu.memory_space<hbm>>) target(%dma_start3A_76 : memref<128x16xi32, #tpu.memory_space<vmem>>) offsets(%dma_start3A_79 : memref<128xi32, #tpu.memory_space<vmem>>) semaphore(%arg18 : memref<!tpu.dma_semaphore, #tpu.memory_space<semaphore_mem>>)
    %dma_start3A_83 = arith.constant 6 : i32
    %dma_start3A_84 = arith.constant 768 : i32
    %dma_start3A_85 = arith.constant 0 : i32
    %dma_start3A_86 = tpu.memref_slice %arg13[%dma_start3A_84, %dma_start3A_85] : memref<2560x16xi32, #tpu.memory_space<vmem>> -> memref<128x16xi32, #tpu.memory_space<vmem>>
    %dma_start3A_87 = arith.constant 0 : i32
    %dma_start3A_88 = tpu.memref_slice %arg11[%dma_start3A_83, %dma_start3A_87] : memref<40x128xi32, #tpu.memory_space<vmem>> -> memref<1x128xi32, #tpu.memory_space<vmem>>
    %dma_start3A_89 = tpu.memref_squeeze %dma_start3A_88 : memref<1x128xi32, #tpu.memory_space<vmem>> -> memref<128xi32, #tpu.memory_space<vmem>>
    %dma_start3A_90 = arith.constant 0 : i32
    %dma_start3A_91 = arith.constant 0 : i32
    %dma_start3A_92 = tpu.memref_slice %arg2[%dma_start3A_90, %dma_start3A_91] : memref<1048576x16xi32, #tpu.memory_space<hbm>> -> memref<1048576x16xi32, #tpu.memory_space<hbm>>
    tpu.enqueue_indirect_dma source(%dma_start3A_92 : memref<1048576x16xi32, #tpu.memory_space<hbm>>) target(%dma_start3A_86 : memref<128x16xi32, #tpu.memory_space<vmem>>) offsets(%dma_start3A_89 : memref<128xi32, #tpu.memory_space<vmem>>) semaphore(%arg18 : memref<!tpu.dma_semaphore, #tpu.memory_space<semaphore_mem>>)
    %dma_start3A_93 = arith.constant 7 : i32
    %dma_start3A_94 = arith.constant 896 : i32
    %dma_start3A_95 = arith.constant 0 : i32
    %dma_start3A_96 = tpu.memref_slice %arg13[%dma_start3A_94, %dma_start3A_95] : memref<2560x16xi32, #tpu.memory_space<vmem>> -> memref<128x16xi32, #tpu.memory_space<vmem>>
    %dma_start3A_97 = arith.constant 0 : i32
    %dma_start3A_98 = tpu.memref_slice %arg11[%dma_start3A_93, %dma_start3A_97] : memref<40x128xi32, #tpu.memory_space<vmem>> -> memref<1x128xi32, #tpu.memory_space<vmem>>
    %dma_start3A_99 = tpu.memref_squeeze %dma_start3A_98 : memref<1x128xi32, #tpu.memory_space<vmem>> -> memref<128xi32, #tpu.memory_space<vmem>>
    %dma_start3A_100 = arith.constant 0 : i32
    %dma_start3A_101 = arith.constant 0 : i32
    %dma_start3A_102 = tpu.memref_slice %arg2[%dma_start3A_100, %dma_start3A_101] : memref<1048576x16xi32, #tpu.memory_space<hbm>> -> memref<1048576x16xi32, #tpu.memory_space<hbm>>
    tpu.enqueue_indirect_dma source(%dma_start3A_102 : memref<1048576x16xi32, #tpu.memory_space<hbm>>) target(%dma_start3A_96 : memref<128x16xi32, #tpu.memory_space<vmem>>) offsets(%dma_start3A_99 : memref<128xi32, #tpu.memory_space<vmem>>) semaphore(%arg18 : memref<!tpu.dma_semaphore, #tpu.memory_space<semaphore_mem>>)
    %dma_start3A_103 = arith.constant 8 : i32
    %dma_start3A_104 = arith.constant 1024 : i32
    %dma_start3A_105 = arith.constant 0 : i32
    %dma_start3A_106 = tpu.memref_slice %arg13[%dma_start3A_104, %dma_start3A_105] : memref<2560x16xi32, #tpu.memory_space<vmem>> -> memref<128x16xi32, #tpu.memory_space<vmem>>
    %dma_start3A_107 = arith.constant 0 : i32
    %dma_start3A_108 = tpu.memref_slice %arg11[%dma_start3A_103, %dma_start3A_107] : memref<40x128xi32, #tpu.memory_space<vmem>> -> memref<1x128xi32, #tpu.memory_space<vmem>>
    %dma_start3A_109 = tpu.memref_squeeze %dma_start3A_108 : memref<1x128xi32, #tpu.memory_space<vmem>> -> memref<128xi32, #tpu.memory_space<vmem>>
    %dma_start3A_110 = arith.constant 0 : i32
    %dma_start3A_111 = arith.constant 0 : i32
    %dma_start3A_112 = tpu.memref_slice %arg2[%dma_start3A_110, %dma_start3A_111] : memref<1048576x16xi32, #tpu.memory_space<hbm>> -> memref<1048576x16xi32, #tpu.memory_space<hbm>>
    tpu.enqueue_indirect_dma source(%dma_start3A_112 : memref<1048576x16xi32, #tpu.memory_space<hbm>>) target(%dma_start3A_106 : memref<128x16xi32, #tpu.memory_space<vmem>>) offsets(%dma_start3A_109 : memref<128xi32, #tpu.memory_space<vmem>>) semaphore(%arg18 : memref<!tpu.dma_semaphore, #tpu.memory_space<semaphore_mem>>)
    %dma_start3A_113 = arith.constant 9 : i32
    %dma_start3A_114 = arith.constant 1152 : i32
    %dma_start3A_115 = arith.constant 0 : i32
    %dma_start3A_116 = tpu.memref_slice %arg13[%dma_start3A_114, %dma_start3A_115] : memref<2560x16xi32, #tpu.memory_space<vmem>> -> memref<128x16xi32, #tpu.memory_space<vmem>>
    %dma_start3A_117 = arith.constant 0 : i32
    %dma_start3A_118 = tpu.memref_slice %arg11[%dma_start3A_113, %dma_start3A_117] : memref<40x128xi32, #tpu.memory_space<vmem>> -> memref<1x128xi32, #tpu.memory_space<vmem>>
    %dma_start3A_119 = tpu.memref_squeeze %dma_start3A_118 : memref<1x128xi32, #tpu.memory_space<vmem>> -> memref<128xi32, #tpu.memory_space<vmem>>
    %dma_start3A_120 = arith.constant 0 : i32
    %dma_start3A_121 = arith.constant 0 : i32
    %dma_start3A_122 = tpu.memref_slice %arg2[%dma_start3A_120, %dma_start3A_121] : memref<1048576x16xi32, #tpu.memory_space<hbm>> -> memref<1048576x16xi32, #tpu.memory_space<hbm>>
    tpu.enqueue_indirect_dma source(%dma_start3A_122 : memref<1048576x16xi32, #tpu.memory_space<hbm>>) target(%dma_start3A_116 : memref<128x16xi32, #tpu.memory_space<vmem>>) offsets(%dma_start3A_119 : memref<128xi32, #tpu.memory_space<vmem>>) semaphore(%arg18 : memref<!tpu.dma_semaphore, #tpu.memory_space<semaphore_mem>>)
    %dma_start3A_123 = arith.constant 10 : i32
    %dma_start3A_124 = arith.constant 1280 : i32
    %dma_start3A_125 = arith.constant 0 : i32
    %dma_start3A_126 = tpu.memref_slice %arg13[%dma_start3A_124, %dma_start3A_125] : memref<2560x16xi32, #tpu.memory_space<vmem>> -> memref<128x16xi32, #tpu.memory_space<vmem>>
    %dma_start3A_127 = arith.constant 0 : i32
    %dma_start3A_128 = tpu.memref_slice %arg11[%dma_start3A_123, %dma_start3A_127] : memref<40x128xi32, #tpu.memory_space<vmem>> -> memref<1x128xi32, #tpu.memory_space<vmem>>
    %dma_start3A_129 = tpu.memref_squeeze %dma_start3A_128 : memref<1x128xi32, #tpu.memory_space<vmem>> -> memref<128xi32, #tpu.memory_space<vmem>>
    %dma_start3A_130 = arith.constant 0 : i32
    %dma_start3A_131 = arith.constant 0 : i32
    %dma_start3A_132 = tpu.memref_slice %arg2[%dma_start3A_130, %dma_start3A_131] : memref<1048576x16xi32, #tpu.memory_space<hbm>> -> memref<1048576x16xi32, #tpu.memory_space<hbm>>
    tpu.enqueue_indirect_dma source(%dma_start3A_132 : memref<1048576x16xi32, #tpu.memory_space<hbm>>) target(%dma_start3A_126 : memref<128x16xi32, #tpu.memory_space<vmem>>) offsets(%dma_start3A_129 : memref<128xi32, #tpu.memory_space<vmem>>) semaphore(%arg18 : memref<!tpu.dma_semaphore, #tpu.memory_space<semaphore_mem>>)
    %dma_start3A_133 = arith.constant 11 : i32
    %dma_start3A_134 = arith.constant 1408 : i32
    %dma_start3A_135 = arith.constant 0 : i32
    %dma_start3A_136 = tpu.memref_slice %arg13[%dma_start3A_134, %dma_start3A_135] : memref<2560x16xi32, #tpu.memory_space<vmem>> -> memref<128x16xi32, #tpu.memory_space<vmem>>
    %dma_start3A_137 = arith.constant 0 : i32
    %dma_start3A_138 = tpu.memref_slice %arg11[%dma_start3A_133, %dma_start3A_137] : memref<40x128xi32, #tpu.memory_space<vmem>> -> memref<1x128xi32, #tpu.memory_space<vmem>>
    %dma_start3A_139 = tpu.memref_squeeze %dma_start3A_138 : memref<1x128xi32, #tpu.memory_space<vmem>> -> memref<128xi32, #tpu.memory_space<vmem>>
    %dma_start3A_140 = arith.constant 0 : i32
    %dma_start3A_141 = arith.constant 0 : i32
    %dma_start3A_142 = tpu.memref_slice %arg2[%dma_start3A_140, %dma_start3A_141] : memref<1048576x16xi32, #tpu.memory_space<hbm>> -> memref<1048576x16xi32, #tpu.memory_space<hbm>>
    tpu.enqueue_indirect_dma source(%dma_start3A_142 : memref<1048576x16xi32, #tpu.memory_space<hbm>>) target(%dma_start3A_136 : memref<128x16xi32, #tpu.memory_space<vmem>>) offsets(%dma_start3A_139 : memref<128xi32, #tpu.memory_space<vmem>>) semaphore(%arg18 : memref<!tpu.dma_semaphore, #tpu.memory_space<semaphore_mem>>)
    %dma_start3A_143 = arith.constant 12 : i32
    %dma_start3A_144 = arith.constant 1536 : i32
    %dma_start3A_145 = arith.constant 0 : i32
    %dma_start3A_146 = tpu.memref_slice %arg13[%dma_start3A_144, %dma_start3A_145] : memref<2560x16xi32, #tpu.memory_space<vmem>> -> memref<128x16xi32, #tpu.memory_space<vmem>>
    %dma_start3A_147 = arith.constant 0 : i32
    %dma_start3A_148 = tpu.memref_slice %arg11[%dma_start3A_143, %dma_start3A_147] : memref<40x128xi32, #tpu.memory_space<vmem>> -> memref<1x128xi32, #tpu.memory_space<vmem>>
    %dma_start3A_149 = tpu.memref_squeeze %dma_start3A_148 : memref<1x128xi32, #tpu.memory_space<vmem>> -> memref<128xi32, #tpu.memory_space<vmem>>
    %dma_start3A_150 = arith.constant 0 : i32
    %dma_start3A_151 = arith.constant 0 : i32
    %dma_start3A_152 = tpu.memref_slice %arg2[%dma_start3A_150, %dma_start3A_151] : memref<1048576x16xi32, #tpu.memory_space<hbm>> -> memref<1048576x16xi32, #tpu.memory_space<hbm>>
    tpu.enqueue_indirect_dma source(%dma_start3A_152 : memref<1048576x16xi32, #tpu.memory_space<hbm>>) target(%dma_start3A_146 : memref<128x16xi32, #tpu.memory_space<vmem>>) offsets(%dma_start3A_149 : memref<128xi32, #tpu.memory_space<vmem>>) semaphore(%arg18 : memref<!tpu.dma_semaphore, #tpu.memory_space<semaphore_mem>>)
    %dma_start3A_153 = arith.constant 13 : i32
    %dma_start3A_154 = arith.constant 1664 : i32
    %dma_start3A_155 = arith.constant 0 : i32
    %dma_start3A_156 = tpu.memref_slice %arg13[%dma_start3A_154, %dma_start3A_155] : memref<2560x16xi32, #tpu.memory_space<vmem>> -> memref<128x16xi32, #tpu.memory_space<vmem>>
    %dma_start3A_157 = arith.constant 0 : i32
    %dma_start3A_158 = tpu.memref_slice %arg11[%dma_start3A_153, %dma_start3A_157] : memref<40x128xi32, #tpu.memory_space<vmem>> -> memref<1x128xi32, #tpu.memory_space<vmem>>
    %dma_start3A_159 = tpu.memref_squeeze %dma_start3A_158 : memref<1x128xi32, #tpu.memory_space<vmem>> -> memref<128xi32, #tpu.memory_space<vmem>>
    %dma_start3A_160 = arith.constant 0 : i32
    %dma_start3A_161 = arith.constant 0 : i32
    %dma_start3A_162 = tpu.memref_slice %arg2[%dma_start3A_160, %dma_start3A_161] : memref<1048576x16xi32, #tpu.memory_space<hbm>> -> memref<1048576x16xi32, #tpu.memory_space<hbm>>
    tpu.enqueue_indirect_dma source(%dma_start3A_162 : memref<1048576x16xi32, #tpu.memory_space<hbm>>) target(%dma_start3A_156 : memref<128x16xi32, #tpu.memory_space<vmem>>) offsets(%dma_start3A_159 : memref<128xi32, #tpu.memory_space<vmem>>) semaphore(%arg18 : memref<!tpu.dma_semaphore, #tpu.memory_space<semaphore_mem>>)
    %dma_start3A_163 = arith.constant 14 : i32
    %dma_start3A_164 = arith.constant 1792 : i32
    %dma_start3A_165 = arith.constant 0 : i32
    %dma_start3A_166 = tpu.memref_slice %arg13[%dma_start3A_164, %dma_start3A_165] : memref<2560x16xi32, #tpu.memory_space<vmem>> -> memref<128x16xi32, #tpu.memory_space<vmem>>
    %dma_start3A_167 = arith.constant 0 : i32
    %dma_start3A_168 = tpu.memref_slice %arg11[%dma_start3A_163, %dma_start3A_167] : memref<40x128xi32, #tpu.memory_space<vmem>> -> memref<1x128xi32, #tpu.memory_space<vmem>>
    %dma_start3A_169 = tpu.memref_squeeze %dma_start3A_168 : memref<1x128xi32, #tpu.memory_space<vmem>> -> memref<128xi32, #tpu.memory_space<vmem>>
    %dma_start3A_170 = arith.constant 0 : i32
    %dma_start3A_171 = arith.constant 0 : i32
    %dma_start3A_172 = tpu.memref_slice %arg2[%dma_start3A_170, %dma_start3A_171] : memref<1048576x16xi32, #tpu.memory_space<hbm>> -> memref<1048576x16xi32, #tpu.memory_space<hbm>>
    tpu.enqueue_indirect_dma source(%dma_start3A_172 : memref<1048576x16xi32, #tpu.memory_space<hbm>>) target(%dma_start3A_166 : memref<128x16xi32, #tpu.memory_space<vmem>>) offsets(%dma_start3A_169 : memref<128xi32, #tpu.memory_space<vmem>>) semaphore(%arg18 : memref<!tpu.dma_semaphore, #tpu.memory_space<semaphore_mem>>)
    %dma_start3A_173 = arith.constant 15 : i32
    %dma_start3A_174 = arith.constant 1920 : i32
    %dma_start3A_175 = arith.constant 0 : i32
    %dma_start3A_176 = tpu.memref_slice %arg13[%dma_start3A_174, %dma_start3A_175] : memref<2560x16xi32, #tpu.memory_space<vmem>> -> memref<128x16xi32, #tpu.memory_space<vmem>>
    %dma_start3A_177 = arith.constant 0 : i32
    %dma_start3A_178 = tpu.memref_slice %arg11[%dma_start3A_173, %dma_start3A_177] : memref<40x128xi32, #tpu.memory_space<vmem>> -> memref<1x128xi32, #tpu.memory_space<vmem>>
    %dma_start3A_179 = tpu.memref_squeeze %dma_start3A_178 : memref<1x128xi32, #tpu.memory_space<vmem>> -> memref<128xi32, #tpu.memory_space<vmem>>
    %dma_start3A_180 = arith.constant 0 : i32
    %dma_start3A_181 = arith.constant 0 : i32
    %dma_start3A_182 = tpu.memref_slice %arg2[%dma_start3A_180, %dma_start3A_181] : memref<1048576x16xi32, #tpu.memory_space<hbm>> -> memref<1048576x16xi32, #tpu.memory_space<hbm>>
    tpu.enqueue_indirect_dma source(%dma_start3A_182 : memref<1048576x16xi32, #tpu.memory_space<hbm>>) target(%dma_start3A_176 : memref<128x16xi32, #tpu.memory_space<vmem>>) offsets(%dma_start3A_179 : memref<128xi32, #tpu.memory_space<vmem>>) semaphore(%arg18 : memref<!tpu.dma_semaphore, #tpu.memory_space<semaphore_mem>>)
    %dma_start3A_183 = arith.constant 16 : i32
    %dma_start3A_184 = arith.constant 2048 : i32
    %dma_start3A_185 = arith.constant 0 : i32
    %dma_start3A_186 = tpu.memref_slice %arg13[%dma_start3A_184, %dma_start3A_185] : memref<2560x16xi32, #tpu.memory_space<vmem>> -> memref<128x16xi32, #tpu.memory_space<vmem>>
    %dma_start3A_187 = arith.constant 0 : i32
    %dma_start3A_188 = tpu.memref_slice %arg11[%dma_start3A_183, %dma_start3A_187] : memref<40x128xi32, #tpu.memory_space<vmem>> -> memref<1x128xi32, #tpu.memory_space<vmem>>
    %dma_start3A_189 = tpu.memref_squeeze %dma_start3A_188 : memref<1x128xi32, #tpu.memory_space<vmem>> -> memref<128xi32, #tpu.memory_space<vmem>>
    %dma_start3A_190 = arith.constant 0 : i32
    %dma_start3A_191 = arith.constant 0 : i32
    %dma_start3A_192 = tpu.memref_slice %arg2[%dma_start3A_190, %dma_start3A_191] : memref<1048576x16xi32, #tpu.memory_space<hbm>> -> memref<1048576x16xi32, #tpu.memory_space<hbm>>
    tpu.enqueue_indirect_dma source(%dma_start3A_192 : memref<1048576x16xi32, #tpu.memory_space<hbm>>) target(%dma_start3A_186 : memref<128x16xi32, #tpu.memory_space<vmem>>) offsets(%dma_start3A_189 : memref<128xi32, #tpu.memory_space<vmem>>) semaphore(%arg18 : memref<!tpu.dma_semaphore, #tpu.memory_space<semaphore_mem>>)
    %dma_start3A_193 = arith.constant 17 : i32
    %dma_start3A_194 = arith.constant 2176 : i32
    %dma_start3A_195 = arith.constant 0 : i32
    %dma_start3A_196 = tpu.memref_slice %arg13[%dma_start3A_194, %dma_start3A_195] : memref<2560x16xi32, #tpu.memory_space<vmem>> -> memref<128x16xi32, #tpu.memory_space<vmem>>
    %dma_start3A_197 = arith.constant 0 : i32
    %dma_start3A_198 = tpu.memref_slice %arg11[%dma_start3A_193, %dma_start3A_197] : memref<40x128xi32, #tpu.memory_space<vmem>> -> memref<1x128xi32, #tpu.memory_space<vmem>>
    %dma_start3A_199 = tpu.memref_squeeze %dma_start3A_198 : memref<1x128xi32, #tpu.memory_space<vmem>> -> memref<128xi32, #tpu.memory_space<vmem>>
    %dma_start3A_200 = arith.constant 0 : i32
    %dma_start3A_201 = arith.constant 0 : i32
    %dma_start3A_202 = tpu.memref_slice %arg2[%dma_start3A_200, %dma_start3A_201] : memref<1048576x16xi32, #tpu.memory_space<hbm>> -> memref<1048576x16xi32, #tpu.memory_space<hbm>>
    tpu.enqueue_indirect_dma source(%dma_start3A_202 : memref<1048576x16xi32, #tpu.memory_space<hbm>>) target(%dma_start3A_196 : memref<128x16xi32, #tpu.memory_space<vmem>>) offsets(%dma_start3A_199 : memref<128xi32, #tpu.memory_space<vmem>>) semaphore(%arg18 : memref<!tpu.dma_semaphore, #tpu.memory_space<semaphore_mem>>)
    %dma_start3A_203 = arith.constant 18 : i32
    %dma_start3A_204 = arith.constant 2304 : i32
    %dma_start3A_205 = arith.constant 0 : i32
    %dma_start3A_206 = tpu.memref_slice %arg13[%dma_start3A_204, %dma_start3A_205] : memref<2560x16xi32, #tpu.memory_space<vmem>> -> memref<128x16xi32, #tpu.memory_space<vmem>>
    %dma_start3A_207 = arith.constant 0 : i32
    %dma_start3A_208 = tpu.memref_slice %arg11[%dma_start3A_203, %dma_start3A_207] : memref<40x128xi32, #tpu.memory_space<vmem>> -> memref<1x128xi32, #tpu.memory_space<vmem>>
    %dma_start3A_209 = tpu.memref_squeeze %dma_start3A_208 : memref<1x128xi32, #tpu.memory_space<vmem>> -> memref<128xi32, #tpu.memory_space<vmem>>
    %dma_start3A_210 = arith.constant 0 : i32
    %dma_start3A_211 = arith.constant 0 : i32
    %dma_start3A_212 = tpu.memref_slice %arg2[%dma_start3A_210, %dma_start3A_211] : memref<1048576x16xi32, #tpu.memory_space<hbm>> -> memref<1048576x16xi32, #tpu.memory_space<hbm>>
    tpu.enqueue_indirect_dma source(%dma_start3A_212 : memref<1048576x16xi32, #tpu.memory_space<hbm>>) target(%dma_start3A_206 : memref<128x16xi32, #tpu.memory_space<vmem>>) offsets(%dma_start3A_209 : memref<128xi32, #tpu.memory_space<vmem>>) semaphore(%arg18 : memref<!tpu.dma_semaphore, #tpu.memory_space<semaphore_mem>>)
    %dma_start3A_213 = arith.constant 19 : i32
    %dma_start3A_214 = arith.constant 2432 : i32
    %dma_start3A_215 = arith.constant 0 : i32
    %dma_start3A_216 = tpu.memref_slice %arg13[%dma_start3A_214, %dma_start3A_215] : memref<2560x16xi32, #tpu.memory_space<vmem>> -> memref<128x16xi32, #tpu.memory_space<vmem>>
    %dma_start3A_217 = arith.constant 0 : i32
    %dma_start3A_218 = tpu.memref_slice %arg11[%dma_start3A_213, %dma_start3A_217] : memref<40x128xi32, #tpu.memory_space<vmem>> -> memref<1x128xi32, #tpu.memory_space<vmem>>
    %dma_start3A_219 = tpu.memref_squeeze %dma_start3A_218 : memref<1x128xi32, #tpu.memory_space<vmem>> -> memref<128xi32, #tpu.memory_space<vmem>>
    %dma_start3A_220 = arith.constant 0 : i32
    %dma_start3A_221 = arith.constant 0 : i32
    %dma_start3A_222 = tpu.memref_slice %arg2[%dma_start3A_220, %dma_start3A_221] : memref<1048576x16xi32, #tpu.memory_space<hbm>> -> memref<1048576x16xi32, #tpu.memory_space<hbm>>
    tpu.enqueue_indirect_dma source(%dma_start3A_222 : memref<1048576x16xi32, #tpu.memory_space<hbm>>) target(%dma_start3A_216 : memref<128x16xi32, #tpu.memory_space<vmem>>) offsets(%dma_start3A_219 : memref<128xi32, #tpu.memory_space<vmem>>) semaphore(%arg18 : memref<!tpu.dma_semaphore, #tpu.memory_space<semaphore_mem>>)
    %dma_start3A_223 = arith.constant 20 : i32
    %dma_start3A_224 = arith.constant 0 : i32
    %dma_start3A_225 = arith.constant 0 : i32
    %dma_start3A_226 = tpu.memref_slice %arg14[%dma_start3A_224, %dma_start3A_225] : memref<2560x16xi32, #tpu.memory_space<vmem>> -> memref<128x16xi32, #tpu.memory_space<vmem>>
    %dma_start3A_227 = arith.constant 0 : i32
    %dma_start3A_228 = tpu.memref_slice %arg11[%dma_start3A_223, %dma_start3A_227] : memref<40x128xi32, #tpu.memory_space<vmem>> -> memref<1x128xi32, #tpu.memory_space<vmem>>
    %dma_start3A_229 = tpu.memref_squeeze %dma_start3A_228 : memref<1x128xi32, #tpu.memory_space<vmem>> -> memref<128xi32, #tpu.memory_space<vmem>>
    %dma_start3A_230 = arith.constant 0 : i32
    %dma_start3A_231 = arith.constant 0 : i32
    %dma_start3A_232 = tpu.memref_slice %arg2[%dma_start3A_230, %dma_start3A_231] : memref<1048576x16xi32, #tpu.memory_space<hbm>> -> memref<1048576x16xi32, #tpu.memory_space<hbm>>
    tpu.enqueue_indirect_dma source(%dma_start3A_232 : memref<1048576x16xi32, #tpu.memory_space<hbm>>) target(%dma_start3A_226 : memref<128x16xi32, #tpu.memory_space<vmem>>) offsets(%dma_start3A_229 : memref<128xi32, #tpu.memory_space<vmem>>) semaphore(%arg19 : memref<!tpu.dma_semaphore, #tpu.memory_space<semaphore_mem>>)
    %dma_start3A_233 = arith.constant 21 : i32
    %dma_start3A_234 = arith.constant 128 : i32
    %dma_start3A_235 = arith.constant 0 : i32
    %dma_start3A_236 = tpu.memref_slice %arg14[%dma_start3A_234, %dma_start3A_235] : memref<2560x16xi32, #tpu.memory_space<vmem>> -> memref<128x16xi32, #tpu.memory_space<vmem>>
    %dma_start3A_237 = arith.constant 0 : i32
    %dma_start3A_238 = tpu.memref_slice %arg11[%dma_start3A_233, %dma_start3A_237] : memref<40x128xi32, #tpu.memory_space<vmem>> -> memref<1x128xi32, #tpu.memory_space<vmem>>
    %dma_start3A_239 = tpu.memref_squeeze %dma_start3A_238 : memref<1x128xi32, #tpu.memory_space<vmem>> -> memref<128xi32, #tpu.memory_space<vmem>>
    %dma_start3A_240 = arith.constant 0 : i32
    %dma_start3A_241 = arith.constant 0 : i32
    %dma_start3A_242 = tpu.memref_slice %arg2[%dma_start3A_240, %dma_start3A_241] : memref<1048576x16xi32, #tpu.memory_space<hbm>> -> memref<1048576x16xi32, #tpu.memory_space<hbm>>
    tpu.enqueue_indirect_dma source(%dma_start3A_242 : memref<1048576x16xi32, #tpu.memory_space<hbm>>) target(%dma_start3A_236 : memref<128x16xi32, #tpu.memory_space<vmem>>) offsets(%dma_start3A_239 : memref<128xi32, #tpu.memory_space<vmem>>) semaphore(%arg19 : memref<!tpu.dma_semaphore, #tpu.memory_space<semaphore_mem>>)
    %dma_start3A_243 = arith.constant 22 : i32
    %dma_start3A_244 = arith.constant 256 : i32
    %dma_start3A_245 = arith.constant 0 : i32
    %dma_start3A_246 = tpu.memref_slice %arg14[%dma_start3A_244, %dma_start3A_245] : memref<2560x16xi32, #tpu.memory_space<vmem>> -> memref<128x16xi32, #tpu.memory_space<vmem>>
    %dma_start3A_247 = arith.constant 0 : i32
    %dma_start3A_248 = tpu.memref_slice %arg11[%dma_start3A_243, %dma_start3A_247] : memref<40x128xi32, #tpu.memory_space<vmem>> -> memref<1x128xi32, #tpu.memory_space<vmem>>
    %dma_start3A_249 = tpu.memref_squeeze %dma_start3A_248 : memref<1x128xi32, #tpu.memory_space<vmem>> -> memref<128xi32, #tpu.memory_space<vmem>>
    %dma_start3A_250 = arith.constant 0 : i32
    %dma_start3A_251 = arith.constant 0 : i32
    %dma_start3A_252 = tpu.memref_slice %arg2[%dma_start3A_250, %dma_start3A_251] : memref<1048576x16xi32, #tpu.memory_space<hbm>> -> memref<1048576x16xi32, #tpu.memory_space<hbm>>
    tpu.enqueue_indirect_dma source(%dma_start3A_252 : memref<1048576x16xi32, #tpu.memory_space<hbm>>) target(%dma_start3A_246 : memref<128x16xi32, #tpu.memory_space<vmem>>) offsets(%dma_start3A_249 : memref<128xi32, #tpu.memory_space<vmem>>) semaphore(%arg19 : memref<!tpu.dma_semaphore, #tpu.memory_space<semaphore_mem>>)
    %dma_start3A_253 = arith.constant 23 : i32
    %dma_start3A_254 = arith.constant 384 : i32
    %dma_start3A_255 = arith.constant 0 : i32
    %dma_start3A_256 = tpu.memref_slice %arg14[%dma_start3A_254, %dma_start3A_255] : memref<2560x16xi32, #tpu.memory_space<vmem>> -> memref<128x16xi32, #tpu.memory_space<vmem>>
    %dma_start3A_257 = arith.constant 0 : i32
    %dma_start3A_258 = tpu.memref_slice %arg11[%dma_start3A_253, %dma_start3A_257] : memref<40x128xi32, #tpu.memory_space<vmem>> -> memref<1x128xi32, #tpu.memory_space<vmem>>
    %dma_start3A_259 = tpu.memref_squeeze %dma_start3A_258 : memref<1x128xi32, #tpu.memory_space<vmem>> -> memref<128xi32, #tpu.memory_space<vmem>>
    %dma_start3A_260 = arith.constant 0 : i32
    %dma_start3A_261 = arith.constant 0 : i32
    %dma_start3A_262 = tpu.memref_slice %arg2[%dma_start3A_260, %dma_start3A_261] : memref<1048576x16xi32, #tpu.memory_space<hbm>> -> memref<1048576x16xi32, #tpu.memory_space<hbm>>
    tpu.enqueue_indirect_dma source(%dma_start3A_262 : memref<1048576x16xi32, #tpu.memory_space<hbm>>) target(%dma_start3A_256 : memref<128x16xi32, #tpu.memory_space<vmem>>) offsets(%dma_start3A_259 : memref<128xi32, #tpu.memory_space<vmem>>) semaphore(%arg19 : memref<!tpu.dma_semaphore, #tpu.memory_space<semaphore_mem>>)
    %dma_start3A_263 = arith.constant 24 : i32
    %dma_start3A_264 = arith.constant 512 : i32
    %dma_start3A_265 = arith.constant 0 : i32
    %dma_start3A_266 = tpu.memref_slice %arg14[%dma_start3A_264, %dma_start3A_265] : memref<2560x16xi32, #tpu.memory_space<vmem>> -> memref<128x16xi32, #tpu.memory_space<vmem>>
    %dma_start3A_267 = arith.constant 0 : i32
    %dma_start3A_268 = tpu.memref_slice %arg11[%dma_start3A_263, %dma_start3A_267] : memref<40x128xi32, #tpu.memory_space<vmem>> -> memref<1x128xi32, #tpu.memory_space<vmem>>
    %dma_start3A_269 = tpu.memref_squeeze %dma_start3A_268 : memref<1x128xi32, #tpu.memory_space<vmem>> -> memref<128xi32, #tpu.memory_space<vmem>>
    %dma_start3A_270 = arith.constant 0 : i32
    %dma_start3A_271 = arith.constant 0 : i32
    %dma_start3A_272 = tpu.memref_slice %arg2[%dma_start3A_270, %dma_start3A_271] : memref<1048576x16xi32, #tpu.memory_space<hbm>> -> memref<1048576x16xi32, #tpu.memory_space<hbm>>
    tpu.enqueue_indirect_dma source(%dma_start3A_272 : memref<1048576x16xi32, #tpu.memory_space<hbm>>) target(%dma_start3A_266 : memref<128x16xi32, #tpu.memory_space<vmem>>) offsets(%dma_start3A_269 : memref<128xi32, #tpu.memory_space<vmem>>) semaphore(%arg19 : memref<!tpu.dma_semaphore, #tpu.memory_space<semaphore_mem>>)
    %dma_start3A_273 = arith.constant 25 : i32
    %dma_start3A_274 = arith.constant 640 : i32
    %dma_start3A_275 = arith.constant 0 : i32
    %dma_start3A_276 = tpu.memref_slice %arg14[%dma_start3A_274, %dma_start3A_275] : memref<2560x16xi32, #tpu.memory_space<vmem>> -> memref<128x16xi32, #tpu.memory_space<vmem>>
    %dma_start3A_277 = arith.constant 0 : i32
    %dma_start3A_278 = tpu.memref_slice %arg11[%dma_start3A_273, %dma_start3A_277] : memref<40x128xi32, #tpu.memory_space<vmem>> -> memref<1x128xi32, #tpu.memory_space<vmem>>
    %dma_start3A_279 = tpu.memref_squeeze %dma_start3A_278 : memref<1x128xi32, #tpu.memory_space<vmem>> -> memref<128xi32, #tpu.memory_space<vmem>>
    %dma_start3A_280 = arith.constant 0 : i32
    %dma_start3A_281 = arith.constant 0 : i32
    %dma_start3A_282 = tpu.memref_slice %arg2[%dma_start3A_280, %dma_start3A_281] : memref<1048576x16xi32, #tpu.memory_space<hbm>> -> memref<1048576x16xi32, #tpu.memory_space<hbm>>
    tpu.enqueue_indirect_dma source(%dma_start3A_282 : memref<1048576x16xi32, #tpu.memory_space<hbm>>) target(%dma_start3A_276 : memref<128x16xi32, #tpu.memory_space<vmem>>) offsets(%dma_start3A_279 : memref<128xi32, #tpu.memory_space<vmem>>) semaphore(%arg19 : memref<!tpu.dma_semaphore, #tpu.memory_space<semaphore_mem>>)
    %dma_start3A_283 = arith.constant 26 : i32
    %dma_start3A_284 = arith.constant 768 : i32
    %dma_start3A_285 = arith.constant 0 : i32
    %dma_start3A_286 = tpu.memref_slice %arg14[%dma_start3A_284, %dma_start3A_285] : memref<2560x16xi32, #tpu.memory_space<vmem>> -> memref<128x16xi32, #tpu.memory_space<vmem>>
    %dma_start3A_287 = arith.constant 0 : i32
    %dma_start3A_288 = tpu.memref_slice %arg11[%dma_start3A_283, %dma_start3A_287] : memref<40x128xi32, #tpu.memory_space<vmem>> -> memref<1x128xi32, #tpu.memory_space<vmem>>
    %dma_start3A_289 = tpu.memref_squeeze %dma_start3A_288 : memref<1x128xi32, #tpu.memory_space<vmem>> -> memref<128xi32, #tpu.memory_space<vmem>>
    %dma_start3A_290 = arith.constant 0 : i32
    %dma_start3A_291 = arith.constant 0 : i32
    %dma_start3A_292 = tpu.memref_slice %arg2[%dma_start3A_290, %dma_start3A_291] : memref<1048576x16xi32, #tpu.memory_space<hbm>> -> memref<1048576x16xi32, #tpu.memory_space<hbm>>
    tpu.enqueue_indirect_dma source(%dma_start3A_292 : memref<1048576x16xi32, #tpu.memory_space<hbm>>) target(%dma_start3A_286 : memref<128x16xi32, #tpu.memory_space<vmem>>) offsets(%dma_start3A_289 : memref<128xi32, #tpu.memory_space<vmem>>) semaphore(%arg19 : memref<!tpu.dma_semaphore, #tpu.memory_space<semaphore_mem>>)
    %dma_start3A_293 = arith.constant 27 : i32
    %dma_start3A_294 = arith.constant 896 : i32
    %dma_start3A_295 = arith.constant 0 : i32
    %dma_start3A_296 = tpu.memref_slice %arg14[%dma_start3A_294, %dma_start3A_295] : memref<2560x16xi32, #tpu.memory_space<vmem>> -> memref<128x16xi32, #tpu.memory_space<vmem>>
    %dma_start3A_297 = arith.constant 0 : i32
    %dma_start3A_298 = tpu.memref_slice %arg11[%dma_start3A_293, %dma_start3A_297] : memref<40x128xi32, #tpu.memory_space<vmem>> -> memref<1x128xi32, #tpu.memory_space<vmem>>
    %dma_start3A_299 = tpu.memref_squeeze %dma_start3A_298 : memref<1x128xi32, #tpu.memory_space<vmem>> -> memref<128xi32, #tpu.memory_space<vmem>>
    %dma_start3A_300 = arith.constant 0 : i32
    %dma_start3A_301 = arith.constant 0 : i32
    %dma_start3A_302 = tpu.memref_slice %arg2[%dma_start3A_300, %dma_start3A_301] : memref<1048576x16xi32, #tpu.memory_space<hbm>> -> memref<1048576x16xi32, #tpu.memory_space<hbm>>
    tpu.enqueue_indirect_dma source(%dma_start3A_302 : memref<1048576x16xi32, #tpu.memory_space<hbm>>) target(%dma_start3A_296 : memref<128x16xi32, #tpu.memory_space<vmem>>) offsets(%dma_start3A_299 : memref<128xi32, #tpu.memory_space<vmem>>) semaphore(%arg19 : memref<!tpu.dma_semaphore, #tpu.memory_space<semaphore_mem>>)
    %dma_start3A_303 = arith.constant 28 : i32
    %dma_start3A_304 = arith.constant 1024 : i32
    %dma_start3A_305 = arith.constant 0 : i32
    %dma_start3A_306 = tpu.memref_slice %arg14[%dma_start3A_304, %dma_start3A_305] : memref<2560x16xi32, #tpu.memory_space<vmem>> -> memref<128x16xi32, #tpu.memory_space<vmem>>
    %dma_start3A_307 = arith.constant 0 : i32
    %dma_start3A_308 = tpu.memref_slice %arg11[%dma_start3A_303, %dma_start3A_307] : memref<40x128xi32, #tpu.memory_space<vmem>> -> memref<1x128xi32, #tpu.memory_space<vmem>>
    %dma_start3A_309 = tpu.memref_squeeze %dma_start3A_308 : memref<1x128xi32, #tpu.memory_space<vmem>> -> memref<128xi32, #tpu.memory_space<vmem>>
    %dma_start3A_310 = arith.constant 0 : i32
    %dma_start3A_311 = arith.constant 0 : i32
    %dma_start3A_312 = tpu.memref_slice %arg2[%dma_start3A_310, %dma_start3A_311] : memref<1048576x16xi32, #tpu.memory_space<hbm>> -> memref<1048576x16xi32, #tpu.memory_space<hbm>>
    tpu.enqueue_indirect_dma source(%dma_start3A_312 : memref<1048576x16xi32, #tpu.memory_space<hbm>>) target(%dma_start3A_306 : memref<128x16xi32, #tpu.memory_space<vmem>>) offsets(%dma_start3A_309 : memref<128xi32, #tpu.memory_space<vmem>>) semaphore(%arg19 : memref<!tpu.dma_semaphore, #tpu.memory_space<semaphore_mem>>)
    %dma_start3A_313 = arith.constant 29 : i32
    %dma_start3A_314 = arith.constant 1152 : i32
    %dma_start3A_315 = arith.constant 0 : i32
    %dma_start3A_316 = tpu.memref_slice %arg14[%dma_start3A_314, %dma_start3A_315] : memref<2560x16xi32, #tpu.memory_space<vmem>> -> memref<128x16xi32, #tpu.memory_space<vmem>>
    %dma_start3A_317 = arith.constant 0 : i32
    %dma_start3A_318 = tpu.memref_slice %arg11[%dma_start3A_313, %dma_start3A_317] : memref<40x128xi32, #tpu.memory_space<vmem>> -> memref<1x128xi32, #tpu.memory_space<vmem>>
    %dma_start3A_319 = tpu.memref_squeeze %dma_start3A_318 : memref<1x128xi32, #tpu.memory_space<vmem>> -> memref<128xi32, #tpu.memory_space<vmem>>
    %dma_start3A_320 = arith.constant 0 : i32
    %dma_start3A_321 = arith.constant 0 : i32
    %dma_start3A_322 = tpu.memref_slice %arg2[%dma_start3A_320, %dma_start3A_321] : memref<1048576x16xi32, #tpu.memory_space<hbm>> -> memref<1048576x16xi32, #tpu.memory_space<hbm>>
    tpu.enqueue_indirect_dma source(%dma_start3A_322 : memref<1048576x16xi32, #tpu.memory_space<hbm>>) target(%dma_start3A_316 : memref<128x16xi32, #tpu.memory_space<vmem>>) offsets(%dma_start3A_319 : memref<128xi32, #tpu.memory_space<vmem>>) semaphore(%arg19 : memref<!tpu.dma_semaphore, #tpu.memory_space<semaphore_mem>>)
    %dma_start3A_323 = arith.constant 30 : i32
    %dma_start3A_324 = arith.constant 1280 : i32
    %dma_start3A_325 = arith.constant 0 : i32
    %dma_start3A_326 = tpu.memref_slice %arg14[%dma_start3A_324, %dma_start3A_325] : memref<2560x16xi32, #tpu.memory_space<vmem>> -> memref<128x16xi32, #tpu.memory_space<vmem>>
    %dma_start3A_327 = arith.constant 0 : i32
    %dma_start3A_328 = tpu.memref_slice %arg11[%dma_start3A_323, %dma_start3A_327] : memref<40x128xi32, #tpu.memory_space<vmem>> -> memref<1x128xi32, #tpu.memory_space<vmem>>
    %dma_start3A_329 = tpu.memref_squeeze %dma_start3A_328 : memref<1x128xi32, #tpu.memory_space<vmem>> -> memref<128xi32, #tpu.memory_space<vmem>>
    %dma_start3A_330 = arith.constant 0 : i32
    %dma_start3A_331 = arith.constant 0 : i32
    %dma_start3A_332 = tpu.memref_slice %arg2[%dma_start3A_330, %dma_start3A_331] : memref<1048576x16xi32, #tpu.memory_space<hbm>> -> memref<1048576x16xi32, #tpu.memory_space<hbm>>
    tpu.enqueue_indirect_dma source(%dma_start3A_332 : memref<1048576x16xi32, #tpu.memory_space<hbm>>) target(%dma_start3A_326 : memref<128x16xi32, #tpu.memory_space<vmem>>) offsets(%dma_start3A_329 : memref<128xi32, #tpu.memory_space<vmem>>) semaphore(%arg19 : memref<!tpu.dma_semaphore, #tpu.memory_space<semaphore_mem>>)
    %dma_start3A_333 = arith.constant 31 : i32
    %dma_start3A_334 = arith.constant 1408 : i32
    %dma_start3A_335 = arith.constant 0 : i32
    %dma_start3A_336 = tpu.memref_slice %arg14[%dma_start3A_334, %dma_start3A_335] : memref<2560x16xi32, #tpu.memory_space<vmem>> -> memref<128x16xi32, #tpu.memory_space<vmem>>
    %dma_start3A_337 = arith.constant 0 : i32
    %dma_start3A_338 = tpu.memref_slice %arg11[%dma_start3A_333, %dma_start3A_337] : memref<40x128xi32, #tpu.memory_space<vmem>> -> memref<1x128xi32, #tpu.memory_space<vmem>>
    %dma_start3A_339 = tpu.memref_squeeze %dma_start3A_338 : memref<1x128xi32, #tpu.memory_space<vmem>> -> memref<128xi32, #tpu.memory_space<vmem>>
    %dma_start3A_340 = arith.constant 0 : i32
    %dma_start3A_341 = arith.constant 0 : i32
    %dma_start3A_342 = tpu.memref_slice %arg2[%dma_start3A_340, %dma_start3A_341] : memref<1048576x16xi32, #tpu.memory_space<hbm>> -> memref<1048576x16xi32, #tpu.memory_space<hbm>>
    tpu.enqueue_indirect_dma source(%dma_start3A_342 : memref<1048576x16xi32, #tpu.memory_space<hbm>>) target(%dma_start3A_336 : memref<128x16xi32, #tpu.memory_space<vmem>>) offsets(%dma_start3A_339 : memref<128xi32, #tpu.memory_space<vmem>>) semaphore(%arg19 : memref<!tpu.dma_semaphore, #tpu.memory_space<semaphore_mem>>)
    %dma_start3A_343 = arith.constant 32 : i32
    %dma_start3A_344 = arith.constant 1536 : i32
    %dma_start3A_345 = arith.constant 0 : i32
    %dma_start3A_346 = tpu.memref_slice %arg14[%dma_start3A_344, %dma_start3A_345] : memref<2560x16xi32, #tpu.memory_space<vmem>> -> memref<128x16xi32, #tpu.memory_space<vmem>>
    %dma_start3A_347 = arith.constant 0 : i32
    %dma_start3A_348 = tpu.memref_slice %arg11[%dma_start3A_343, %dma_start3A_347] : memref<40x128xi32, #tpu.memory_space<vmem>> -> memref<1x128xi32, #tpu.memory_space<vmem>>
    %dma_start3A_349 = tpu.memref_squeeze %dma_start3A_348 : memref<1x128xi32, #tpu.memory_space<vmem>> -> memref<128xi32, #tpu.memory_space<vmem>>
    %dma_start3A_350 = arith.constant 0 : i32
    %dma_start3A_351 = arith.constant 0 : i32
    %dma_start3A_352 = tpu.memref_slice %arg2[%dma_start3A_350, %dma_start3A_351] : memref<1048576x16xi32, #tpu.memory_space<hbm>> -> memref<1048576x16xi32, #tpu.memory_space<hbm>>
    tpu.enqueue_indirect_dma source(%dma_start3A_352 : memref<1048576x16xi32, #tpu.memory_space<hbm>>) target(%dma_start3A_346 : memref<128x16xi32, #tpu.memory_space<vmem>>) offsets(%dma_start3A_349 : memref<128xi32, #tpu.memory_space<vmem>>) semaphore(%arg19 : memref<!tpu.dma_semaphore, #tpu.memory_space<semaphore_mem>>)
    %dma_start3A_353 = arith.constant 33 : i32
    %dma_start3A_354 = arith.constant 1664 : i32
    %dma_start3A_355 = arith.constant 0 : i32
    %dma_start3A_356 = tpu.memref_slice %arg14[%dma_start3A_354, %dma_start3A_355] : memref<2560x16xi32, #tpu.memory_space<vmem>> -> memref<128x16xi32, #tpu.memory_space<vmem>>
    %dma_start3A_357 = arith.constant 0 : i32
    %dma_start3A_358 = tpu.memref_slice %arg11[%dma_start3A_353, %dma_start3A_357] : memref<40x128xi32, #tpu.memory_space<vmem>> -> memref<1x128xi32, #tpu.memory_space<vmem>>
    %dma_start3A_359 = tpu.memref_squeeze %dma_start3A_358 : memref<1x128xi32, #tpu.memory_space<vmem>> -> memref<128xi32, #tpu.memory_space<vmem>>
    %dma_start3A_360 = arith.constant 0 : i32
    %dma_start3A_361 = arith.constant 0 : i32
    %dma_start3A_362 = tpu.memref_slice %arg2[%dma_start3A_360, %dma_start3A_361] : memref<1048576x16xi32, #tpu.memory_space<hbm>> -> memref<1048576x16xi32, #tpu.memory_space<hbm>>
    tpu.enqueue_indirect_dma source(%dma_start3A_362 : memref<1048576x16xi32, #tpu.memory_space<hbm>>) target(%dma_start3A_356 : memref<128x16xi32, #tpu.memory_space<vmem>>) offsets(%dma_start3A_359 : memref<128xi32, #tpu.memory_space<vmem>>) semaphore(%arg19 : memref<!tpu.dma_semaphore, #tpu.memory_space<semaphore_mem>>)
    %dma_start3A_363 = arith.constant 34 : i32
    %dma_start3A_364 = arith.constant 1792 : i32
    %dma_start3A_365 = arith.constant 0 : i32
    %dma_start3A_366 = tpu.memref_slice %arg14[%dma_start3A_364, %dma_start3A_365] : memref<2560x16xi32, #tpu.memory_space<vmem>> -> memref<128x16xi32, #tpu.memory_space<vmem>>
    %dma_start3A_367 = arith.constant 0 : i32
    %dma_start3A_368 = tpu.memref_slice %arg11[%dma_start3A_363, %dma_start3A_367] : memref<40x128xi32, #tpu.memory_space<vmem>> -> memref<1x128xi32, #tpu.memory_space<vmem>>
    %dma_start3A_369 = tpu.memref_squeeze %dma_start3A_368 : memref<1x128xi32, #tpu.memory_space<vmem>> -> memref<128xi32, #tpu.memory_space<vmem>>
    %dma_start3A_370 = arith.constant 0 : i32
    %dma_start3A_371 = arith.constant 0 : i32
    %dma_start3A_372 = tpu.memref_slice %arg2[%dma_start3A_370, %dma_start3A_371] : memref<1048576x16xi32, #tpu.memory_space<hbm>> -> memref<1048576x16xi32, #tpu.memory_space<hbm>>
    tpu.enqueue_indirect_dma source(%dma_start3A_372 : memref<1048576x16xi32, #tpu.memory_space<hbm>>) target(%dma_start3A_366 : memref<128x16xi32, #tpu.memory_space<vmem>>) offsets(%dma_start3A_369 : memref<128xi32, #tpu.memory_space<vmem>>) semaphore(%arg19 : memref<!tpu.dma_semaphore, #tpu.memory_space<semaphore_mem>>)
    %dma_start3A_373 = arith.constant 35 : i32
    %dma_start3A_374 = arith.constant 1920 : i32
    %dma_start3A_375 = arith.constant 0 : i32
    %dma_start3A_376 = tpu.memref_slice %arg14[%dma_start3A_374, %dma_start3A_375] : memref<2560x16xi32, #tpu.memory_space<vmem>> -> memref<128x16xi32, #tpu.memory_space<vmem>>
    %dma_start3A_377 = arith.constant 0 : i32
    %dma_start3A_378 = tpu.memref_slice %arg11[%dma_start3A_373, %dma_start3A_377] : memref<40x128xi32, #tpu.memory_space<vmem>> -> memref<1x128xi32, #tpu.memory_space<vmem>>
    %dma_start3A_379 = tpu.memref_squeeze %dma_start3A_378 : memref<1x128xi32, #tpu.memory_space<vmem>> -> memref<128xi32, #tpu.memory_space<vmem>>
    %dma_start3A_380 = arith.constant 0 : i32
    %dma_start3A_381 = arith.constant 0 : i32
    %dma_start3A_382 = tpu.memref_slice %arg2[%dma_start3A_380, %dma_start3A_381] : memref<1048576x16xi32, #tpu.memory_space<hbm>> -> memref<1048576x16xi32, #tpu.memory_space<hbm>>
    tpu.enqueue_indirect_dma source(%dma_start3A_382 : memref<1048576x16xi32, #tpu.memory_space<hbm>>) target(%dma_start3A_376 : memref<128x16xi32, #tpu.memory_space<vmem>>) offsets(%dma_start3A_379 : memref<128xi32, #tpu.memory_space<vmem>>) semaphore(%arg19 : memref<!tpu.dma_semaphore, #tpu.memory_space<semaphore_mem>>)
    %dma_start3A_383 = arith.constant 36 : i32
    %dma_start3A_384 = arith.constant 2048 : i32
    %dma_start3A_385 = arith.constant 0 : i32
    %dma_start3A_386 = tpu.memref_slice %arg14[%dma_start3A_384, %dma_start3A_385] : memref<2560x16xi32, #tpu.memory_space<vmem>> -> memref<128x16xi32, #tpu.memory_space<vmem>>
    %dma_start3A_387 = arith.constant 0 : i32
    %dma_start3A_388 = tpu.memref_slice %arg11[%dma_start3A_383, %dma_start3A_387] : memref<40x128xi32, #tpu.memory_space<vmem>> -> memref<1x128xi32, #tpu.memory_space<vmem>>
    %dma_start3A_389 = tpu.memref_squeeze %dma_start3A_388 : memref<1x128xi32, #tpu.memory_space<vmem>> -> memref<128xi32, #tpu.memory_space<vmem>>
    %dma_start3A_390 = arith.constant 0 : i32
    %dma_start3A_391 = arith.constant 0 : i32
    %dma_start3A_392 = tpu.memref_slice %arg2[%dma_start3A_390, %dma_start3A_391] : memref<1048576x16xi32, #tpu.memory_space<hbm>> -> memref<1048576x16xi32, #tpu.memory_space<hbm>>
    tpu.enqueue_indirect_dma source(%dma_start3A_392 : memref<1048576x16xi32, #tpu.memory_space<hbm>>) target(%dma_start3A_386 : memref<128x16xi32, #tpu.memory_space<vmem>>) offsets(%dma_start3A_389 : memref<128xi32, #tpu.memory_space<vmem>>) semaphore(%arg19 : memref<!tpu.dma_semaphore, #tpu.memory_space<semaphore_mem>>)
    %dma_start3A_393 = arith.constant 37 : i32
    %dma_start3A_394 = arith.constant 2176 : i32
    %dma_start3A_395 = arith.constant 0 : i32
    %dma_start3A_396 = tpu.memref_slice %arg14[%dma_start3A_394, %dma_start3A_395] : memref<2560x16xi32, #tpu.memory_space<vmem>> -> memref<128x16xi32, #tpu.memory_space<vmem>>
    %dma_start3A_397 = arith.constant 0 : i32
    %dma_start3A_398 = tpu.memref_slice %arg11[%dma_start3A_393, %dma_start3A_397] : memref<40x128xi32, #tpu.memory_space<vmem>> -> memref<1x128xi32, #tpu.memory_space<vmem>>
    %dma_start3A_399 = tpu.memref_squeeze %dma_start3A_398 : memref<1x128xi32, #tpu.memory_space<vmem>> -> memref<128xi32, #tpu.memory_space<vmem>>
    %dma_start3A_400 = arith.constant 0 : i32
    %dma_start3A_401 = arith.constant 0 : i32
    %dma_start3A_402 = tpu.memref_slice %arg2[%dma_start3A_400, %dma_start3A_401] : memref<1048576x16xi32, #tpu.memory_space<hbm>> -> memref<1048576x16xi32, #tpu.memory_space<hbm>>
    tpu.enqueue_indirect_dma source(%dma_start3A_402 : memref<1048576x16xi32, #tpu.memory_space<hbm>>) target(%dma_start3A_396 : memref<128x16xi32, #tpu.memory_space<vmem>>) offsets(%dma_start3A_399 : memref<128xi32, #tpu.memory_space<vmem>>) semaphore(%arg19 : memref<!tpu.dma_semaphore, #tpu.memory_space<semaphore_mem>>)
    %dma_start3A_403 = arith.constant 38 : i32
    %dma_start3A_404 = arith.constant 2304 : i32
    %dma_start3A_405 = arith.constant 0 : i32
    %dma_start3A_406 = tpu.memref_slice %arg14[%dma_start3A_404, %dma_start3A_405] : memref<2560x16xi32, #tpu.memory_space<vmem>> -> memref<128x16xi32, #tpu.memory_space<vmem>>
    %dma_start3A_407 = arith.constant 0 : i32
    %dma_start3A_408 = tpu.memref_slice %arg11[%dma_start3A_403, %dma_start3A_407] : memref<40x128xi32, #tpu.memory_space<vmem>> -> memref<1x128xi32, #tpu.memory_space<vmem>>
    %dma_start3A_409 = tpu.memref_squeeze %dma_start3A_408 : memref<1x128xi32, #tpu.memory_space<vmem>> -> memref<128xi32, #tpu.memory_space<vmem>>
    %dma_start3A_410 = arith.constant 0 : i32
    %dma_start3A_411 = arith.constant 0 : i32
    %dma_start3A_412 = tpu.memref_slice %arg2[%dma_start3A_410, %dma_start3A_411] : memref<1048576x16xi32, #tpu.memory_space<hbm>> -> memref<1048576x16xi32, #tpu.memory_space<hbm>>
    tpu.enqueue_indirect_dma source(%dma_start3A_412 : memref<1048576x16xi32, #tpu.memory_space<hbm>>) target(%dma_start3A_406 : memref<128x16xi32, #tpu.memory_space<vmem>>) offsets(%dma_start3A_409 : memref<128xi32, #tpu.memory_space<vmem>>) semaphore(%arg19 : memref<!tpu.dma_semaphore, #tpu.memory_space<semaphore_mem>>)
    %dma_start3A_413 = arith.constant 39 : i32
    %dma_start3A_414 = arith.constant 2432 : i32
    %dma_start3A_415 = arith.constant 0 : i32
    %dma_start3A_416 = tpu.memref_slice %arg14[%dma_start3A_414, %dma_start3A_415] : memref<2560x16xi32, #tpu.memory_space<vmem>> -> memref<128x16xi32, #tpu.memory_space<vmem>>
    %dma_start3A_417 = arith.constant 0 : i32
    %dma_start3A_418 = tpu.memref_slice %arg11[%dma_start3A_413, %dma_start3A_417] : memref<40x128xi32, #tpu.memory_space<vmem>> -> memref<1x128xi32, #tpu.memory_space<vmem>>
    %dma_start3A_419 = tpu.memref_squeeze %dma_start3A_418 : memref<1x128xi32, #tpu.memory_space<vmem>> -> memref<128xi32, #tpu.memory_space<vmem>>
    %dma_start3A_420 = arith.constant 0 : i32
    %dma_start3A_421 = arith.constant 0 : i32
    %dma_start3A_422 = tpu.memref_slice %arg2[%dma_start3A_420, %dma_start3A_421] : memref<1048576x16xi32, #tpu.memory_space<hbm>> -> memref<1048576x16xi32, #tpu.memory_space<hbm>>
    tpu.enqueue_indirect_dma source(%dma_start3A_422 : memref<1048576x16xi32, #tpu.memory_space<hbm>>) target(%dma_start3A_416 : memref<128x16xi32, #tpu.memory_space<vmem>>) offsets(%dma_start3A_419 : memref<128xi32, #tpu.memory_space<vmem>>) semaphore(%arg19 : memref<!tpu.dma_semaphore, #tpu.memory_space<semaphore_mem>>)
    %dma_wait3A = arith.constant 0 : i32
    %dma_wait3A_423 = arith.constant 0 : i32
    %dma_wait3A_424 = arith.constant 0 : i32
    %dma_wait3A_425 = tpu.memref_slice %arg15[%dma_wait3A_423, %dma_wait3A_424] : memref<256x16xi32, #tpu.memory_space<vmem>> -> memref<128x16xi32, #tpu.memory_space<vmem>>
    %dma_wait3A_426 = arith.constant 0 : i32
    %dma_wait3A_427 = tpu.memref_slice %arg12[%dma_wait3A, %dma_wait3A_426] : memref<2x128xi32, #tpu.memory_space<vmem>> -> memref<1x128xi32, #tpu.memory_space<vmem>>
    %dma_wait3A_428 = tpu.memref_squeeze %dma_wait3A_427 : memref<1x128xi32, #tpu.memory_space<vmem>> -> memref<128xi32, #tpu.memory_space<vmem>>
    %dma_wait3A_429 = arith.constant 0 : i32
    %dma_wait3A_430 = arith.constant 0 : i32
    %dma_wait3A_431 = tpu.memref_slice %arg2[%dma_wait3A_429, %dma_wait3A_430] : memref<1048576x16xi32, #tpu.memory_space<hbm>> -> memref<1048576x16xi32, #tpu.memory_space<hbm>>
    tpu.wait_indirect_dma semaphore(%arg17 : memref<!tpu.dma_semaphore, #tpu.memory_space<semaphore_mem>>) src(%dma_wait3A_431 : memref<1048576x16xi32, #tpu.memory_space<hbm>>) dst(%dma_wait3A_425 : memref<128x16xi32, #tpu.memory_space<vmem>>)
    %dma_wait3A_432 = arith.constant 1 : i32
    %dma_wait3A_433 = arith.constant 128 : i32
    %dma_wait3A_434 = arith.constant 0 : i32
    %dma_wait3A_435 = tpu.memref_slice %arg15[%dma_wait3A_433, %dma_wait3A_434] : memref<256x16xi32, #tpu.memory_space<vmem>> -> memref<128x16xi32, #tpu.memory_space<vmem>>
    %dma_wait3A_436 = arith.constant 0 : i32
    %dma_wait3A_437 = tpu.memref_slice %arg12[%dma_wait3A_432, %dma_wait3A_436] : memref<2x128xi32, #tpu.memory_space<vmem>> -> memref<1x128xi32, #tpu.memory_space<vmem>>
    %dma_wait3A_438 = tpu.memref_squeeze %dma_wait3A_437 : memref<1x128xi32, #tpu.memory_space<vmem>> -> memref<128xi32, #tpu.memory_space<vmem>>
    %dma_wait3A_439 = arith.constant 0 : i32
    %dma_wait3A_440 = arith.constant 0 : i32
    %dma_wait3A_441 = tpu.memref_slice %arg2[%dma_wait3A_439, %dma_wait3A_440] : memref<1048576x16xi32, #tpu.memory_space<hbm>> -> memref<1048576x16xi32, #tpu.memory_space<hbm>>
    tpu.wait_indirect_dma semaphore(%arg17 : memref<!tpu.dma_semaphore, #tpu.memory_space<semaphore_mem>>) src(%dma_wait3A_441 : memref<1048576x16xi32, #tpu.memory_space<hbm>>) dst(%dma_wait3A_435 : memref<128x16xi32, #tpu.memory_space<vmem>>)
    %scan3A = arith.constant 0 : i32
    %scan3A_442 = arith.constant -65536 : i32
    %scan3A_443 = arith.constant 0 : i32
    %scan3A_444 = arith.constant 128 : i32
    %scan3A_445 = arith.addi %scan3A_443, %scan3A_444 : i32
    %scan3A_446 = arith.constant 1 : i32
    scf.for %scan3A_869 = %scan3A_443 to %scan3A_445 step %scan3A_446  : i32 {
      %add3A_870 = arith.constant 0 : i32
      %add3A_871 = arith.addi %add3A_870, %scan3A_869 : i32
      %get3A = arith.index_cast %add3A_871 : i32 to index
      %get3A_872 = arith.constant 0 : index
      %get3A_873 = tpu.vector_load %arg15[%get3A, %get3A_872] {strides = array<i32>} : memref<256x16xi32, #tpu.memory_space<vmem>>, vector<16xi32>,
      %and3A = vector.broadcast %scan3A_442 : i32 to vector<16xi32>
      %and3A_874 = arith.andi %get3A_873, %and3A : vector<16xi32>
      %bitcast3A = vector.bitcast %and3A_874 : vector<16xi32> to vector<16xf32>
      %shift_left3A = arith.constant 16 : i32
      %shift_left3A_875 = vector.broadcast %shift_left3A : i32 to vector<16xi32>
      %shift_left3A_876 = arith.shli %get3A_873, %shift_left3A_875 : vector<16xi32>
      %bitcast3A_877 = vector.bitcast %shift_left3A_876 : vector<16xi32> to vector<16xf32>
      %swap3A = arith.index_cast %scan3A_869 : i32 to index
      %swap3A_878 = arith.constant 0 : index
      %swap3A_879 = tpu.vector_load %arg16[%swap3A, %swap3A_878] {strides = array<i32>} : memref<128x32xf32, #tpu.memory_space<vmem>>, vector<16xf32>,
      tpu.vector_store %arg16[%swap3A, %swap3A_878], %bitcast3A {strides = array<i32>} : memref<128x32xf32, #tpu.memory_space<vmem>>, vector<16xf32>,
      %swap3A_880 = arith.index_cast %scan3A_869 : i32 to index
      %swap3A_881 = arith.constant 16 : index
      %swap3A_882 = tpu.vector_load %arg16[%swap3A_880, %swap3A_881] {strides = array<i32>} : memref<128x32xf32, #tpu.memory_space<vmem>>, vector<16xf32>,
      tpu.vector_store %arg16[%swap3A_880, %swap3A_881], %bitcast3A_877 {strides = array<i32>} : memref<128x32xf32, #tpu.memory_space<vmem>>, vector<16xf32>,
    }
    %scan3A_447 = arith.constant 128 : i32
    "tpu.region"() ({
      %run_scoped3A_869 = tpu.sem_alloc : memref<!tpu.dma_semaphore, #tpu.memory_space<semaphore_mem>>
      %dma_start3A_870 = arith.constant 0 : i32
      %dma_start3A_871 = tpu.memref_slice %arg7[%mul3A_2, %dma_start3A_870] : memref<4096x32xf32, #tpu.memory_space<hbm>> -> memref<128x32xf32, #tpu.memory_space<hbm>>
      %dma_start3A_872 = arith.constant 0 : i32
      %dma_start3A_873 = tpu.memref_slice %arg7[%mul3A_2, %dma_start3A_872] : memref<4096x32xf32, #tpu.memory_space<hbm>> -> memref<128x32xf32, #tpu.memory_space<hbm>>
      tpu.enqueue_dma source(%arg16 : memref<128x32xf32, #tpu.memory_space<vmem>>) target(%dma_start3A_873 : memref<128x32xf32, #tpu.memory_space<hbm>>) target_semaphore(%run_scoped3A_869 : memref<!tpu.dma_semaphore, #tpu.memory_space<semaphore_mem>>)
      %dma_wait3A_874 = arith.constant 0 : i32
      %dma_wait3A_875 = tpu.memref_slice %arg7[%mul3A_2, %dma_wait3A_874] : memref<4096x32xf32, #tpu.memory_space<hbm>> -> memref<128x32xf32, #tpu.memory_space<hbm>>
      %dma_wait3A_876 = arith.constant 0 : i32
      %dma_wait3A_877 = tpu.memref_slice %arg7[%mul3A_2, %dma_wait3A_876] : memref<4096x32xf32, #tpu.memory_space<hbm>> -> memref<128x32xf32, #tpu.memory_space<hbm>>
      tpu.wait_dma2 semaphore(%run_scoped3A_869 : memref<!tpu.dma_semaphore, #tpu.memory_space<semaphore_mem>>) src(%arg16 : memref<128x32xf32, #tpu.memory_space<vmem>>) dst(%dma_wait3A_877 : memref<128x32xf32, #tpu.memory_space<hbm>>)
      tpu.yield
    }) : () -> ()
    %scan3A_448 = arith.constant 0 : i32
    %scan3A_449 = arith.constant -65536 : i32
    %scan3A_450 = arith.constant 0 : i32
    %scan3A_451 = arith.constant 128 : i32
    %scan3A_452 = arith.addi %scan3A_450, %scan3A_451 : i32
    %scan3A_453 = arith.constant 1 : i32
    scf.for %scan3A_869 = %scan3A_450 to %scan3A_452 step %scan3A_453  : i32 {
      %add3A_870 = arith.constant 128 : i32
      %add3A_871 = arith.addi %add3A_870, %scan3A_869 : i32
      %get3A = arith.index_cast %add3A_871 : i32 to index
      %get3A_872 = arith.constant 0 : index
      %get3A_873 = tpu.vector_load %arg15[%get3A, %get3A_872] {strides = array<i32>} : memref<256x16xi32, #tpu.memory_space<vmem>>, vector<16xi32>,
      %and3A = vector.broadcast %scan3A_449 : i32 to vector<16xi32>
      %and3A_874 = arith.andi %get3A_873, %and3A : vector<16xi32>
      %bitcast3A = vector.bitcast %and3A_874 : vector<16xi32> to vector<16xf32>
      %shift_left3A = arith.constant 16 : i32
      %shift_left3A_875 = vector.broadcast %shift_left3A : i32 to vector<16xi32>
      %shift_left3A_876 = arith.shli %get3A_873, %shift_left3A_875 : vector<16xi32>
      %bitcast3A_877 = vector.bitcast %shift_left3A_876 : vector<16xi32> to vector<16xf32>
      %swap3A = arith.index_cast %scan3A_869 : i32 to index
      %swap3A_878 = arith.constant 0 : index
      %swap3A_879 = tpu.vector_load %arg16[%swap3A, %swap3A_878] {strides = array<i32>} : memref<128x32xf32, #tpu.memory_space<vmem>>, vector<16xf32>,
      tpu.vector_store %arg16[%swap3A, %swap3A_878], %bitcast3A {strides = array<i32>} : memref<128x32xf32, #tpu.memory_space<vmem>>, vector<16xf32>,
      %swap3A_880 = arith.index_cast %scan3A_869 : i32 to index
      %swap3A_881 = arith.constant 16 : index
      %swap3A_882 = tpu.vector_load %arg16[%swap3A_880, %swap3A_881] {strides = array<i32>} : memref<128x32xf32, #tpu.memory_space<vmem>>, vector<16xf32>,
      tpu.vector_store %arg16[%swap3A_880, %swap3A_881], %bitcast3A_877 {strides = array<i32>} : memref<128x32xf32, #tpu.memory_space<vmem>>, vector<16xf32>,
    }
    %scan3A_454 = arith.constant 128 : i32
    "tpu.region"() ({
      %run_scoped3A_869 = tpu.sem_alloc : memref<!tpu.dma_semaphore, #tpu.memory_space<semaphore_mem>>
      %dma_start3A_870 = arith.constant 0 : i32
      %dma_start3A_871 = tpu.memref_slice %arg8[%mul3A_2, %dma_start3A_870] : memref<4096x32xf32, #tpu.memory_space<hbm>> -> memref<128x32xf32, #tpu.memory_space<hbm>>
      %dma_start3A_872 = arith.constant 0 : i32
      %dma_start3A_873 = tpu.memref_slice %arg8[%mul3A_2, %dma_start3A_872] : memref<4096x32xf32, #tpu.memory_space<hbm>> -> memref<128x32xf32, #tpu.memory_space<hbm>>
      tpu.enqueue_dma source(%arg16 : memref<128x32xf32, #tpu.memory_space<vmem>>) target(%dma_start3A_873 : memref<128x32xf32, #tpu.memory_space<hbm>>) target_semaphore(%run_scoped3A_869 : memref<!tpu.dma_semaphore, #tpu.memory_space<semaphore_mem>>)
      %dma_wait3A_874 = arith.constant 0 : i32
      %dma_wait3A_875 = tpu.memref_slice %arg8[%mul3A_2, %dma_wait3A_874] : memref<4096x32xf32, #tpu.memory_space<hbm>> -> memref<128x32xf32, #tpu.memory_space<hbm>>
      %dma_wait3A_876 = arith.constant 0 : i32
      %dma_wait3A_877 = tpu.memref_slice %arg8[%mul3A_2, %dma_wait3A_876] : memref<4096x32xf32, #tpu.memory_space<hbm>> -> memref<128x32xf32, #tpu.memory_space<hbm>>
      tpu.wait_dma2 semaphore(%run_scoped3A_869 : memref<!tpu.dma_semaphore, #tpu.memory_space<semaphore_mem>>) src(%arg16 : memref<128x32xf32, #tpu.memory_space<vmem>>) dst(%dma_wait3A_877 : memref<128x32xf32, #tpu.memory_space<hbm>>)
      tpu.yield
    }) : () -> ()
    %dma_wait3A_455 = arith.constant 0 : i32
    %dma_wait3A_456 = arith.constant 0 : i32
    %dma_wait3A_457 = arith.constant 0 : i32
    %dma_wait3A_458 = tpu.memref_slice %arg13[%dma_wait3A_456, %dma_wait3A_457] : memref<2560x16xi32, #tpu.memory_space<vmem>> -> memref<128x16xi32, #tpu.memory_space<vmem>>
    %dma_wait3A_459 = arith.constant 0 : i32
    %dma_wait3A_460 = tpu.memref_slice %arg11[%dma_wait3A_455, %dma_wait3A_459] : memref<40x128xi32, #tpu.memory_space<vmem>> -> memref<1x128xi32, #tpu.memory_space<vmem>>
    %dma_wait3A_461 = tpu.memref_squeeze %dma_wait3A_460 : memref<1x128xi32, #tpu.memory_space<vmem>> -> memref<128xi32, #tpu.memory_space<vmem>>
    %dma_wait3A_462 = arith.constant 0 : i32
    %dma_wait3A_463 = arith.constant 0 : i32
    %dma_wait3A_464 = tpu.memref_slice %arg2[%dma_wait3A_462, %dma_wait3A_463] : memref<1048576x16xi32, #tpu.memory_space<hbm>> -> memref<1048576x16xi32, #tpu.memory_space<hbm>>
    tpu.wait_indirect_dma semaphore(%arg18 : memref<!tpu.dma_semaphore, #tpu.memory_space<semaphore_mem>>) src(%dma_wait3A_464 : memref<1048576x16xi32, #tpu.memory_space<hbm>>) dst(%dma_wait3A_458 : memref<128x16xi32, #tpu.memory_space<vmem>>)
    %dma_wait3A_465 = arith.constant 1 : i32
    %dma_wait3A_466 = arith.constant 128 : i32
    %dma_wait3A_467 = arith.constant 0 : i32
    %dma_wait3A_468 = tpu.memref_slice %arg13[%dma_wait3A_466, %dma_wait3A_467] : memref<2560x16xi32, #tpu.memory_space<vmem>> -> memref<128x16xi32, #tpu.memory_space<vmem>>
    %dma_wait3A_469 = arith.constant 0 : i32
    %dma_wait3A_470 = tpu.memref_slice %arg11[%dma_wait3A_465, %dma_wait3A_469] : memref<40x128xi32, #tpu.memory_space<vmem>> -> memref<1x128xi32, #tpu.memory_space<vmem>>
    %dma_wait3A_471 = tpu.memref_squeeze %dma_wait3A_470 : memref<1x128xi32, #tpu.memory_space<vmem>> -> memref<128xi32, #tpu.memory_space<vmem>>
    %dma_wait3A_472 = arith.constant 0 : i32
    %dma_wait3A_473 = arith.constant 0 : i32
    %dma_wait3A_474 = tpu.memref_slice %arg2[%dma_wait3A_472, %dma_wait3A_473] : memref<1048576x16xi32, #tpu.memory_space<hbm>> -> memref<1048576x16xi32, #tpu.memory_space<hbm>>
    tpu.wait_indirect_dma semaphore(%arg18 : memref<!tpu.dma_semaphore, #tpu.memory_space<semaphore_mem>>) src(%dma_wait3A_474 : memref<1048576x16xi32, #tpu.memory_space<hbm>>) dst(%dma_wait3A_468 : memref<128x16xi32, #tpu.memory_space<vmem>>)
    %dma_wait3A_475 = arith.constant 2 : i32
    %dma_wait3A_476 = arith.constant 256 : i32
    %dma_wait3A_477 = arith.constant 0 : i32
    %dma_wait3A_478 = tpu.memref_slice %arg13[%dma_wait3A_476, %dma_wait3A_477] : memref<2560x16xi32, #tpu.memory_space<vmem>> -> memref<128x16xi32, #tpu.memory_space<vmem>>
    %dma_wait3A_479 = arith.constant 0 : i32
    %dma_wait3A_480 = tpu.memref_slice %arg11[%dma_wait3A_475, %dma_wait3A_479] : memref<40x128xi32, #tpu.memory_space<vmem>> -> memref<1x128xi32, #tpu.memory_space<vmem>>
    %dma_wait3A_481 = tpu.memref_squeeze %dma_wait3A_480 : memref<1x128xi32, #tpu.memory_space<vmem>> -> memref<128xi32, #tpu.memory_space<vmem>>
    %dma_wait3A_482 = arith.constant 0 : i32
    %dma_wait3A_483 = arith.constant 0 : i32
    %dma_wait3A_484 = tpu.memref_slice %arg2[%dma_wait3A_482, %dma_wait3A_483] : memref<1048576x16xi32, #tpu.memory_space<hbm>> -> memref<1048576x16xi32, #tpu.memory_space<hbm>>
    tpu.wait_indirect_dma semaphore(%arg18 : memref<!tpu.dma_semaphore, #tpu.memory_space<semaphore_mem>>) src(%dma_wait3A_484 : memref<1048576x16xi32, #tpu.memory_space<hbm>>) dst(%dma_wait3A_478 : memref<128x16xi32, #tpu.memory_space<vmem>>)
    %dma_wait3A_485 = arith.constant 3 : i32
    %dma_wait3A_486 = arith.constant 384 : i32
    %dma_wait3A_487 = arith.constant 0 : i32
    %dma_wait3A_488 = tpu.memref_slice %arg13[%dma_wait3A_486, %dma_wait3A_487] : memref<2560x16xi32, #tpu.memory_space<vmem>> -> memref<128x16xi32, #tpu.memory_space<vmem>>
    %dma_wait3A_489 = arith.constant 0 : i32
    %dma_wait3A_490 = tpu.memref_slice %arg11[%dma_wait3A_485, %dma_wait3A_489] : memref<40x128xi32, #tpu.memory_space<vmem>> -> memref<1x128xi32, #tpu.memory_space<vmem>>
    %dma_wait3A_491 = tpu.memref_squeeze %dma_wait3A_490 : memref<1x128xi32, #tpu.memory_space<vmem>> -> memref<128xi32, #tpu.memory_space<vmem>>
    %dma_wait3A_492 = arith.constant 0 : i32
    %dma_wait3A_493 = arith.constant 0 : i32
    %dma_wait3A_494 = tpu.memref_slice %arg2[%dma_wait3A_492, %dma_wait3A_493] : memref<1048576x16xi32, #tpu.memory_space<hbm>> -> memref<1048576x16xi32, #tpu.memory_space<hbm>>
    tpu.wait_indirect_dma semaphore(%arg18 : memref<!tpu.dma_semaphore, #tpu.memory_space<semaphore_mem>>) src(%dma_wait3A_494 : memref<1048576x16xi32, #tpu.memory_space<hbm>>) dst(%dma_wait3A_488 : memref<128x16xi32, #tpu.memory_space<vmem>>)
    %dma_wait3A_495 = arith.constant 4 : i32
    %dma_wait3A_496 = arith.constant 512 : i32
    %dma_wait3A_497 = arith.constant 0 : i32
    %dma_wait3A_498 = tpu.memref_slice %arg13[%dma_wait3A_496, %dma_wait3A_497] : memref<2560x16xi32, #tpu.memory_space<vmem>> -> memref<128x16xi32, #tpu.memory_space<vmem>>
    %dma_wait3A_499 = arith.constant 0 : i32
    %dma_wait3A_500 = tpu.memref_slice %arg11[%dma_wait3A_495, %dma_wait3A_499] : memref<40x128xi32, #tpu.memory_space<vmem>> -> memref<1x128xi32, #tpu.memory_space<vmem>>
    %dma_wait3A_501 = tpu.memref_squeeze %dma_wait3A_500 : memref<1x128xi32, #tpu.memory_space<vmem>> -> memref<128xi32, #tpu.memory_space<vmem>>
    %dma_wait3A_502 = arith.constant 0 : i32
    %dma_wait3A_503 = arith.constant 0 : i32
    %dma_wait3A_504 = tpu.memref_slice %arg2[%dma_wait3A_502, %dma_wait3A_503] : memref<1048576x16xi32, #tpu.memory_space<hbm>> -> memref<1048576x16xi32, #tpu.memory_space<hbm>>
    tpu.wait_indirect_dma semaphore(%arg18 : memref<!tpu.dma_semaphore, #tpu.memory_space<semaphore_mem>>) src(%dma_wait3A_504 : memref<1048576x16xi32, #tpu.memory_space<hbm>>) dst(%dma_wait3A_498 : memref<128x16xi32, #tpu.memory_space<vmem>>)
    %dma_wait3A_505 = arith.constant 5 : i32
    %dma_wait3A_506 = arith.constant 640 : i32
    %dma_wait3A_507 = arith.constant 0 : i32
    %dma_wait3A_508 = tpu.memref_slice %arg13[%dma_wait3A_506, %dma_wait3A_507] : memref<2560x16xi32, #tpu.memory_space<vmem>> -> memref<128x16xi32, #tpu.memory_space<vmem>>
    %dma_wait3A_509 = arith.constant 0 : i32
    %dma_wait3A_510 = tpu.memref_slice %arg11[%dma_wait3A_505, %dma_wait3A_509] : memref<40x128xi32, #tpu.memory_space<vmem>> -> memref<1x128xi32, #tpu.memory_space<vmem>>
    %dma_wait3A_511 = tpu.memref_squeeze %dma_wait3A_510 : memref<1x128xi32, #tpu.memory_space<vmem>> -> memref<128xi32, #tpu.memory_space<vmem>>
    %dma_wait3A_512 = arith.constant 0 : i32
    %dma_wait3A_513 = arith.constant 0 : i32
    %dma_wait3A_514 = tpu.memref_slice %arg2[%dma_wait3A_512, %dma_wait3A_513] : memref<1048576x16xi32, #tpu.memory_space<hbm>> -> memref<1048576x16xi32, #tpu.memory_space<hbm>>
    tpu.wait_indirect_dma semaphore(%arg18 : memref<!tpu.dma_semaphore, #tpu.memory_space<semaphore_mem>>) src(%dma_wait3A_514 : memref<1048576x16xi32, #tpu.memory_space<hbm>>) dst(%dma_wait3A_508 : memref<128x16xi32, #tpu.memory_space<vmem>>)
    %dma_wait3A_515 = arith.constant 6 : i32
    %dma_wait3A_516 = arith.constant 768 : i32
    %dma_wait3A_517 = arith.constant 0 : i32
    %dma_wait3A_518 = tpu.memref_slice %arg13[%dma_wait3A_516, %dma_wait3A_517] : memref<2560x16xi32, #tpu.memory_space<vmem>> -> memref<128x16xi32, #tpu.memory_space<vmem>>
    %dma_wait3A_519 = arith.constant 0 : i32
    %dma_wait3A_520 = tpu.memref_slice %arg11[%dma_wait3A_515, %dma_wait3A_519] : memref<40x128xi32, #tpu.memory_space<vmem>> -> memref<1x128xi32, #tpu.memory_space<vmem>>
    %dma_wait3A_521 = tpu.memref_squeeze %dma_wait3A_520 : memref<1x128xi32, #tpu.memory_space<vmem>> -> memref<128xi32, #tpu.memory_space<vmem>>
    %dma_wait3A_522 = arith.constant 0 : i32
    %dma_wait3A_523 = arith.constant 0 : i32
    %dma_wait3A_524 = tpu.memref_slice %arg2[%dma_wait3A_522, %dma_wait3A_523] : memref<1048576x16xi32, #tpu.memory_space<hbm>> -> memref<1048576x16xi32, #tpu.memory_space<hbm>>
    tpu.wait_indirect_dma semaphore(%arg18 : memref<!tpu.dma_semaphore, #tpu.memory_space<semaphore_mem>>) src(%dma_wait3A_524 : memref<1048576x16xi32, #tpu.memory_space<hbm>>) dst(%dma_wait3A_518 : memref<128x16xi32, #tpu.memory_space<vmem>>)
    %dma_wait3A_525 = arith.constant 7 : i32
    %dma_wait3A_526 = arith.constant 896 : i32
    %dma_wait3A_527 = arith.constant 0 : i32
    %dma_wait3A_528 = tpu.memref_slice %arg13[%dma_wait3A_526, %dma_wait3A_527] : memref<2560x16xi32, #tpu.memory_space<vmem>> -> memref<128x16xi32, #tpu.memory_space<vmem>>
    %dma_wait3A_529 = arith.constant 0 : i32
    %dma_wait3A_530 = tpu.memref_slice %arg11[%dma_wait3A_525, %dma_wait3A_529] : memref<40x128xi32, #tpu.memory_space<vmem>> -> memref<1x128xi32, #tpu.memory_space<vmem>>
    %dma_wait3A_531 = tpu.memref_squeeze %dma_wait3A_530 : memref<1x128xi32, #tpu.memory_space<vmem>> -> memref<128xi32, #tpu.memory_space<vmem>>
    %dma_wait3A_532 = arith.constant 0 : i32
    %dma_wait3A_533 = arith.constant 0 : i32
    %dma_wait3A_534 = tpu.memref_slice %arg2[%dma_wait3A_532, %dma_wait3A_533] : memref<1048576x16xi32, #tpu.memory_space<hbm>> -> memref<1048576x16xi32, #tpu.memory_space<hbm>>
    tpu.wait_indirect_dma semaphore(%arg18 : memref<!tpu.dma_semaphore, #tpu.memory_space<semaphore_mem>>) src(%dma_wait3A_534 : memref<1048576x16xi32, #tpu.memory_space<hbm>>) dst(%dma_wait3A_528 : memref<128x16xi32, #tpu.memory_space<vmem>>)
    %dma_wait3A_535 = arith.constant 8 : i32
    %dma_wait3A_536 = arith.constant 1024 : i32
    %dma_wait3A_537 = arith.constant 0 : i32
    %dma_wait3A_538 = tpu.memref_slice %arg13[%dma_wait3A_536, %dma_wait3A_537] : memref<2560x16xi32, #tpu.memory_space<vmem>> -> memref<128x16xi32, #tpu.memory_space<vmem>>
    %dma_wait3A_539 = arith.constant 0 : i32
    %dma_wait3A_540 = tpu.memref_slice %arg11[%dma_wait3A_535, %dma_wait3A_539] : memref<40x128xi32, #tpu.memory_space<vmem>> -> memref<1x128xi32, #tpu.memory_space<vmem>>
    %dma_wait3A_541 = tpu.memref_squeeze %dma_wait3A_540 : memref<1x128xi32, #tpu.memory_space<vmem>> -> memref<128xi32, #tpu.memory_space<vmem>>
    %dma_wait3A_542 = arith.constant 0 : i32
    %dma_wait3A_543 = arith.constant 0 : i32
    %dma_wait3A_544 = tpu.memref_slice %arg2[%dma_wait3A_542, %dma_wait3A_543] : memref<1048576x16xi32, #tpu.memory_space<hbm>> -> memref<1048576x16xi32, #tpu.memory_space<hbm>>
    tpu.wait_indirect_dma semaphore(%arg18 : memref<!tpu.dma_semaphore, #tpu.memory_space<semaphore_mem>>) src(%dma_wait3A_544 : memref<1048576x16xi32, #tpu.memory_space<hbm>>) dst(%dma_wait3A_538 : memref<128x16xi32, #tpu.memory_space<vmem>>)
    %dma_wait3A_545 = arith.constant 9 : i32
    %dma_wait3A_546 = arith.constant 1152 : i32
    %dma_wait3A_547 = arith.constant 0 : i32
    %dma_wait3A_548 = tpu.memref_slice %arg13[%dma_wait3A_546, %dma_wait3A_547] : memref<2560x16xi32, #tpu.memory_space<vmem>> -> memref<128x16xi32, #tpu.memory_space<vmem>>
    %dma_wait3A_549 = arith.constant 0 : i32
    %dma_wait3A_550 = tpu.memref_slice %arg11[%dma_wait3A_545, %dma_wait3A_549] : memref<40x128xi32, #tpu.memory_space<vmem>> -> memref<1x128xi32, #tpu.memory_space<vmem>>
    %dma_wait3A_551 = tpu.memref_squeeze %dma_wait3A_550 : memref<1x128xi32, #tpu.memory_space<vmem>> -> memref<128xi32, #tpu.memory_space<vmem>>
    %dma_wait3A_552 = arith.constant 0 : i32
    %dma_wait3A_553 = arith.constant 0 : i32
    %dma_wait3A_554 = tpu.memref_slice %arg2[%dma_wait3A_552, %dma_wait3A_553] : memref<1048576x16xi32, #tpu.memory_space<hbm>> -> memref<1048576x16xi32, #tpu.memory_space<hbm>>
    tpu.wait_indirect_dma semaphore(%arg18 : memref<!tpu.dma_semaphore, #tpu.memory_space<semaphore_mem>>) src(%dma_wait3A_554 : memref<1048576x16xi32, #tpu.memory_space<hbm>>) dst(%dma_wait3A_548 : memref<128x16xi32, #tpu.memory_space<vmem>>)
    %dma_wait3A_555 = arith.constant 10 : i32
    %dma_wait3A_556 = arith.constant 1280 : i32
    %dma_wait3A_557 = arith.constant 0 : i32
    %dma_wait3A_558 = tpu.memref_slice %arg13[%dma_wait3A_556, %dma_wait3A_557] : memref<2560x16xi32, #tpu.memory_space<vmem>> -> memref<128x16xi32, #tpu.memory_space<vmem>>
    %dma_wait3A_559 = arith.constant 0 : i32
    %dma_wait3A_560 = tpu.memref_slice %arg11[%dma_wait3A_555, %dma_wait3A_559] : memref<40x128xi32, #tpu.memory_space<vmem>> -> memref<1x128xi32, #tpu.memory_space<vmem>>
    %dma_wait3A_561 = tpu.memref_squeeze %dma_wait3A_560 : memref<1x128xi32, #tpu.memory_space<vmem>> -> memref<128xi32, #tpu.memory_space<vmem>>
    %dma_wait3A_562 = arith.constant 0 : i32
    %dma_wait3A_563 = arith.constant 0 : i32
    %dma_wait3A_564 = tpu.memref_slice %arg2[%dma_wait3A_562, %dma_wait3A_563] : memref<1048576x16xi32, #tpu.memory_space<hbm>> -> memref<1048576x16xi32, #tpu.memory_space<hbm>>
    tpu.wait_indirect_dma semaphore(%arg18 : memref<!tpu.dma_semaphore, #tpu.memory_space<semaphore_mem>>) src(%dma_wait3A_564 : memref<1048576x16xi32, #tpu.memory_space<hbm>>) dst(%dma_wait3A_558 : memref<128x16xi32, #tpu.memory_space<vmem>>)
    %dma_wait3A_565 = arith.constant 11 : i32
    %dma_wait3A_566 = arith.constant 1408 : i32
    %dma_wait3A_567 = arith.constant 0 : i32
    %dma_wait3A_568 = tpu.memref_slice %arg13[%dma_wait3A_566, %dma_wait3A_567] : memref<2560x16xi32, #tpu.memory_space<vmem>> -> memref<128x16xi32, #tpu.memory_space<vmem>>
    %dma_wait3A_569 = arith.constant 0 : i32
    %dma_wait3A_570 = tpu.memref_slice %arg11[%dma_wait3A_565, %dma_wait3A_569] : memref<40x128xi32, #tpu.memory_space<vmem>> -> memref<1x128xi32, #tpu.memory_space<vmem>>
    %dma_wait3A_571 = tpu.memref_squeeze %dma_wait3A_570 : memref<1x128xi32, #tpu.memory_space<vmem>> -> memref<128xi32, #tpu.memory_space<vmem>>
    %dma_wait3A_572 = arith.constant 0 : i32
    %dma_wait3A_573 = arith.constant 0 : i32
    %dma_wait3A_574 = tpu.memref_slice %arg2[%dma_wait3A_572, %dma_wait3A_573] : memref<1048576x16xi32, #tpu.memory_space<hbm>> -> memref<1048576x16xi32, #tpu.memory_space<hbm>>
    tpu.wait_indirect_dma semaphore(%arg18 : memref<!tpu.dma_semaphore, #tpu.memory_space<semaphore_mem>>) src(%dma_wait3A_574 : memref<1048576x16xi32, #tpu.memory_space<hbm>>) dst(%dma_wait3A_568 : memref<128x16xi32, #tpu.memory_space<vmem>>)
    %dma_wait3A_575 = arith.constant 12 : i32
    %dma_wait3A_576 = arith.constant 1536 : i32
    %dma_wait3A_577 = arith.constant 0 : i32
    %dma_wait3A_578 = tpu.memref_slice %arg13[%dma_wait3A_576, %dma_wait3A_577] : memref<2560x16xi32, #tpu.memory_space<vmem>> -> memref<128x16xi32, #tpu.memory_space<vmem>>
    %dma_wait3A_579 = arith.constant 0 : i32
    %dma_wait3A_580 = tpu.memref_slice %arg11[%dma_wait3A_575, %dma_wait3A_579] : memref<40x128xi32, #tpu.memory_space<vmem>> -> memref<1x128xi32, #tpu.memory_space<vmem>>
    %dma_wait3A_581 = tpu.memref_squeeze %dma_wait3A_580 : memref<1x128xi32, #tpu.memory_space<vmem>> -> memref<128xi32, #tpu.memory_space<vmem>>
    %dma_wait3A_582 = arith.constant 0 : i32
    %dma_wait3A_583 = arith.constant 0 : i32
    %dma_wait3A_584 = tpu.memref_slice %arg2[%dma_wait3A_582, %dma_wait3A_583] : memref<1048576x16xi32, #tpu.memory_space<hbm>> -> memref<1048576x16xi32, #tpu.memory_space<hbm>>
    tpu.wait_indirect_dma semaphore(%arg18 : memref<!tpu.dma_semaphore, #tpu.memory_space<semaphore_mem>>) src(%dma_wait3A_584 : memref<1048576x16xi32, #tpu.memory_space<hbm>>) dst(%dma_wait3A_578 : memref<128x16xi32, #tpu.memory_space<vmem>>)
    %dma_wait3A_585 = arith.constant 13 : i32
    %dma_wait3A_586 = arith.constant 1664 : i32
    %dma_wait3A_587 = arith.constant 0 : i32
    %dma_wait3A_588 = tpu.memref_slice %arg13[%dma_wait3A_586, %dma_wait3A_587] : memref<2560x16xi32, #tpu.memory_space<vmem>> -> memref<128x16xi32, #tpu.memory_space<vmem>>
    %dma_wait3A_589 = arith.constant 0 : i32
    %dma_wait3A_590 = tpu.memref_slice %arg11[%dma_wait3A_585, %dma_wait3A_589] : memref<40x128xi32, #tpu.memory_space<vmem>> -> memref<1x128xi32, #tpu.memory_space<vmem>>
    %dma_wait3A_591 = tpu.memref_squeeze %dma_wait3A_590 : memref<1x128xi32, #tpu.memory_space<vmem>> -> memref<128xi32, #tpu.memory_space<vmem>>
    %dma_wait3A_592 = arith.constant 0 : i32
    %dma_wait3A_593 = arith.constant 0 : i32
    %dma_wait3A_594 = tpu.memref_slice %arg2[%dma_wait3A_592, %dma_wait3A_593] : memref<1048576x16xi32, #tpu.memory_space<hbm>> -> memref<1048576x16xi32, #tpu.memory_space<hbm>>
    tpu.wait_indirect_dma semaphore(%arg18 : memref<!tpu.dma_semaphore, #tpu.memory_space<semaphore_mem>>) src(%dma_wait3A_594 : memref<1048576x16xi32, #tpu.memory_space<hbm>>) dst(%dma_wait3A_588 : memref<128x16xi32, #tpu.memory_space<vmem>>)
    %dma_wait3A_595 = arith.constant 14 : i32
    %dma_wait3A_596 = arith.constant 1792 : i32
    %dma_wait3A_597 = arith.constant 0 : i32
    %dma_wait3A_598 = tpu.memref_slice %arg13[%dma_wait3A_596, %dma_wait3A_597] : memref<2560x16xi32, #tpu.memory_space<vmem>> -> memref<128x16xi32, #tpu.memory_space<vmem>>
    %dma_wait3A_599 = arith.constant 0 : i32
    %dma_wait3A_600 = tpu.memref_slice %arg11[%dma_wait3A_595, %dma_wait3A_599] : memref<40x128xi32, #tpu.memory_space<vmem>> -> memref<1x128xi32, #tpu.memory_space<vmem>>
    %dma_wait3A_601 = tpu.memref_squeeze %dma_wait3A_600 : memref<1x128xi32, #tpu.memory_space<vmem>> -> memref<128xi32, #tpu.memory_space<vmem>>
    %dma_wait3A_602 = arith.constant 0 : i32
    %dma_wait3A_603 = arith.constant 0 : i32
    %dma_wait3A_604 = tpu.memref_slice %arg2[%dma_wait3A_602, %dma_wait3A_603] : memref<1048576x16xi32, #tpu.memory_space<hbm>> -> memref<1048576x16xi32, #tpu.memory_space<hbm>>
    tpu.wait_indirect_dma semaphore(%arg18 : memref<!tpu.dma_semaphore, #tpu.memory_space<semaphore_mem>>) src(%dma_wait3A_604 : memref<1048576x16xi32, #tpu.memory_space<hbm>>) dst(%dma_wait3A_598 : memref<128x16xi32, #tpu.memory_space<vmem>>)
    %dma_wait3A_605 = arith.constant 15 : i32
    %dma_wait3A_606 = arith.constant 1920 : i32
    %dma_wait3A_607 = arith.constant 0 : i32
    %dma_wait3A_608 = tpu.memref_slice %arg13[%dma_wait3A_606, %dma_wait3A_607] : memref<2560x16xi32, #tpu.memory_space<vmem>> -> memref<128x16xi32, #tpu.memory_space<vmem>>
    %dma_wait3A_609 = arith.constant 0 : i32
    %dma_wait3A_610 = tpu.memref_slice %arg11[%dma_wait3A_605, %dma_wait3A_609] : memref<40x128xi32, #tpu.memory_space<vmem>> -> memref<1x128xi32, #tpu.memory_space<vmem>>
    %dma_wait3A_611 = tpu.memref_squeeze %dma_wait3A_610 : memref<1x128xi32, #tpu.memory_space<vmem>> -> memref<128xi32, #tpu.memory_space<vmem>>
    %dma_wait3A_612 = arith.constant 0 : i32
    %dma_wait3A_613 = arith.constant 0 : i32
    %dma_wait3A_614 = tpu.memref_slice %arg2[%dma_wait3A_612, %dma_wait3A_613] : memref<1048576x16xi32, #tpu.memory_space<hbm>> -> memref<1048576x16xi32, #tpu.memory_space<hbm>>
    tpu.wait_indirect_dma semaphore(%arg18 : memref<!tpu.dma_semaphore, #tpu.memory_space<semaphore_mem>>) src(%dma_wait3A_614 : memref<1048576x16xi32, #tpu.memory_space<hbm>>) dst(%dma_wait3A_608 : memref<128x16xi32, #tpu.memory_space<vmem>>)
    %dma_wait3A_615 = arith.constant 16 : i32
    %dma_wait3A_616 = arith.constant 2048 : i32
    %dma_wait3A_617 = arith.constant 0 : i32
    %dma_wait3A_618 = tpu.memref_slice %arg13[%dma_wait3A_616, %dma_wait3A_617] : memref<2560x16xi32, #tpu.memory_space<vmem>> -> memref<128x16xi32, #tpu.memory_space<vmem>>
    %dma_wait3A_619 = arith.constant 0 : i32
    %dma_wait3A_620 = tpu.memref_slice %arg11[%dma_wait3A_615, %dma_wait3A_619] : memref<40x128xi32, #tpu.memory_space<vmem>> -> memref<1x128xi32, #tpu.memory_space<vmem>>
    %dma_wait3A_621 = tpu.memref_squeeze %dma_wait3A_620 : memref<1x128xi32, #tpu.memory_space<vmem>> -> memref<128xi32, #tpu.memory_space<vmem>>
    %dma_wait3A_622 = arith.constant 0 : i32
    %dma_wait3A_623 = arith.constant 0 : i32
    %dma_wait3A_624 = tpu.memref_slice %arg2[%dma_wait3A_622, %dma_wait3A_623] : memref<1048576x16xi32, #tpu.memory_space<hbm>> -> memref<1048576x16xi32, #tpu.memory_space<hbm>>
    tpu.wait_indirect_dma semaphore(%arg18 : memref<!tpu.dma_semaphore, #tpu.memory_space<semaphore_mem>>) src(%dma_wait3A_624 : memref<1048576x16xi32, #tpu.memory_space<hbm>>) dst(%dma_wait3A_618 : memref<128x16xi32, #tpu.memory_space<vmem>>)
    %dma_wait3A_625 = arith.constant 17 : i32
    %dma_wait3A_626 = arith.constant 2176 : i32
    %dma_wait3A_627 = arith.constant 0 : i32
    %dma_wait3A_628 = tpu.memref_slice %arg13[%dma_wait3A_626, %dma_wait3A_627] : memref<2560x16xi32, #tpu.memory_space<vmem>> -> memref<128x16xi32, #tpu.memory_space<vmem>>
    %dma_wait3A_629 = arith.constant 0 : i32
    %dma_wait3A_630 = tpu.memref_slice %arg11[%dma_wait3A_625, %dma_wait3A_629] : memref<40x128xi32, #tpu.memory_space<vmem>> -> memref<1x128xi32, #tpu.memory_space<vmem>>
    %dma_wait3A_631 = tpu.memref_squeeze %dma_wait3A_630 : memref<1x128xi32, #tpu.memory_space<vmem>> -> memref<128xi32, #tpu.memory_space<vmem>>
    %dma_wait3A_632 = arith.constant 0 : i32
    %dma_wait3A_633 = arith.constant 0 : i32
    %dma_wait3A_634 = tpu.memref_slice %arg2[%dma_wait3A_632, %dma_wait3A_633] : memref<1048576x16xi32, #tpu.memory_space<hbm>> -> memref<1048576x16xi32, #tpu.memory_space<hbm>>
    tpu.wait_indirect_dma semaphore(%arg18 : memref<!tpu.dma_semaphore, #tpu.memory_space<semaphore_mem>>) src(%dma_wait3A_634 : memref<1048576x16xi32, #tpu.memory_space<hbm>>) dst(%dma_wait3A_628 : memref<128x16xi32, #tpu.memory_space<vmem>>)
    %dma_wait3A_635 = arith.constant 18 : i32
    %dma_wait3A_636 = arith.constant 2304 : i32
    %dma_wait3A_637 = arith.constant 0 : i32
    %dma_wait3A_638 = tpu.memref_slice %arg13[%dma_wait3A_636, %dma_wait3A_637] : memref<2560x16xi32, #tpu.memory_space<vmem>> -> memref<128x16xi32, #tpu.memory_space<vmem>>
    %dma_wait3A_639 = arith.constant 0 : i32
    %dma_wait3A_640 = tpu.memref_slice %arg11[%dma_wait3A_635, %dma_wait3A_639] : memref<40x128xi32, #tpu.memory_space<vmem>> -> memref<1x128xi32, #tpu.memory_space<vmem>>
    %dma_wait3A_641 = tpu.memref_squeeze %dma_wait3A_640 : memref<1x128xi32, #tpu.memory_space<vmem>> -> memref<128xi32, #tpu.memory_space<vmem>>
    %dma_wait3A_642 = arith.constant 0 : i32
    %dma_wait3A_643 = arith.constant 0 : i32
    %dma_wait3A_644 = tpu.memref_slice %arg2[%dma_wait3A_642, %dma_wait3A_643] : memref<1048576x16xi32, #tpu.memory_space<hbm>> -> memref<1048576x16xi32, #tpu.memory_space<hbm>>
    tpu.wait_indirect_dma semaphore(%arg18 : memref<!tpu.dma_semaphore, #tpu.memory_space<semaphore_mem>>) src(%dma_wait3A_644 : memref<1048576x16xi32, #tpu.memory_space<hbm>>) dst(%dma_wait3A_638 : memref<128x16xi32, #tpu.memory_space<vmem>>)
    %dma_wait3A_645 = arith.constant 19 : i32
    %dma_wait3A_646 = arith.constant 2432 : i32
    %dma_wait3A_647 = arith.constant 0 : i32
    %dma_wait3A_648 = tpu.memref_slice %arg13[%dma_wait3A_646, %dma_wait3A_647] : memref<2560x16xi32, #tpu.memory_space<vmem>> -> memref<128x16xi32, #tpu.memory_space<vmem>>
    %dma_wait3A_649 = arith.constant 0 : i32
    %dma_wait3A_650 = tpu.memref_slice %arg11[%dma_wait3A_645, %dma_wait3A_649] : memref<40x128xi32, #tpu.memory_space<vmem>> -> memref<1x128xi32, #tpu.memory_space<vmem>>
    %dma_wait3A_651 = tpu.memref_squeeze %dma_wait3A_650 : memref<1x128xi32, #tpu.memory_space<vmem>> -> memref<128xi32, #tpu.memory_space<vmem>>
    %dma_wait3A_652 = arith.constant 0 : i32
    %dma_wait3A_653 = arith.constant 0 : i32
    %dma_wait3A_654 = tpu.memref_slice %arg2[%dma_wait3A_652, %dma_wait3A_653] : memref<1048576x16xi32, #tpu.memory_space<hbm>> -> memref<1048576x16xi32, #tpu.memory_space<hbm>>
    tpu.wait_indirect_dma semaphore(%arg18 : memref<!tpu.dma_semaphore, #tpu.memory_space<semaphore_mem>>) src(%dma_wait3A_654 : memref<1048576x16xi32, #tpu.memory_space<hbm>>) dst(%dma_wait3A_648 : memref<128x16xi32, #tpu.memory_space<vmem>>)
    %scan3A_655 = arith.constant 0 : i32
    %scan3A_656 = arith.constant -65536 : i32
    %scan3A_657 = arith.constant 0 : i32
    %scan3A_658 = arith.constant 128 : i32
    %scan3A_659 = arith.addi %scan3A_657, %scan3A_658 : i32
    %scan3A_660 = arith.constant 1 : i32
    scf.for %scan3A_869 = %scan3A_657 to %scan3A_659 step %scan3A_660  : i32 {
      %mul3A_870 = arith.constant 20 : i32
      %mul3A_871 = arith.muli %scan3A_869, %mul3A_870 : i32
      %get3A = arith.index_cast %mul3A_871 : i32 to index
      %get3A_872 = arith.constant 0 : index
      %get3A_873 = tpu.vector_load %arg13[%get3A, %get3A_872] {strides = array<i32>} : memref<2560x16xi32, #tpu.memory_space<vmem>>, vector<16xi32>,
      %and3A = vector.broadcast %scan3A_656 : i32 to vector<16xi32>
      %and3A_874 = arith.andi %get3A_873, %and3A : vector<16xi32>
      %bitcast3A = vector.bitcast %and3A_874 : vector<16xi32> to vector<16xf32>
      %shift_left3A = arith.constant 16 : i32
      %shift_left3A_875 = vector.broadcast %shift_left3A : i32 to vector<16xi32>
      %shift_left3A_876 = arith.shli %get3A_873, %shift_left3A_875 : vector<16xi32>
      %bitcast3A_877 = vector.bitcast %shift_left3A_876 : vector<16xi32> to vector<16xf32>
      %add3A_878 = arith.constant 1 : i32
      %add3A_879 = arith.addi %mul3A_871, %add3A_878 : i32
      %get3A_880 = arith.index_cast %add3A_879 : i32 to index
      %get3A_881 = arith.constant 0 : index
      %get3A_882 = tpu.vector_load %arg13[%get3A_880, %get3A_881] {strides = array<i32>} : memref<2560x16xi32, #tpu.memory_space<vmem>>, vector<16xi32>,
      %and3A_883 = vector.broadcast %scan3A_656 : i32 to vector<16xi32>
      %and3A_884 = arith.andi %get3A_882, %and3A_883 : vector<16xi32>
      %bitcast3A_885 = vector.bitcast %and3A_884 : vector<16xi32> to vector<16xf32>
      %shift_left3A_886 = arith.constant 16 : i32
      %shift_left3A_887 = vector.broadcast %shift_left3A_886 : i32 to vector<16xi32>
      %shift_left3A_888 = arith.shli %get3A_882, %shift_left3A_887 : vector<16xi32>
      %bitcast3A_889 = vector.bitcast %shift_left3A_888 : vector<16xi32> to vector<16xf32>
      %add3A_890 = arith.addf %bitcast3A, %bitcast3A_885 : vector<16xf32>
      %add3A_891 = arith.addf %bitcast3A_877, %bitcast3A_889 : vector<16xf32>
      %add3A_892 = arith.constant 2 : i32
      %add3A_893 = arith.addi %mul3A_871, %add3A_892 : i32
      %get3A_894 = arith.index_cast %add3A_893 : i32 to index
      %get3A_895 = arith.constant 0 : index
      %get3A_896 = tpu.vector_load %arg13[%get3A_894, %get3A_895] {strides = array<i32>} : memref<2560x16xi32, #tpu.memory_space<vmem>>, vector<16xi32>,
      %and3A_897 = vector.broadcast %scan3A_656 : i32 to vector<16xi32>
      %and3A_898 = arith.andi %get3A_896, %and3A_897 : vector<16xi32>
      %bitcast3A_899 = vector.bitcast %and3A_898 : vector<16xi32> to vector<16xf32>
      %shift_left3A_900 = arith.constant 16 : i32
      %shift_left3A_901 = vector.broadcast %shift_left3A_900 : i32 to vector<16xi32>
      %shift_left3A_902 = arith.shli %get3A_896, %shift_left3A_901 : vector<16xi32>
      %bitcast3A_903 = vector.bitcast %shift_left3A_902 : vector<16xi32> to vector<16xf32>
      %add3A_904 = arith.addf %add3A_890, %bitcast3A_899 : vector<16xf32>
      %add3A_905 = arith.addf %add3A_891, %bitcast3A_903 : vector<16xf32>
      %add3A_906 = arith.constant 3 : i32
      %add3A_907 = arith.addi %mul3A_871, %add3A_906 : i32
      %get3A_908 = arith.index_cast %add3A_907 : i32 to index
      %get3A_909 = arith.constant 0 : index
      %get3A_910 = tpu.vector_load %arg13[%get3A_908, %get3A_909] {strides = array<i32>} : memref<2560x16xi32, #tpu.memory_space<vmem>>, vector<16xi32>,
      %and3A_911 = vector.broadcast %scan3A_656 : i32 to vector<16xi32>
      %and3A_912 = arith.andi %get3A_910, %and3A_911 : vector<16xi32>
      %bitcast3A_913 = vector.bitcast %and3A_912 : vector<16xi32> to vector<16xf32>
      %shift_left3A_914 = arith.constant 16 : i32
      %shift_left3A_915 = vector.broadcast %shift_left3A_914 : i32 to vector<16xi32>
      %shift_left3A_916 = arith.shli %get3A_910, %shift_left3A_915 : vector<16xi32>
      %bitcast3A_917 = vector.bitcast %shift_left3A_916 : vector<16xi32> to vector<16xf32>
      %add3A_918 = arith.addf %add3A_904, %bitcast3A_913 : vector<16xf32>
      %add3A_919 = arith.addf %add3A_905, %bitcast3A_917 : vector<16xf32>
      %add3A_920 = arith.constant 4 : i32
      %add3A_921 = arith.addi %mul3A_871, %add3A_920 : i32
      %get3A_922 = arith.index_cast %add3A_921 : i32 to index
      %get3A_923 = arith.constant 0 : index
      %get3A_924 = tpu.vector_load %arg13[%get3A_922, %get3A_923] {strides = array<i32>} : memref<2560x16xi32, #tpu.memory_space<vmem>>, vector<16xi32>,
      %and3A_925 = vector.broadcast %scan3A_656 : i32 to vector<16xi32>
      %and3A_926 = arith.andi %get3A_924, %and3A_925 : vector<16xi32>
      %bitcast3A_927 = vector.bitcast %and3A_926 : vector<16xi32> to vector<16xf32>
      %shift_left3A_928 = arith.constant 16 : i32
      %shift_left3A_929 = vector.broadcast %shift_left3A_928 : i32 to vector<16xi32>
      %shift_left3A_930 = arith.shli %get3A_924, %shift_left3A_929 : vector<16xi32>
      %bitcast3A_931 = vector.bitcast %shift_left3A_930 : vector<16xi32> to vector<16xf32>
      %add3A_932 = arith.addf %add3A_918, %bitcast3A_927 : vector<16xf32>
      %add3A_933 = arith.addf %add3A_919, %bitcast3A_931 : vector<16xf32>
      %add3A_934 = arith.constant 5 : i32
      %add3A_935 = arith.addi %mul3A_871, %add3A_934 : i32
      %get3A_936 = arith.index_cast %add3A_935 : i32 to index
      %get3A_937 = arith.constant 0 : index
      %get3A_938 = tpu.vector_load %arg13[%get3A_936, %get3A_937] {strides = array<i32>} : memref<2560x16xi32, #tpu.memory_space<vmem>>, vector<16xi32>,
      %and3A_939 = vector.broadcast %scan3A_656 : i32 to vector<16xi32>
      %and3A_940 = arith.andi %get3A_938, %and3A_939 : vector<16xi32>
      %bitcast3A_941 = vector.bitcast %and3A_940 : vector<16xi32> to vector<16xf32>
      %shift_left3A_942 = arith.constant 16 : i32
      %shift_left3A_943 = vector.broadcast %shift_left3A_942 : i32 to vector<16xi32>
      %shift_left3A_944 = arith.shli %get3A_938, %shift_left3A_943 : vector<16xi32>
      %bitcast3A_945 = vector.bitcast %shift_left3A_944 : vector<16xi32> to vector<16xf32>
      %add3A_946 = arith.addf %add3A_932, %bitcast3A_941 : vector<16xf32>
      %add3A_947 = arith.addf %add3A_933, %bitcast3A_945 : vector<16xf32>
      %add3A_948 = arith.constant 6 : i32
      %add3A_949 = arith.addi %mul3A_871, %add3A_948 : i32
      %get3A_950 = arith.index_cast %add3A_949 : i32 to index
      %get3A_951 = arith.constant 0 : index
      %get3A_952 = tpu.vector_load %arg13[%get3A_950, %get3A_951] {strides = array<i32>} : memref<2560x16xi32, #tpu.memory_space<vmem>>, vector<16xi32>,
      %and3A_953 = vector.broadcast %scan3A_656 : i32 to vector<16xi32>
      %and3A_954 = arith.andi %get3A_952, %and3A_953 : vector<16xi32>
      %bitcast3A_955 = vector.bitcast %and3A_954 : vector<16xi32> to vector<16xf32>
      %shift_left3A_956 = arith.constant 16 : i32
      %shift_left3A_957 = vector.broadcast %shift_left3A_956 : i32 to vector<16xi32>
      %shift_left3A_958 = arith.shli %get3A_952, %shift_left3A_957 : vector<16xi32>
      %bitcast3A_959 = vector.bitcast %shift_left3A_958 : vector<16xi32> to vector<16xf32>
      %add3A_960 = arith.addf %add3A_946, %bitcast3A_955 : vector<16xf32>
      %add3A_961 = arith.addf %add3A_947, %bitcast3A_959 : vector<16xf32>
      %add3A_962 = arith.constant 7 : i32
      %add3A_963 = arith.addi %mul3A_871, %add3A_962 : i32
      %get3A_964 = arith.index_cast %add3A_963 : i32 to index
      %get3A_965 = arith.constant 0 : index
      %get3A_966 = tpu.vector_load %arg13[%get3A_964, %get3A_965] {strides = array<i32>} : memref<2560x16xi32, #tpu.memory_space<vmem>>, vector<16xi32>,
      %and3A_967 = vector.broadcast %scan3A_656 : i32 to vector<16xi32>
      %and3A_968 = arith.andi %get3A_966, %and3A_967 : vector<16xi32>
      %bitcast3A_969 = vector.bitcast %and3A_968 : vector<16xi32> to vector<16xf32>
      %shift_left3A_970 = arith.constant 16 : i32
      %shift_left3A_971 = vector.broadcast %shift_left3A_970 : i32 to vector<16xi32>
      %shift_left3A_972 = arith.shli %get3A_966, %shift_left3A_971 : vector<16xi32>
      %bitcast3A_973 = vector.bitcast %shift_left3A_972 : vector<16xi32> to vector<16xf32>
      %add3A_974 = arith.addf %add3A_960, %bitcast3A_969 : vector<16xf32>
      %add3A_975 = arith.addf %add3A_961, %bitcast3A_973 : vector<16xf32>
      %add3A_976 = arith.constant 8 : i32
      %add3A_977 = arith.addi %mul3A_871, %add3A_976 : i32
      %get3A_978 = arith.index_cast %add3A_977 : i32 to index
      %get3A_979 = arith.constant 0 : index
      %get3A_980 = tpu.vector_load %arg13[%get3A_978, %get3A_979] {strides = array<i32>} : memref<2560x16xi32, #tpu.memory_space<vmem>>, vector<16xi32>,
      %and3A_981 = vector.broadcast %scan3A_656 : i32 to vector<16xi32>
      %and3A_982 = arith.andi %get3A_980, %and3A_981 : vector<16xi32>
      %bitcast3A_983 = vector.bitcast %and3A_982 : vector<16xi32> to vector<16xf32>
      %shift_left3A_984 = arith.constant 16 : i32
      %shift_left3A_985 = vector.broadcast %shift_left3A_984 : i32 to vector<16xi32>
      %shift_left3A_986 = arith.shli %get3A_980, %shift_left3A_985 : vector<16xi32>
      %bitcast3A_987 = vector.bitcast %shift_left3A_986 : vector<16xi32> to vector<16xf32>
      %add3A_988 = arith.addf %add3A_974, %bitcast3A_983 : vector<16xf32>
      %add3A_989 = arith.addf %add3A_975, %bitcast3A_987 : vector<16xf32>
      %add3A_990 = arith.constant 9 : i32
      %add3A_991 = arith.addi %mul3A_871, %add3A_990 : i32
      %get3A_992 = arith.index_cast %add3A_991 : i32 to index
      %get3A_993 = arith.constant 0 : index
      %get3A_994 = tpu.vector_load %arg13[%get3A_992, %get3A_993] {strides = array<i32>} : memref<2560x16xi32, #tpu.memory_space<vmem>>, vector<16xi32>,
      %and3A_995 = vector.broadcast %scan3A_656 : i32 to vector<16xi32>
      %and3A_996 = arith.andi %get3A_994, %and3A_995 : vector<16xi32>
      %bitcast3A_997 = vector.bitcast %and3A_996 : vector<16xi32> to vector<16xf32>
      %shift_left3A_998 = arith.constant 16 : i32
      %shift_left3A_999 = vector.broadcast %shift_left3A_998 : i32 to vector<16xi32>
      %shift_left3A_1000 = arith.shli %get3A_994, %shift_left3A_999 : vector<16xi32>
      %bitcast3A_1001 = vector.bitcast %shift_left3A_1000 : vector<16xi32> to vector<16xf32>
      %add3A_1002 = arith.addf %add3A_988, %bitcast3A_997 : vector<16xf32>
      %add3A_1003 = arith.addf %add3A_989, %bitcast3A_1001 : vector<16xf32>
      %add3A_1004 = arith.constant 10 : i32
      %add3A_1005 = arith.addi %mul3A_871, %add3A_1004 : i32
      %get3A_1006 = arith.index_cast %add3A_1005 : i32 to index
      %get3A_1007 = arith.constant 0 : index
      %get3A_1008 = tpu.vector_load %arg13[%get3A_1006, %get3A_1007] {strides = array<i32>} : memref<2560x16xi32, #tpu.memory_space<vmem>>, vector<16xi32>,
      %and3A_1009 = vector.broadcast %scan3A_656 : i32 to vector<16xi32>
      %and3A_1010 = arith.andi %get3A_1008, %and3A_1009 : vector<16xi32>
      %bitcast3A_1011 = vector.bitcast %and3A_1010 : vector<16xi32> to vector<16xf32>
      %shift_left3A_1012 = arith.constant 16 : i32
      %shift_left3A_1013 = vector.broadcast %shift_left3A_1012 : i32 to vector<16xi32>
      %shift_left3A_1014 = arith.shli %get3A_1008, %shift_left3A_1013 : vector<16xi32>
      %bitcast3A_1015 = vector.bitcast %shift_left3A_1014 : vector<16xi32> to vector<16xf32>
      %add3A_1016 = arith.addf %add3A_1002, %bitcast3A_1011 : vector<16xf32>
      %add3A_1017 = arith.addf %add3A_1003, %bitcast3A_1015 : vector<16xf32>
      %add3A_1018 = arith.constant 11 : i32
      %add3A_1019 = arith.addi %mul3A_871, %add3A_1018 : i32
      %get3A_1020 = arith.index_cast %add3A_1019 : i32 to index
      %get3A_1021 = arith.constant 0 : index
      %get3A_1022 = tpu.vector_load %arg13[%get3A_1020, %get3A_1021] {strides = array<i32>} : memref<2560x16xi32, #tpu.memory_space<vmem>>, vector<16xi32>,
      %and3A_1023 = vector.broadcast %scan3A_656 : i32 to vector<16xi32>
      %and3A_1024 = arith.andi %get3A_1022, %and3A_1023 : vector<16xi32>
      %bitcast3A_1025 = vector.bitcast %and3A_1024 : vector<16xi32> to vector<16xf32>
      %shift_left3A_1026 = arith.constant 16 : i32
      %shift_left3A_1027 = vector.broadcast %shift_left3A_1026 : i32 to vector<16xi32>
      %shift_left3A_1028 = arith.shli %get3A_1022, %shift_left3A_1027 : vector<16xi32>
      %bitcast3A_1029 = vector.bitcast %shift_left3A_1028 : vector<16xi32> to vector<16xf32>
      %add3A_1030 = arith.addf %add3A_1016, %bitcast3A_1025 : vector<16xf32>
      %add3A_1031 = arith.addf %add3A_1017, %bitcast3A_1029 : vector<16xf32>
      %add3A_1032 = arith.constant 12 : i32
      %add3A_1033 = arith.addi %mul3A_871, %add3A_1032 : i32
      %get3A_1034 = arith.index_cast %add3A_1033 : i32 to index
      %get3A_1035 = arith.constant 0 : index
      %get3A_1036 = tpu.vector_load %arg13[%get3A_1034, %get3A_1035] {strides = array<i32>} : memref<2560x16xi32, #tpu.memory_space<vmem>>, vector<16xi32>,
      %and3A_1037 = vector.broadcast %scan3A_656 : i32 to vector<16xi32>
      %and3A_1038 = arith.andi %get3A_1036, %and3A_1037 : vector<16xi32>
      %bitcast3A_1039 = vector.bitcast %and3A_1038 : vector<16xi32> to vector<16xf32>
      %shift_left3A_1040 = arith.constant 16 : i32
      %shift_left3A_1041 = vector.broadcast %shift_left3A_1040 : i32 to vector<16xi32>
      %shift_left3A_1042 = arith.shli %get3A_1036, %shift_left3A_1041 : vector<16xi32>
      %bitcast3A_1043 = vector.bitcast %shift_left3A_1042 : vector<16xi32> to vector<16xf32>
      %add3A_1044 = arith.addf %add3A_1030, %bitcast3A_1039 : vector<16xf32>
      %add3A_1045 = arith.addf %add3A_1031, %bitcast3A_1043 : vector<16xf32>
      %add3A_1046 = arith.constant 13 : i32
      %add3A_1047 = arith.addi %mul3A_871, %add3A_1046 : i32
      %get3A_1048 = arith.index_cast %add3A_1047 : i32 to index
      %get3A_1049 = arith.constant 0 : index
      %get3A_1050 = tpu.vector_load %arg13[%get3A_1048, %get3A_1049] {strides = array<i32>} : memref<2560x16xi32, #tpu.memory_space<vmem>>, vector<16xi32>,
      %and3A_1051 = vector.broadcast %scan3A_656 : i32 to vector<16xi32>
      %and3A_1052 = arith.andi %get3A_1050, %and3A_1051 : vector<16xi32>
      %bitcast3A_1053 = vector.bitcast %and3A_1052 : vector<16xi32> to vector<16xf32>
      %shift_left3A_1054 = arith.constant 16 : i32
      %shift_left3A_1055 = vector.broadcast %shift_left3A_1054 : i32 to vector<16xi32>
      %shift_left3A_1056 = arith.shli %get3A_1050, %shift_left3A_1055 : vector<16xi32>
      %bitcast3A_1057 = vector.bitcast %shift_left3A_1056 : vector<16xi32> to vector<16xf32>
      %add3A_1058 = arith.addf %add3A_1044, %bitcast3A_1053 : vector<16xf32>
      %add3A_1059 = arith.addf %add3A_1045, %bitcast3A_1057 : vector<16xf32>
      %add3A_1060 = arith.constant 14 : i32
      %add3A_1061 = arith.addi %mul3A_871, %add3A_1060 : i32
      %get3A_1062 = arith.index_cast %add3A_1061 : i32 to index
      %get3A_1063 = arith.constant 0 : index
      %get3A_1064 = tpu.vector_load %arg13[%get3A_1062, %get3A_1063] {strides = array<i32>} : memref<2560x16xi32, #tpu.memory_space<vmem>>, vector<16xi32>,
      %and3A_1065 = vector.broadcast %scan3A_656 : i32 to vector<16xi32>
      %and3A_1066 = arith.andi %get3A_1064, %and3A_1065 : vector<16xi32>
      %bitcast3A_1067 = vector.bitcast %and3A_1066 : vector<16xi32> to vector<16xf32>
      %shift_left3A_1068 = arith.constant 16 : i32
      %shift_left3A_1069 = vector.broadcast %shift_left3A_1068 : i32 to vector<16xi32>
      %shift_left3A_1070 = arith.shli %get3A_1064, %shift_left3A_1069 : vector<16xi32>
      %bitcast3A_1071 = vector.bitcast %shift_left3A_1070 : vector<16xi32> to vector<16xf32>
      %add3A_1072 = arith.addf %add3A_1058, %bitcast3A_1067 : vector<16xf32>
      %add3A_1073 = arith.addf %add3A_1059, %bitcast3A_1071 : vector<16xf32>
      %add3A_1074 = arith.constant 15 : i32
      %add3A_1075 = arith.addi %mul3A_871, %add3A_1074 : i32
      %get3A_1076 = arith.index_cast %add3A_1075 : i32 to index
      %get3A_1077 = arith.constant 0 : index
      %get3A_1078 = tpu.vector_load %arg13[%get3A_1076, %get3A_1077] {strides = array<i32>} : memref<2560x16xi32, #tpu.memory_space<vmem>>, vector<16xi32>,
      %and3A_1079 = vector.broadcast %scan3A_656 : i32 to vector<16xi32>
      %and3A_1080 = arith.andi %get3A_1078, %and3A_1079 : vector<16xi32>
      %bitcast3A_1081 = vector.bitcast %and3A_1080 : vector<16xi32> to vector<16xf32>
      %shift_left3A_1082 = arith.constant 16 : i32
      %shift_left3A_1083 = vector.broadcast %shift_left3A_1082 : i32 to vector<16xi32>
      %shift_left3A_1084 = arith.shli %get3A_1078, %shift_left3A_1083 : vector<16xi32>
      %bitcast3A_1085 = vector.bitcast %shift_left3A_1084 : vector<16xi32> to vector<16xf32>
      %add3A_1086 = arith.addf %add3A_1072, %bitcast3A_1081 : vector<16xf32>
      %add3A_1087 = arith.addf %add3A_1073, %bitcast3A_1085 : vector<16xf32>
      %add3A_1088 = arith.constant 16 : i32
      %add3A_1089 = arith.addi %mul3A_871, %add3A_1088 : i32
      %get3A_1090 = arith.index_cast %add3A_1089 : i32 to index
      %get3A_1091 = arith.constant 0 : index
      %get3A_1092 = tpu.vector_load %arg13[%get3A_1090, %get3A_1091] {strides = array<i32>} : memref<2560x16xi32, #tpu.memory_space<vmem>>, vector<16xi32>,
      %and3A_1093 = vector.broadcast %scan3A_656 : i32 to vector<16xi32>
      %and3A_1094 = arith.andi %get3A_1092, %and3A_1093 : vector<16xi32>
      %bitcast3A_1095 = vector.bitcast %and3A_1094 : vector<16xi32> to vector<16xf32>
      %shift_left3A_1096 = arith.constant 16 : i32
      %shift_left3A_1097 = vector.broadcast %shift_left3A_1096 : i32 to vector<16xi32>
      %shift_left3A_1098 = arith.shli %get3A_1092, %shift_left3A_1097 : vector<16xi32>
      %bitcast3A_1099 = vector.bitcast %shift_left3A_1098 : vector<16xi32> to vector<16xf32>
      %add3A_1100 = arith.addf %add3A_1086, %bitcast3A_1095 : vector<16xf32>
      %add3A_1101 = arith.addf %add3A_1087, %bitcast3A_1099 : vector<16xf32>
      %add3A_1102 = arith.constant 17 : i32
      %add3A_1103 = arith.addi %mul3A_871, %add3A_1102 : i32
      %get3A_1104 = arith.index_cast %add3A_1103 : i32 to index
      %get3A_1105 = arith.constant 0 : index
      %get3A_1106 = tpu.vector_load %arg13[%get3A_1104, %get3A_1105] {strides = array<i32>} : memref<2560x16xi32, #tpu.memory_space<vmem>>, vector<16xi32>,
      %and3A_1107 = vector.broadcast %scan3A_656 : i32 to vector<16xi32>
      %and3A_1108 = arith.andi %get3A_1106, %and3A_1107 : vector<16xi32>
      %bitcast3A_1109 = vector.bitcast %and3A_1108 : vector<16xi32> to vector<16xf32>
      %shift_left3A_1110 = arith.constant 16 : i32
      %shift_left3A_1111 = vector.broadcast %shift_left3A_1110 : i32 to vector<16xi32>
      %shift_left3A_1112 = arith.shli %get3A_1106, %shift_left3A_1111 : vector<16xi32>
      %bitcast3A_1113 = vector.bitcast %shift_left3A_1112 : vector<16xi32> to vector<16xf32>
      %add3A_1114 = arith.addf %add3A_1100, %bitcast3A_1109 : vector<16xf32>
      %add3A_1115 = arith.addf %add3A_1101, %bitcast3A_1113 : vector<16xf32>
      %add3A_1116 = arith.constant 18 : i32
      %add3A_1117 = arith.addi %mul3A_871, %add3A_1116 : i32
      %get3A_1118 = arith.index_cast %add3A_1117 : i32 to index
      %get3A_1119 = arith.constant 0 : index
      %get3A_1120 = tpu.vector_load %arg13[%get3A_1118, %get3A_1119] {strides = array<i32>} : memref<2560x16xi32, #tpu.memory_space<vmem>>, vector<16xi32>,
      %and3A_1121 = vector.broadcast %scan3A_656 : i32 to vector<16xi32>
      %and3A_1122 = arith.andi %get3A_1120, %and3A_1121 : vector<16xi32>
      %bitcast3A_1123 = vector.bitcast %and3A_1122 : vector<16xi32> to vector<16xf32>
      %shift_left3A_1124 = arith.constant 16 : i32
      %shift_left3A_1125 = vector.broadcast %shift_left3A_1124 : i32 to vector<16xi32>
      %shift_left3A_1126 = arith.shli %get3A_1120, %shift_left3A_1125 : vector<16xi32>
      %bitcast3A_1127 = vector.bitcast %shift_left3A_1126 : vector<16xi32> to vector<16xf32>
      %add3A_1128 = arith.addf %add3A_1114, %bitcast3A_1123 : vector<16xf32>
      %add3A_1129 = arith.addf %add3A_1115, %bitcast3A_1127 : vector<16xf32>
      %add3A_1130 = arith.constant 19 : i32
      %add3A_1131 = arith.addi %mul3A_871, %add3A_1130 : i32
      %get3A_1132 = arith.index_cast %add3A_1131 : i32 to index
      %get3A_1133 = arith.constant 0 : index
      %get3A_1134 = tpu.vector_load %arg13[%get3A_1132, %get3A_1133] {strides = array<i32>} : memref<2560x16xi32, #tpu.memory_space<vmem>>, vector<16xi32>,
      %and3A_1135 = vector.broadcast %scan3A_656 : i32 to vector<16xi32>
      %and3A_1136 = arith.andi %get3A_1134, %and3A_1135 : vector<16xi32>
      %bitcast3A_1137 = vector.bitcast %and3A_1136 : vector<16xi32> to vector<16xf32>
      %shift_left3A_1138 = arith.constant 16 : i32
      %shift_left3A_1139 = vector.broadcast %shift_left3A_1138 : i32 to vector<16xi32>
      %shift_left3A_1140 = arith.shli %get3A_1134, %shift_left3A_1139 : vector<16xi32>
      %bitcast3A_1141 = vector.bitcast %shift_left3A_1140 : vector<16xi32> to vector<16xf32>
      %add3A_1142 = arith.addf %add3A_1128, %bitcast3A_1137 : vector<16xf32>
      %add3A_1143 = arith.addf %add3A_1129, %bitcast3A_1141 : vector<16xf32>
      %swap3A = arith.index_cast %scan3A_869 : i32 to index
      %swap3A_1144 = arith.constant 0 : index
      %swap3A_1145 = tpu.vector_load %arg16[%swap3A, %swap3A_1144] {strides = array<i32>} : memref<128x32xf32, #tpu.memory_space<vmem>>, vector<16xf32>,
      tpu.vector_store %arg16[%swap3A, %swap3A_1144], %add3A_1142 {strides = array<i32>} : memref<128x32xf32, #tpu.memory_space<vmem>>, vector<16xf32>,
      %swap3A_1146 = arith.index_cast %scan3A_869 : i32 to index
      %swap3A_1147 = arith.constant 16 : index
      %swap3A_1148 = tpu.vector_load %arg16[%swap3A_1146, %swap3A_1147] {strides = array<i32>} : memref<128x32xf32, #tpu.memory_space<vmem>>, vector<16xf32>,
      tpu.vector_store %arg16[%swap3A_1146, %swap3A_1147], %add3A_1143 {strides = array<i32>} : memref<128x32xf32, #tpu.memory_space<vmem>>, vector<16xf32>,
    }
    %scan3A_661 = arith.constant 128 : i32
    "tpu.region"() ({
      %run_scoped3A_869 = tpu.sem_alloc : memref<!tpu.dma_semaphore, #tpu.memory_space<semaphore_mem>>
      %dma_start3A_870 = arith.constant 0 : i32
      %dma_start3A_871 = tpu.memref_slice %arg9[%mul3A_2, %dma_start3A_870] : memref<4096x32xf32, #tpu.memory_space<hbm>> -> memref<128x32xf32, #tpu.memory_space<hbm>>
      %dma_start3A_872 = arith.constant 0 : i32
      %dma_start3A_873 = tpu.memref_slice %arg9[%mul3A_2, %dma_start3A_872] : memref<4096x32xf32, #tpu.memory_space<hbm>> -> memref<128x32xf32, #tpu.memory_space<hbm>>
      tpu.enqueue_dma source(%arg16 : memref<128x32xf32, #tpu.memory_space<vmem>>) target(%dma_start3A_873 : memref<128x32xf32, #tpu.memory_space<hbm>>) target_semaphore(%run_scoped3A_869 : memref<!tpu.dma_semaphore, #tpu.memory_space<semaphore_mem>>)
      %dma_wait3A_874 = arith.constant 0 : i32
      %dma_wait3A_875 = tpu.memref_slice %arg9[%mul3A_2, %dma_wait3A_874] : memref<4096x32xf32, #tpu.memory_space<hbm>> -> memref<128x32xf32, #tpu.memory_space<hbm>>
      %dma_wait3A_876 = arith.constant 0 : i32
      %dma_wait3A_877 = tpu.memref_slice %arg9[%mul3A_2, %dma_wait3A_876] : memref<4096x32xf32, #tpu.memory_space<hbm>> -> memref<128x32xf32, #tpu.memory_space<hbm>>
      tpu.wait_dma2 semaphore(%run_scoped3A_869 : memref<!tpu.dma_semaphore, #tpu.memory_space<semaphore_mem>>) src(%arg16 : memref<128x32xf32, #tpu.memory_space<vmem>>) dst(%dma_wait3A_877 : memref<128x32xf32, #tpu.memory_space<hbm>>)
      tpu.yield
    }) : () -> ()
    %dma_wait3A_662 = arith.constant 20 : i32
    %dma_wait3A_663 = arith.constant 0 : i32
    %dma_wait3A_664 = arith.constant 0 : i32
    %dma_wait3A_665 = tpu.memref_slice %arg14[%dma_wait3A_663, %dma_wait3A_664] : memref<2560x16xi32, #tpu.memory_space<vmem>> -> memref<128x16xi32, #tpu.memory_space<vmem>>
    %dma_wait3A_666 = arith.constant 0 : i32
    %dma_wait3A_667 = tpu.memref_slice %arg11[%dma_wait3A_662, %dma_wait3A_666] : memref<40x128xi32, #tpu.memory_space<vmem>> -> memref<1x128xi32, #tpu.memory_space<vmem>>
    %dma_wait3A_668 = tpu.memref_squeeze %dma_wait3A_667 : memref<1x128xi32, #tpu.memory_space<vmem>> -> memref<128xi32, #tpu.memory_space<vmem>>
    %dma_wait3A_669 = arith.constant 0 : i32
    %dma_wait3A_670 = arith.constant 0 : i32
    %dma_wait3A_671 = tpu.memref_slice %arg2[%dma_wait3A_669, %dma_wait3A_670] : memref<1048576x16xi32, #tpu.memory_space<hbm>> -> memref<1048576x16xi32, #tpu.memory_space<hbm>>
    tpu.wait_indirect_dma semaphore(%arg19 : memref<!tpu.dma_semaphore, #tpu.memory_space<semaphore_mem>>) src(%dma_wait3A_671 : memref<1048576x16xi32, #tpu.memory_space<hbm>>) dst(%dma_wait3A_665 : memref<128x16xi32, #tpu.memory_space<vmem>>)
    %dma_wait3A_672 = arith.constant 21 : i32
    %dma_wait3A_673 = arith.constant 128 : i32
    %dma_wait3A_674 = arith.constant 0 : i32
    %dma_wait3A_675 = tpu.memref_slice %arg14[%dma_wait3A_673, %dma_wait3A_674] : memref<2560x16xi32, #tpu.memory_space<vmem>> -> memref<128x16xi32, #tpu.memory_space<vmem>>
    %dma_wait3A_676 = arith.constant 0 : i32
    %dma_wait3A_677 = tpu.memref_slice %arg11[%dma_wait3A_672, %dma_wait3A_676] : memref<40x128xi32, #tpu.memory_space<vmem>> -> memref<1x128xi32, #tpu.memory_space<vmem>>
    %dma_wait3A_678 = tpu.memref_squeeze %dma_wait3A_677 : memref<1x128xi32, #tpu.memory_space<vmem>> -> memref<128xi32, #tpu.memory_space<vmem>>
    %dma_wait3A_679 = arith.constant 0 : i32
    %dma_wait3A_680 = arith.constant 0 : i32
    %dma_wait3A_681 = tpu.memref_slice %arg2[%dma_wait3A_679, %dma_wait3A_680] : memref<1048576x16xi32, #tpu.memory_space<hbm>> -> memref<1048576x16xi32, #tpu.memory_space<hbm>>
    tpu.wait_indirect_dma semaphore(%arg19 : memref<!tpu.dma_semaphore, #tpu.memory_space<semaphore_mem>>) src(%dma_wait3A_681 : memref<1048576x16xi32, #tpu.memory_space<hbm>>) dst(%dma_wait3A_675 : memref<128x16xi32, #tpu.memory_space<vmem>>)
    %dma_wait3A_682 = arith.constant 22 : i32
    %dma_wait3A_683 = arith.constant 256 : i32
    %dma_wait3A_684 = arith.constant 0 : i32
    %dma_wait3A_685 = tpu.memref_slice %arg14[%dma_wait3A_683, %dma_wait3A_684] : memref<2560x16xi32, #tpu.memory_space<vmem>> -> memref<128x16xi32, #tpu.memory_space<vmem>>
    %dma_wait3A_686 = arith.constant 0 : i32
    %dma_wait3A_687 = tpu.memref_slice %arg11[%dma_wait3A_682, %dma_wait3A_686] : memref<40x128xi32, #tpu.memory_space<vmem>> -> memref<1x128xi32, #tpu.memory_space<vmem>>
    %dma_wait3A_688 = tpu.memref_squeeze %dma_wait3A_687 : memref<1x128xi32, #tpu.memory_space<vmem>> -> memref<128xi32, #tpu.memory_space<vmem>>
    %dma_wait3A_689 = arith.constant 0 : i32
    %dma_wait3A_690 = arith.constant 0 : i32
    %dma_wait3A_691 = tpu.memref_slice %arg2[%dma_wait3A_689, %dma_wait3A_690] : memref<1048576x16xi32, #tpu.memory_space<hbm>> -> memref<1048576x16xi32, #tpu.memory_space<hbm>>
    tpu.wait_indirect_dma semaphore(%arg19 : memref<!tpu.dma_semaphore, #tpu.memory_space<semaphore_mem>>) src(%dma_wait3A_691 : memref<1048576x16xi32, #tpu.memory_space<hbm>>) dst(%dma_wait3A_685 : memref<128x16xi32, #tpu.memory_space<vmem>>)
    %dma_wait3A_692 = arith.constant 23 : i32
    %dma_wait3A_693 = arith.constant 384 : i32
    %dma_wait3A_694 = arith.constant 0 : i32
    %dma_wait3A_695 = tpu.memref_slice %arg14[%dma_wait3A_693, %dma_wait3A_694] : memref<2560x16xi32, #tpu.memory_space<vmem>> -> memref<128x16xi32, #tpu.memory_space<vmem>>
    %dma_wait3A_696 = arith.constant 0 : i32
    %dma_wait3A_697 = tpu.memref_slice %arg11[%dma_wait3A_692, %dma_wait3A_696] : memref<40x128xi32, #tpu.memory_space<vmem>> -> memref<1x128xi32, #tpu.memory_space<vmem>>
    %dma_wait3A_698 = tpu.memref_squeeze %dma_wait3A_697 : memref<1x128xi32, #tpu.memory_space<vmem>> -> memref<128xi32, #tpu.memory_space<vmem>>
    %dma_wait3A_699 = arith.constant 0 : i32
    %dma_wait3A_700 = arith.constant 0 : i32
    %dma_wait3A_701 = tpu.memref_slice %arg2[%dma_wait3A_699, %dma_wait3A_700] : memref<1048576x16xi32, #tpu.memory_space<hbm>> -> memref<1048576x16xi32, #tpu.memory_space<hbm>>
    tpu.wait_indirect_dma semaphore(%arg19 : memref<!tpu.dma_semaphore, #tpu.memory_space<semaphore_mem>>) src(%dma_wait3A_701 : memref<1048576x16xi32, #tpu.memory_space<hbm>>) dst(%dma_wait3A_695 : memref<128x16xi32, #tpu.memory_space<vmem>>)
    %dma_wait3A_702 = arith.constant 24 : i32
    %dma_wait3A_703 = arith.constant 512 : i32
    %dma_wait3A_704 = arith.constant 0 : i32
    %dma_wait3A_705 = tpu.memref_slice %arg14[%dma_wait3A_703, %dma_wait3A_704] : memref<2560x16xi32, #tpu.memory_space<vmem>> -> memref<128x16xi32, #tpu.memory_space<vmem>>
    %dma_wait3A_706 = arith.constant 0 : i32
    %dma_wait3A_707 = tpu.memref_slice %arg11[%dma_wait3A_702, %dma_wait3A_706] : memref<40x128xi32, #tpu.memory_space<vmem>> -> memref<1x128xi32, #tpu.memory_space<vmem>>
    %dma_wait3A_708 = tpu.memref_squeeze %dma_wait3A_707 : memref<1x128xi32, #tpu.memory_space<vmem>> -> memref<128xi32, #tpu.memory_space<vmem>>
    %dma_wait3A_709 = arith.constant 0 : i32
    %dma_wait3A_710 = arith.constant 0 : i32
    %dma_wait3A_711 = tpu.memref_slice %arg2[%dma_wait3A_709, %dma_wait3A_710] : memref<1048576x16xi32, #tpu.memory_space<hbm>> -> memref<1048576x16xi32, #tpu.memory_space<hbm>>
    tpu.wait_indirect_dma semaphore(%arg19 : memref<!tpu.dma_semaphore, #tpu.memory_space<semaphore_mem>>) src(%dma_wait3A_711 : memref<1048576x16xi32, #tpu.memory_space<hbm>>) dst(%dma_wait3A_705 : memref<128x16xi32, #tpu.memory_space<vmem>>)
    %dma_wait3A_712 = arith.constant 25 : i32
    %dma_wait3A_713 = arith.constant 640 : i32
    %dma_wait3A_714 = arith.constant 0 : i32
    %dma_wait3A_715 = tpu.memref_slice %arg14[%dma_wait3A_713, %dma_wait3A_714] : memref<2560x16xi32, #tpu.memory_space<vmem>> -> memref<128x16xi32, #tpu.memory_space<vmem>>
    %dma_wait3A_716 = arith.constant 0 : i32
    %dma_wait3A_717 = tpu.memref_slice %arg11[%dma_wait3A_712, %dma_wait3A_716] : memref<40x128xi32, #tpu.memory_space<vmem>> -> memref<1x128xi32, #tpu.memory_space<vmem>>
    %dma_wait3A_718 = tpu.memref_squeeze %dma_wait3A_717 : memref<1x128xi32, #tpu.memory_space<vmem>> -> memref<128xi32, #tpu.memory_space<vmem>>
    %dma_wait3A_719 = arith.constant 0 : i32
    %dma_wait3A_720 = arith.constant 0 : i32
    %dma_wait3A_721 = tpu.memref_slice %arg2[%dma_wait3A_719, %dma_wait3A_720] : memref<1048576x16xi32, #tpu.memory_space<hbm>> -> memref<1048576x16xi32, #tpu.memory_space<hbm>>
    tpu.wait_indirect_dma semaphore(%arg19 : memref<!tpu.dma_semaphore, #tpu.memory_space<semaphore_mem>>) src(%dma_wait3A_721 : memref<1048576x16xi32, #tpu.memory_space<hbm>>) dst(%dma_wait3A_715 : memref<128x16xi32, #tpu.memory_space<vmem>>)
    %dma_wait3A_722 = arith.constant 26 : i32
    %dma_wait3A_723 = arith.constant 768 : i32
    %dma_wait3A_724 = arith.constant 0 : i32
    %dma_wait3A_725 = tpu.memref_slice %arg14[%dma_wait3A_723, %dma_wait3A_724] : memref<2560x16xi32, #tpu.memory_space<vmem>> -> memref<128x16xi32, #tpu.memory_space<vmem>>
    %dma_wait3A_726 = arith.constant 0 : i32
    %dma_wait3A_727 = tpu.memref_slice %arg11[%dma_wait3A_722, %dma_wait3A_726] : memref<40x128xi32, #tpu.memory_space<vmem>> -> memref<1x128xi32, #tpu.memory_space<vmem>>
    %dma_wait3A_728 = tpu.memref_squeeze %dma_wait3A_727 : memref<1x128xi32, #tpu.memory_space<vmem>> -> memref<128xi32, #tpu.memory_space<vmem>>
    %dma_wait3A_729 = arith.constant 0 : i32
    %dma_wait3A_730 = arith.constant 0 : i32
    %dma_wait3A_731 = tpu.memref_slice %arg2[%dma_wait3A_729, %dma_wait3A_730] : memref<1048576x16xi32, #tpu.memory_space<hbm>> -> memref<1048576x16xi32, #tpu.memory_space<hbm>>
    tpu.wait_indirect_dma semaphore(%arg19 : memref<!tpu.dma_semaphore, #tpu.memory_space<semaphore_mem>>) src(%dma_wait3A_731 : memref<1048576x16xi32, #tpu.memory_space<hbm>>) dst(%dma_wait3A_725 : memref<128x16xi32, #tpu.memory_space<vmem>>)
    %dma_wait3A_732 = arith.constant 27 : i32
    %dma_wait3A_733 = arith.constant 896 : i32
    %dma_wait3A_734 = arith.constant 0 : i32
    %dma_wait3A_735 = tpu.memref_slice %arg14[%dma_wait3A_733, %dma_wait3A_734] : memref<2560x16xi32, #tpu.memory_space<vmem>> -> memref<128x16xi32, #tpu.memory_space<vmem>>
    %dma_wait3A_736 = arith.constant 0 : i32
    %dma_wait3A_737 = tpu.memref_slice %arg11[%dma_wait3A_732, %dma_wait3A_736] : memref<40x128xi32, #tpu.memory_space<vmem>> -> memref<1x128xi32, #tpu.memory_space<vmem>>
    %dma_wait3A_738 = tpu.memref_squeeze %dma_wait3A_737 : memref<1x128xi32, #tpu.memory_space<vmem>> -> memref<128xi32, #tpu.memory_space<vmem>>
    %dma_wait3A_739 = arith.constant 0 : i32
    %dma_wait3A_740 = arith.constant 0 : i32
    %dma_wait3A_741 = tpu.memref_slice %arg2[%dma_wait3A_739, %dma_wait3A_740] : memref<1048576x16xi32, #tpu.memory_space<hbm>> -> memref<1048576x16xi32, #tpu.memory_space<hbm>>
    tpu.wait_indirect_dma semaphore(%arg19 : memref<!tpu.dma_semaphore, #tpu.memory_space<semaphore_mem>>) src(%dma_wait3A_741 : memref<1048576x16xi32, #tpu.memory_space<hbm>>) dst(%dma_wait3A_735 : memref<128x16xi32, #tpu.memory_space<vmem>>)
    %dma_wait3A_742 = arith.constant 28 : i32
    %dma_wait3A_743 = arith.constant 1024 : i32
    %dma_wait3A_744 = arith.constant 0 : i32
    %dma_wait3A_745 = tpu.memref_slice %arg14[%dma_wait3A_743, %dma_wait3A_744] : memref<2560x16xi32, #tpu.memory_space<vmem>> -> memref<128x16xi32, #tpu.memory_space<vmem>>
    %dma_wait3A_746 = arith.constant 0 : i32
    %dma_wait3A_747 = tpu.memref_slice %arg11[%dma_wait3A_742, %dma_wait3A_746] : memref<40x128xi32, #tpu.memory_space<vmem>> -> memref<1x128xi32, #tpu.memory_space<vmem>>
    %dma_wait3A_748 = tpu.memref_squeeze %dma_wait3A_747 : memref<1x128xi32, #tpu.memory_space<vmem>> -> memref<128xi32, #tpu.memory_space<vmem>>
    %dma_wait3A_749 = arith.constant 0 : i32
    %dma_wait3A_750 = arith.constant 0 : i32
    %dma_wait3A_751 = tpu.memref_slice %arg2[%dma_wait3A_749, %dma_wait3A_750] : memref<1048576x16xi32, #tpu.memory_space<hbm>> -> memref<1048576x16xi32, #tpu.memory_space<hbm>>
    tpu.wait_indirect_dma semaphore(%arg19 : memref<!tpu.dma_semaphore, #tpu.memory_space<semaphore_mem>>) src(%dma_wait3A_751 : memref<1048576x16xi32, #tpu.memory_space<hbm>>) dst(%dma_wait3A_745 : memref<128x16xi32, #tpu.memory_space<vmem>>)
    %dma_wait3A_752 = arith.constant 29 : i32
    %dma_wait3A_753 = arith.constant 1152 : i32
    %dma_wait3A_754 = arith.constant 0 : i32
    %dma_wait3A_755 = tpu.memref_slice %arg14[%dma_wait3A_753, %dma_wait3A_754] : memref<2560x16xi32, #tpu.memory_space<vmem>> -> memref<128x16xi32, #tpu.memory_space<vmem>>
    %dma_wait3A_756 = arith.constant 0 : i32
    %dma_wait3A_757 = tpu.memref_slice %arg11[%dma_wait3A_752, %dma_wait3A_756] : memref<40x128xi32, #tpu.memory_space<vmem>> -> memref<1x128xi32, #tpu.memory_space<vmem>>
    %dma_wait3A_758 = tpu.memref_squeeze %dma_wait3A_757 : memref<1x128xi32, #tpu.memory_space<vmem>> -> memref<128xi32, #tpu.memory_space<vmem>>
    %dma_wait3A_759 = arith.constant 0 : i32
    %dma_wait3A_760 = arith.constant 0 : i32
    %dma_wait3A_761 = tpu.memref_slice %arg2[%dma_wait3A_759, %dma_wait3A_760] : memref<1048576x16xi32, #tpu.memory_space<hbm>> -> memref<1048576x16xi32, #tpu.memory_space<hbm>>
    tpu.wait_indirect_dma semaphore(%arg19 : memref<!tpu.dma_semaphore, #tpu.memory_space<semaphore_mem>>) src(%dma_wait3A_761 : memref<1048576x16xi32, #tpu.memory_space<hbm>>) dst(%dma_wait3A_755 : memref<128x16xi32, #tpu.memory_space<vmem>>)
    %dma_wait3A_762 = arith.constant 30 : i32
    %dma_wait3A_763 = arith.constant 1280 : i32
    %dma_wait3A_764 = arith.constant 0 : i32
    %dma_wait3A_765 = tpu.memref_slice %arg14[%dma_wait3A_763, %dma_wait3A_764] : memref<2560x16xi32, #tpu.memory_space<vmem>> -> memref<128x16xi32, #tpu.memory_space<vmem>>
    %dma_wait3A_766 = arith.constant 0 : i32
    %dma_wait3A_767 = tpu.memref_slice %arg11[%dma_wait3A_762, %dma_wait3A_766] : memref<40x128xi32, #tpu.memory_space<vmem>> -> memref<1x128xi32, #tpu.memory_space<vmem>>
    %dma_wait3A_768 = tpu.memref_squeeze %dma_wait3A_767 : memref<1x128xi32, #tpu.memory_space<vmem>> -> memref<128xi32, #tpu.memory_space<vmem>>
    %dma_wait3A_769 = arith.constant 0 : i32
    %dma_wait3A_770 = arith.constant 0 : i32
    %dma_wait3A_771 = tpu.memref_slice %arg2[%dma_wait3A_769, %dma_wait3A_770] : memref<1048576x16xi32, #tpu.memory_space<hbm>> -> memref<1048576x16xi32, #tpu.memory_space<hbm>>
    tpu.wait_indirect_dma semaphore(%arg19 : memref<!tpu.dma_semaphore, #tpu.memory_space<semaphore_mem>>) src(%dma_wait3A_771 : memref<1048576x16xi32, #tpu.memory_space<hbm>>) dst(%dma_wait3A_765 : memref<128x16xi32, #tpu.memory_space<vmem>>)
    %dma_wait3A_772 = arith.constant 31 : i32
    %dma_wait3A_773 = arith.constant 1408 : i32
    %dma_wait3A_774 = arith.constant 0 : i32
    %dma_wait3A_775 = tpu.memref_slice %arg14[%dma_wait3A_773, %dma_wait3A_774] : memref<2560x16xi32, #tpu.memory_space<vmem>> -> memref<128x16xi32, #tpu.memory_space<vmem>>
    %dma_wait3A_776 = arith.constant 0 : i32
    %dma_wait3A_777 = tpu.memref_slice %arg11[%dma_wait3A_772, %dma_wait3A_776] : memref<40x128xi32, #tpu.memory_space<vmem>> -> memref<1x128xi32, #tpu.memory_space<vmem>>
    %dma_wait3A_778 = tpu.memref_squeeze %dma_wait3A_777 : memref<1x128xi32, #tpu.memory_space<vmem>> -> memref<128xi32, #tpu.memory_space<vmem>>
    %dma_wait3A_779 = arith.constant 0 : i32
    %dma_wait3A_780 = arith.constant 0 : i32
    %dma_wait3A_781 = tpu.memref_slice %arg2[%dma_wait3A_779, %dma_wait3A_780] : memref<1048576x16xi32, #tpu.memory_space<hbm>> -> memref<1048576x16xi32, #tpu.memory_space<hbm>>
    tpu.wait_indirect_dma semaphore(%arg19 : memref<!tpu.dma_semaphore, #tpu.memory_space<semaphore_mem>>) src(%dma_wait3A_781 : memref<1048576x16xi32, #tpu.memory_space<hbm>>) dst(%dma_wait3A_775 : memref<128x16xi32, #tpu.memory_space<vmem>>)
    %dma_wait3A_782 = arith.constant 32 : i32
    %dma_wait3A_783 = arith.constant 1536 : i32
    %dma_wait3A_784 = arith.constant 0 : i32
    %dma_wait3A_785 = tpu.memref_slice %arg14[%dma_wait3A_783, %dma_wait3A_784] : memref<2560x16xi32, #tpu.memory_space<vmem>> -> memref<128x16xi32, #tpu.memory_space<vmem>>
    %dma_wait3A_786 = arith.constant 0 : i32
    %dma_wait3A_787 = tpu.memref_slice %arg11[%dma_wait3A_782, %dma_wait3A_786] : memref<40x128xi32, #tpu.memory_space<vmem>> -> memref<1x128xi32, #tpu.memory_space<vmem>>
    %dma_wait3A_788 = tpu.memref_squeeze %dma_wait3A_787 : memref<1x128xi32, #tpu.memory_space<vmem>> -> memref<128xi32, #tpu.memory_space<vmem>>
    %dma_wait3A_789 = arith.constant 0 : i32
    %dma_wait3A_790 = arith.constant 0 : i32
    %dma_wait3A_791 = tpu.memref_slice %arg2[%dma_wait3A_789, %dma_wait3A_790] : memref<1048576x16xi32, #tpu.memory_space<hbm>> -> memref<1048576x16xi32, #tpu.memory_space<hbm>>
    tpu.wait_indirect_dma semaphore(%arg19 : memref<!tpu.dma_semaphore, #tpu.memory_space<semaphore_mem>>) src(%dma_wait3A_791 : memref<1048576x16xi32, #tpu.memory_space<hbm>>) dst(%dma_wait3A_785 : memref<128x16xi32, #tpu.memory_space<vmem>>)
    %dma_wait3A_792 = arith.constant 33 : i32
    %dma_wait3A_793 = arith.constant 1664 : i32
    %dma_wait3A_794 = arith.constant 0 : i32
    %dma_wait3A_795 = tpu.memref_slice %arg14[%dma_wait3A_793, %dma_wait3A_794] : memref<2560x16xi32, #tpu.memory_space<vmem>> -> memref<128x16xi32, #tpu.memory_space<vmem>>
    %dma_wait3A_796 = arith.constant 0 : i32
    %dma_wait3A_797 = tpu.memref_slice %arg11[%dma_wait3A_792, %dma_wait3A_796] : memref<40x128xi32, #tpu.memory_space<vmem>> -> memref<1x128xi32, #tpu.memory_space<vmem>>
    %dma_wait3A_798 = tpu.memref_squeeze %dma_wait3A_797 : memref<1x128xi32, #tpu.memory_space<vmem>> -> memref<128xi32, #tpu.memory_space<vmem>>
    %dma_wait3A_799 = arith.constant 0 : i32
    %dma_wait3A_800 = arith.constant 0 : i32
    %dma_wait3A_801 = tpu.memref_slice %arg2[%dma_wait3A_799, %dma_wait3A_800] : memref<1048576x16xi32, #tpu.memory_space<hbm>> -> memref<1048576x16xi32, #tpu.memory_space<hbm>>
    tpu.wait_indirect_dma semaphore(%arg19 : memref<!tpu.dma_semaphore, #tpu.memory_space<semaphore_mem>>) src(%dma_wait3A_801 : memref<1048576x16xi32, #tpu.memory_space<hbm>>) dst(%dma_wait3A_795 : memref<128x16xi32, #tpu.memory_space<vmem>>)
    %dma_wait3A_802 = arith.constant 34 : i32
    %dma_wait3A_803 = arith.constant 1792 : i32
    %dma_wait3A_804 = arith.constant 0 : i32
    %dma_wait3A_805 = tpu.memref_slice %arg14[%dma_wait3A_803, %dma_wait3A_804] : memref<2560x16xi32, #tpu.memory_space<vmem>> -> memref<128x16xi32, #tpu.memory_space<vmem>>
    %dma_wait3A_806 = arith.constant 0 : i32
    %dma_wait3A_807 = tpu.memref_slice %arg11[%dma_wait3A_802, %dma_wait3A_806] : memref<40x128xi32, #tpu.memory_space<vmem>> -> memref<1x128xi32, #tpu.memory_space<vmem>>
    %dma_wait3A_808 = tpu.memref_squeeze %dma_wait3A_807 : memref<1x128xi32, #tpu.memory_space<vmem>> -> memref<128xi32, #tpu.memory_space<vmem>>
    %dma_wait3A_809 = arith.constant 0 : i32
    %dma_wait3A_810 = arith.constant 0 : i32
    %dma_wait3A_811 = tpu.memref_slice %arg2[%dma_wait3A_809, %dma_wait3A_810] : memref<1048576x16xi32, #tpu.memory_space<hbm>> -> memref<1048576x16xi32, #tpu.memory_space<hbm>>
    tpu.wait_indirect_dma semaphore(%arg19 : memref<!tpu.dma_semaphore, #tpu.memory_space<semaphore_mem>>) src(%dma_wait3A_811 : memref<1048576x16xi32, #tpu.memory_space<hbm>>) dst(%dma_wait3A_805 : memref<128x16xi32, #tpu.memory_space<vmem>>)
    %dma_wait3A_812 = arith.constant 35 : i32
    %dma_wait3A_813 = arith.constant 1920 : i32
    %dma_wait3A_814 = arith.constant 0 : i32
    %dma_wait3A_815 = tpu.memref_slice %arg14[%dma_wait3A_813, %dma_wait3A_814] : memref<2560x16xi32, #tpu.memory_space<vmem>> -> memref<128x16xi32, #tpu.memory_space<vmem>>
    %dma_wait3A_816 = arith.constant 0 : i32
    %dma_wait3A_817 = tpu.memref_slice %arg11[%dma_wait3A_812, %dma_wait3A_816] : memref<40x128xi32, #tpu.memory_space<vmem>> -> memref<1x128xi32, #tpu.memory_space<vmem>>
    %dma_wait3A_818 = tpu.memref_squeeze %dma_wait3A_817 : memref<1x128xi32, #tpu.memory_space<vmem>> -> memref<128xi32, #tpu.memory_space<vmem>>
    %dma_wait3A_819 = arith.constant 0 : i32
    %dma_wait3A_820 = arith.constant 0 : i32
    %dma_wait3A_821 = tpu.memref_slice %arg2[%dma_wait3A_819, %dma_wait3A_820] : memref<1048576x16xi32, #tpu.memory_space<hbm>> -> memref<1048576x16xi32, #tpu.memory_space<hbm>>
    tpu.wait_indirect_dma semaphore(%arg19 : memref<!tpu.dma_semaphore, #tpu.memory_space<semaphore_mem>>) src(%dma_wait3A_821 : memref<1048576x16xi32, #tpu.memory_space<hbm>>) dst(%dma_wait3A_815 : memref<128x16xi32, #tpu.memory_space<vmem>>)
    %dma_wait3A_822 = arith.constant 36 : i32
    %dma_wait3A_823 = arith.constant 2048 : i32
    %dma_wait3A_824 = arith.constant 0 : i32
    %dma_wait3A_825 = tpu.memref_slice %arg14[%dma_wait3A_823, %dma_wait3A_824] : memref<2560x16xi32, #tpu.memory_space<vmem>> -> memref<128x16xi32, #tpu.memory_space<vmem>>
    %dma_wait3A_826 = arith.constant 0 : i32
    %dma_wait3A_827 = tpu.memref_slice %arg11[%dma_wait3A_822, %dma_wait3A_826] : memref<40x128xi32, #tpu.memory_space<vmem>> -> memref<1x128xi32, #tpu.memory_space<vmem>>
    %dma_wait3A_828 = tpu.memref_squeeze %dma_wait3A_827 : memref<1x128xi32, #tpu.memory_space<vmem>> -> memref<128xi32, #tpu.memory_space<vmem>>
    %dma_wait3A_829 = arith.constant 0 : i32
    %dma_wait3A_830 = arith.constant 0 : i32
    %dma_wait3A_831 = tpu.memref_slice %arg2[%dma_wait3A_829, %dma_wait3A_830] : memref<1048576x16xi32, #tpu.memory_space<hbm>> -> memref<1048576x16xi32, #tpu.memory_space<hbm>>
    tpu.wait_indirect_dma semaphore(%arg19 : memref<!tpu.dma_semaphore, #tpu.memory_space<semaphore_mem>>) src(%dma_wait3A_831 : memref<1048576x16xi32, #tpu.memory_space<hbm>>) dst(%dma_wait3A_825 : memref<128x16xi32, #tpu.memory_space<vmem>>)
    %dma_wait3A_832 = arith.constant 37 : i32
    %dma_wait3A_833 = arith.constant 2176 : i32
    %dma_wait3A_834 = arith.constant 0 : i32
    %dma_wait3A_835 = tpu.memref_slice %arg14[%dma_wait3A_833, %dma_wait3A_834] : memref<2560x16xi32, #tpu.memory_space<vmem>> -> memref<128x16xi32, #tpu.memory_space<vmem>>
    %dma_wait3A_836 = arith.constant 0 : i32
    %dma_wait3A_837 = tpu.memref_slice %arg11[%dma_wait3A_832, %dma_wait3A_836] : memref<40x128xi32, #tpu.memory_space<vmem>> -> memref<1x128xi32, #tpu.memory_space<vmem>>
    %dma_wait3A_838 = tpu.memref_squeeze %dma_wait3A_837 : memref<1x128xi32, #tpu.memory_space<vmem>> -> memref<128xi32, #tpu.memory_space<vmem>>
    %dma_wait3A_839 = arith.constant 0 : i32
    %dma_wait3A_840 = arith.constant 0 : i32
    %dma_wait3A_841 = tpu.memref_slice %arg2[%dma_wait3A_839, %dma_wait3A_840] : memref<1048576x16xi32, #tpu.memory_space<hbm>> -> memref<1048576x16xi32, #tpu.memory_space<hbm>>
    tpu.wait_indirect_dma semaphore(%arg19 : memref<!tpu.dma_semaphore, #tpu.memory_space<semaphore_mem>>) src(%dma_wait3A_841 : memref<1048576x16xi32, #tpu.memory_space<hbm>>) dst(%dma_wait3A_835 : memref<128x16xi32, #tpu.memory_space<vmem>>)
    %dma_wait3A_842 = arith.constant 38 : i32
    %dma_wait3A_843 = arith.constant 2304 : i32
    %dma_wait3A_844 = arith.constant 0 : i32
    %dma_wait3A_845 = tpu.memref_slice %arg14[%dma_wait3A_843, %dma_wait3A_844] : memref<2560x16xi32, #tpu.memory_space<vmem>> -> memref<128x16xi32, #tpu.memory_space<vmem>>
    %dma_wait3A_846 = arith.constant 0 : i32
    %dma_wait3A_847 = tpu.memref_slice %arg11[%dma_wait3A_842, %dma_wait3A_846] : memref<40x128xi32, #tpu.memory_space<vmem>> -> memref<1x128xi32, #tpu.memory_space<vmem>>
    %dma_wait3A_848 = tpu.memref_squeeze %dma_wait3A_847 : memref<1x128xi32, #tpu.memory_space<vmem>> -> memref<128xi32, #tpu.memory_space<vmem>>
    %dma_wait3A_849 = arith.constant 0 : i32
    %dma_wait3A_850 = arith.constant 0 : i32
    %dma_wait3A_851 = tpu.memref_slice %arg2[%dma_wait3A_849, %dma_wait3A_850] : memref<1048576x16xi32, #tpu.memory_space<hbm>> -> memref<1048576x16xi32, #tpu.memory_space<hbm>>
    tpu.wait_indirect_dma semaphore(%arg19 : memref<!tpu.dma_semaphore, #tpu.memory_space<semaphore_mem>>) src(%dma_wait3A_851 : memref<1048576x16xi32, #tpu.memory_space<hbm>>) dst(%dma_wait3A_845 : memref<128x16xi32, #tpu.memory_space<vmem>>)
    %dma_wait3A_852 = arith.constant 39 : i32
    %dma_wait3A_853 = arith.constant 2432 : i32
    %dma_wait3A_854 = arith.constant 0 : i32
    %dma_wait3A_855 = tpu.memref_slice %arg14[%dma_wait3A_853, %dma_wait3A_854] : memref<2560x16xi32, #tpu.memory_space<vmem>> -> memref<128x16xi32, #tpu.memory_space<vmem>>
    %dma_wait3A_856 = arith.constant 0 : i32
    %dma_wait3A_857 = tpu.memref_slice %arg11[%dma_wait3A_852, %dma_wait3A_856] : memref<40x128xi32, #tpu.memory_space<vmem>> -> memref<1x128xi32, #tpu.memory_space<vmem>>
    %dma_wait3A_858 = tpu.memref_squeeze %dma_wait3A_857 : memref<1x128xi32, #tpu.memory_space<vmem>> -> memref<128xi32, #tpu.memory_space<vmem>>
    %dma_wait3A_859 = arith.constant 0 : i32
    %dma_wait3A_860 = arith.constant 0 : i32
    %dma_wait3A_861 = tpu.memref_slice %arg2[%dma_wait3A_859, %dma_wait3A_860] : memref<1048576x16xi32, #tpu.memory_space<hbm>> -> memref<1048576x16xi32, #tpu.memory_space<hbm>>
    tpu.wait_indirect_dma semaphore(%arg19 : memref<!tpu.dma_semaphore, #tpu.memory_space<semaphore_mem>>) src(%dma_wait3A_861 : memref<1048576x16xi32, #tpu.memory_space<hbm>>) dst(%dma_wait3A_855 : memref<128x16xi32, #tpu.memory_space<vmem>>)
    %scan3A_862 = arith.constant 0 : i32
    %scan3A_863 = arith.constant -65536 : i32
    %scan3A_864 = arith.constant 0 : i32
    %scan3A_865 = arith.constant 128 : i32
    %scan3A_866 = arith.addi %scan3A_864, %scan3A_865 : i32
    %scan3A_867 = arith.constant 1 : i32
    scf.for %scan3A_869 = %scan3A_864 to %scan3A_866 step %scan3A_867  : i32 {
      %mul3A_870 = arith.constant 20 : i32
      %mul3A_871 = arith.muli %scan3A_869, %mul3A_870 : i32
      %get3A = arith.index_cast %mul3A_871 : i32 to index
      %get3A_872 = arith.constant 0 : index
      %get3A_873 = tpu.vector_load %arg14[%get3A, %get3A_872] {strides = array<i32>} : memref<2560x16xi32, #tpu.memory_space<vmem>>, vector<16xi32>,
      %and3A = vector.broadcast %scan3A_863 : i32 to vector<16xi32>
      %and3A_874 = arith.andi %get3A_873, %and3A : vector<16xi32>
      %bitcast3A = vector.bitcast %and3A_874 : vector<16xi32> to vector<16xf32>
      %shift_left3A = arith.constant 16 : i32
      %shift_left3A_875 = vector.broadcast %shift_left3A : i32 to vector<16xi32>
      %shift_left3A_876 = arith.shli %get3A_873, %shift_left3A_875 : vector<16xi32>
      %bitcast3A_877 = vector.bitcast %shift_left3A_876 : vector<16xi32> to vector<16xf32>
      %add3A_878 = arith.constant 1 : i32
      %add3A_879 = arith.addi %mul3A_871, %add3A_878 : i32
      %get3A_880 = arith.index_cast %add3A_879 : i32 to index
      %get3A_881 = arith.constant 0 : index
      %get3A_882 = tpu.vector_load %arg14[%get3A_880, %get3A_881] {strides = array<i32>} : memref<2560x16xi32, #tpu.memory_space<vmem>>, vector<16xi32>,
      %and3A_883 = vector.broadcast %scan3A_863 : i32 to vector<16xi32>
      %and3A_884 = arith.andi %get3A_882, %and3A_883 : vector<16xi32>
      %bitcast3A_885 = vector.bitcast %and3A_884 : vector<16xi32> to vector<16xf32>
      %shift_left3A_886 = arith.constant 16 : i32
      %shift_left3A_887 = vector.broadcast %shift_left3A_886 : i32 to vector<16xi32>
      %shift_left3A_888 = arith.shli %get3A_882, %shift_left3A_887 : vector<16xi32>
      %bitcast3A_889 = vector.bitcast %shift_left3A_888 : vector<16xi32> to vector<16xf32>
      %add3A_890 = arith.addf %bitcast3A, %bitcast3A_885 : vector<16xf32>
      %add3A_891 = arith.addf %bitcast3A_877, %bitcast3A_889 : vector<16xf32>
      %add3A_892 = arith.constant 2 : i32
      %add3A_893 = arith.addi %mul3A_871, %add3A_892 : i32
      %get3A_894 = arith.index_cast %add3A_893 : i32 to index
      %get3A_895 = arith.constant 0 : index
      %get3A_896 = tpu.vector_load %arg14[%get3A_894, %get3A_895] {strides = array<i32>} : memref<2560x16xi32, #tpu.memory_space<vmem>>, vector<16xi32>,
      %and3A_897 = vector.broadcast %scan3A_863 : i32 to vector<16xi32>
      %and3A_898 = arith.andi %get3A_896, %and3A_897 : vector<16xi32>
      %bitcast3A_899 = vector.bitcast %and3A_898 : vector<16xi32> to vector<16xf32>
      %shift_left3A_900 = arith.constant 16 : i32
      %shift_left3A_901 = vector.broadcast %shift_left3A_900 : i32 to vector<16xi32>
      %shift_left3A_902 = arith.shli %get3A_896, %shift_left3A_901 : vector<16xi32>
      %bitcast3A_903 = vector.bitcast %shift_left3A_902 : vector<16xi32> to vector<16xf32>
      %add3A_904 = arith.addf %add3A_890, %bitcast3A_899 : vector<16xf32>
      %add3A_905 = arith.addf %add3A_891, %bitcast3A_903 : vector<16xf32>
      %add3A_906 = arith.constant 3 : i32
      %add3A_907 = arith.addi %mul3A_871, %add3A_906 : i32
      %get3A_908 = arith.index_cast %add3A_907 : i32 to index
      %get3A_909 = arith.constant 0 : index
      %get3A_910 = tpu.vector_load %arg14[%get3A_908, %get3A_909] {strides = array<i32>} : memref<2560x16xi32, #tpu.memory_space<vmem>>, vector<16xi32>,
      %and3A_911 = vector.broadcast %scan3A_863 : i32 to vector<16xi32>
      %and3A_912 = arith.andi %get3A_910, %and3A_911 : vector<16xi32>
      %bitcast3A_913 = vector.bitcast %and3A_912 : vector<16xi32> to vector<16xf32>
      %shift_left3A_914 = arith.constant 16 : i32
      %shift_left3A_915 = vector.broadcast %shift_left3A_914 : i32 to vector<16xi32>
      %shift_left3A_916 = arith.shli %get3A_910, %shift_left3A_915 : vector<16xi32>
      %bitcast3A_917 = vector.bitcast %shift_left3A_916 : vector<16xi32> to vector<16xf32>
      %add3A_918 = arith.addf %add3A_904, %bitcast3A_913 : vector<16xf32>
      %add3A_919 = arith.addf %add3A_905, %bitcast3A_917 : vector<16xf32>
      %add3A_920 = arith.constant 4 : i32
      %add3A_921 = arith.addi %mul3A_871, %add3A_920 : i32
      %get3A_922 = arith.index_cast %add3A_921 : i32 to index
      %get3A_923 = arith.constant 0 : index
      %get3A_924 = tpu.vector_load %arg14[%get3A_922, %get3A_923] {strides = array<i32>} : memref<2560x16xi32, #tpu.memory_space<vmem>>, vector<16xi32>,
      %and3A_925 = vector.broadcast %scan3A_863 : i32 to vector<16xi32>
      %and3A_926 = arith.andi %get3A_924, %and3A_925 : vector<16xi32>
      %bitcast3A_927 = vector.bitcast %and3A_926 : vector<16xi32> to vector<16xf32>
      %shift_left3A_928 = arith.constant 16 : i32
      %shift_left3A_929 = vector.broadcast %shift_left3A_928 : i32 to vector<16xi32>
      %shift_left3A_930 = arith.shli %get3A_924, %shift_left3A_929 : vector<16xi32>
      %bitcast3A_931 = vector.bitcast %shift_left3A_930 : vector<16xi32> to vector<16xf32>
      %add3A_932 = arith.addf %add3A_918, %bitcast3A_927 : vector<16xf32>
      %add3A_933 = arith.addf %add3A_919, %bitcast3A_931 : vector<16xf32>
      %add3A_934 = arith.constant 5 : i32
      %add3A_935 = arith.addi %mul3A_871, %add3A_934 : i32
      %get3A_936 = arith.index_cast %add3A_935 : i32 to index
      %get3A_937 = arith.constant 0 : index
      %get3A_938 = tpu.vector_load %arg14[%get3A_936, %get3A_937] {strides = array<i32>} : memref<2560x16xi32, #tpu.memory_space<vmem>>, vector<16xi32>,
      %and3A_939 = vector.broadcast %scan3A_863 : i32 to vector<16xi32>
      %and3A_940 = arith.andi %get3A_938, %and3A_939 : vector<16xi32>
      %bitcast3A_941 = vector.bitcast %and3A_940 : vector<16xi32> to vector<16xf32>
      %shift_left3A_942 = arith.constant 16 : i32
      %shift_left3A_943 = vector.broadcast %shift_left3A_942 : i32 to vector<16xi32>
      %shift_left3A_944 = arith.shli %get3A_938, %shift_left3A_943 : vector<16xi32>
      %bitcast3A_945 = vector.bitcast %shift_left3A_944 : vector<16xi32> to vector<16xf32>
      %add3A_946 = arith.addf %add3A_932, %bitcast3A_941 : vector<16xf32>
      %add3A_947 = arith.addf %add3A_933, %bitcast3A_945 : vector<16xf32>
      %add3A_948 = arith.constant 6 : i32
      %add3A_949 = arith.addi %mul3A_871, %add3A_948 : i32
      %get3A_950 = arith.index_cast %add3A_949 : i32 to index
      %get3A_951 = arith.constant 0 : index
      %get3A_952 = tpu.vector_load %arg14[%get3A_950, %get3A_951] {strides = array<i32>} : memref<2560x16xi32, #tpu.memory_space<vmem>>, vector<16xi32>,
      %and3A_953 = vector.broadcast %scan3A_863 : i32 to vector<16xi32>
      %and3A_954 = arith.andi %get3A_952, %and3A_953 : vector<16xi32>
      %bitcast3A_955 = vector.bitcast %and3A_954 : vector<16xi32> to vector<16xf32>
      %shift_left3A_956 = arith.constant 16 : i32
      %shift_left3A_957 = vector.broadcast %shift_left3A_956 : i32 to vector<16xi32>
      %shift_left3A_958 = arith.shli %get3A_952, %shift_left3A_957 : vector<16xi32>
      %bitcast3A_959 = vector.bitcast %shift_left3A_958 : vector<16xi32> to vector<16xf32>
      %add3A_960 = arith.addf %add3A_946, %bitcast3A_955 : vector<16xf32>
      %add3A_961 = arith.addf %add3A_947, %bitcast3A_959 : vector<16xf32>
      %add3A_962 = arith.constant 7 : i32
      %add3A_963 = arith.addi %mul3A_871, %add3A_962 : i32
      %get3A_964 = arith.index_cast %add3A_963 : i32 to index
      %get3A_965 = arith.constant 0 : index
      %get3A_966 = tpu.vector_load %arg14[%get3A_964, %get3A_965] {strides = array<i32>} : memref<2560x16xi32, #tpu.memory_space<vmem>>, vector<16xi32>,
      %and3A_967 = vector.broadcast %scan3A_863 : i32 to vector<16xi32>
      %and3A_968 = arith.andi %get3A_966, %and3A_967 : vector<16xi32>
      %bitcast3A_969 = vector.bitcast %and3A_968 : vector<16xi32> to vector<16xf32>
      %shift_left3A_970 = arith.constant 16 : i32
      %shift_left3A_971 = vector.broadcast %shift_left3A_970 : i32 to vector<16xi32>
      %shift_left3A_972 = arith.shli %get3A_966, %shift_left3A_971 : vector<16xi32>
      %bitcast3A_973 = vector.bitcast %shift_left3A_972 : vector<16xi32> to vector<16xf32>
      %add3A_974 = arith.addf %add3A_960, %bitcast3A_969 : vector<16xf32>
      %add3A_975 = arith.addf %add3A_961, %bitcast3A_973 : vector<16xf32>
      %add3A_976 = arith.constant 8 : i32
      %add3A_977 = arith.addi %mul3A_871, %add3A_976 : i32
      %get3A_978 = arith.index_cast %add3A_977 : i32 to index
      %get3A_979 = arith.constant 0 : index
      %get3A_980 = tpu.vector_load %arg14[%get3A_978, %get3A_979] {strides = array<i32>} : memref<2560x16xi32, #tpu.memory_space<vmem>>, vector<16xi32>,
      %and3A_981 = vector.broadcast %scan3A_863 : i32 to vector<16xi32>
      %and3A_982 = arith.andi %get3A_980, %and3A_981 : vector<16xi32>
      %bitcast3A_983 = vector.bitcast %and3A_982 : vector<16xi32> to vector<16xf32>
      %shift_left3A_984 = arith.constant 16 : i32
      %shift_left3A_985 = vector.broadcast %shift_left3A_984 : i32 to vector<16xi32>
      %shift_left3A_986 = arith.shli %get3A_980, %shift_left3A_985 : vector<16xi32>
      %bitcast3A_987 = vector.bitcast %shift_left3A_986 : vector<16xi32> to vector<16xf32>
      %add3A_988 = arith.addf %add3A_974, %bitcast3A_983 : vector<16xf32>
      %add3A_989 = arith.addf %add3A_975, %bitcast3A_987 : vector<16xf32>
      %add3A_990 = arith.constant 9 : i32
      %add3A_991 = arith.addi %mul3A_871, %add3A_990 : i32
      %get3A_992 = arith.index_cast %add3A_991 : i32 to index
      %get3A_993 = arith.constant 0 : index
      %get3A_994 = tpu.vector_load %arg14[%get3A_992, %get3A_993] {strides = array<i32>} : memref<2560x16xi32, #tpu.memory_space<vmem>>, vector<16xi32>,
      %and3A_995 = vector.broadcast %scan3A_863 : i32 to vector<16xi32>
      %and3A_996 = arith.andi %get3A_994, %and3A_995 : vector<16xi32>
      %bitcast3A_997 = vector.bitcast %and3A_996 : vector<16xi32> to vector<16xf32>
      %shift_left3A_998 = arith.constant 16 : i32
      %shift_left3A_999 = vector.broadcast %shift_left3A_998 : i32 to vector<16xi32>
      %shift_left3A_1000 = arith.shli %get3A_994, %shift_left3A_999 : vector<16xi32>
      %bitcast3A_1001 = vector.bitcast %shift_left3A_1000 : vector<16xi32> to vector<16xf32>
      %add3A_1002 = arith.addf %add3A_988, %bitcast3A_997 : vector<16xf32>
      %add3A_1003 = arith.addf %add3A_989, %bitcast3A_1001 : vector<16xf32>
      %add3A_1004 = arith.constant 10 : i32
      %add3A_1005 = arith.addi %mul3A_871, %add3A_1004 : i32
      %get3A_1006 = arith.index_cast %add3A_1005 : i32 to index
      %get3A_1007 = arith.constant 0 : index
      %get3A_1008 = tpu.vector_load %arg14[%get3A_1006, %get3A_1007] {strides = array<i32>} : memref<2560x16xi32, #tpu.memory_space<vmem>>, vector<16xi32>,
      %and3A_1009 = vector.broadcast %scan3A_863 : i32 to vector<16xi32>
      %and3A_1010 = arith.andi %get3A_1008, %and3A_1009 : vector<16xi32>
      %bitcast3A_1011 = vector.bitcast %and3A_1010 : vector<16xi32> to vector<16xf32>
      %shift_left3A_1012 = arith.constant 16 : i32
      %shift_left3A_1013 = vector.broadcast %shift_left3A_1012 : i32 to vector<16xi32>
      %shift_left3A_1014 = arith.shli %get3A_1008, %shift_left3A_1013 : vector<16xi32>
      %bitcast3A_1015 = vector.bitcast %shift_left3A_1014 : vector<16xi32> to vector<16xf32>
      %add3A_1016 = arith.addf %add3A_1002, %bitcast3A_1011 : vector<16xf32>
      %add3A_1017 = arith.addf %add3A_1003, %bitcast3A_1015 : vector<16xf32>
      %add3A_1018 = arith.constant 11 : i32
      %add3A_1019 = arith.addi %mul3A_871, %add3A_1018 : i32
      %get3A_1020 = arith.index_cast %add3A_1019 : i32 to index
      %get3A_1021 = arith.constant 0 : index
      %get3A_1022 = tpu.vector_load %arg14[%get3A_1020, %get3A_1021] {strides = array<i32>} : memref<2560x16xi32, #tpu.memory_space<vmem>>, vector<16xi32>,
      %and3A_1023 = vector.broadcast %scan3A_863 : i32 to vector<16xi32>
      %and3A_1024 = arith.andi %get3A_1022, %and3A_1023 : vector<16xi32>
      %bitcast3A_1025 = vector.bitcast %and3A_1024 : vector<16xi32> to vector<16xf32>
      %shift_left3A_1026 = arith.constant 16 : i32
      %shift_left3A_1027 = vector.broadcast %shift_left3A_1026 : i32 to vector<16xi32>
      %shift_left3A_1028 = arith.shli %get3A_1022, %shift_left3A_1027 : vector<16xi32>
      %bitcast3A_1029 = vector.bitcast %shift_left3A_1028 : vector<16xi32> to vector<16xf32>
      %add3A_1030 = arith.addf %add3A_1016, %bitcast3A_1025 : vector<16xf32>
      %add3A_1031 = arith.addf %add3A_1017, %bitcast3A_1029 : vector<16xf32>
      %add3A_1032 = arith.constant 12 : i32
      %add3A_1033 = arith.addi %mul3A_871, %add3A_1032 : i32
      %get3A_1034 = arith.index_cast %add3A_1033 : i32 to index
      %get3A_1035 = arith.constant 0 : index
      %get3A_1036 = tpu.vector_load %arg14[%get3A_1034, %get3A_1035] {strides = array<i32>} : memref<2560x16xi32, #tpu.memory_space<vmem>>, vector<16xi32>,
      %and3A_1037 = vector.broadcast %scan3A_863 : i32 to vector<16xi32>
      %and3A_1038 = arith.andi %get3A_1036, %and3A_1037 : vector<16xi32>
      %bitcast3A_1039 = vector.bitcast %and3A_1038 : vector<16xi32> to vector<16xf32>
      %shift_left3A_1040 = arith.constant 16 : i32
      %shift_left3A_1041 = vector.broadcast %shift_left3A_1040 : i32 to vector<16xi32>
      %shift_left3A_1042 = arith.shli %get3A_1036, %shift_left3A_1041 : vector<16xi32>
      %bitcast3A_1043 = vector.bitcast %shift_left3A_1042 : vector<16xi32> to vector<16xf32>
      %add3A_1044 = arith.addf %add3A_1030, %bitcast3A_1039 : vector<16xf32>
      %add3A_1045 = arith.addf %add3A_1031, %bitcast3A_1043 : vector<16xf32>
      %add3A_1046 = arith.constant 13 : i32
      %add3A_1047 = arith.addi %mul3A_871, %add3A_1046 : i32
      %get3A_1048 = arith.index_cast %add3A_1047 : i32 to index
      %get3A_1049 = arith.constant 0 : index
      %get3A_1050 = tpu.vector_load %arg14[%get3A_1048, %get3A_1049] {strides = array<i32>} : memref<2560x16xi32, #tpu.memory_space<vmem>>, vector<16xi32>,
      %and3A_1051 = vector.broadcast %scan3A_863 : i32 to vector<16xi32>
      %and3A_1052 = arith.andi %get3A_1050, %and3A_1051 : vector<16xi32>
      %bitcast3A_1053 = vector.bitcast %and3A_1052 : vector<16xi32> to vector<16xf32>
      %shift_left3A_1054 = arith.constant 16 : i32
      %shift_left3A_1055 = vector.broadcast %shift_left3A_1054 : i32 to vector<16xi32>
      %shift_left3A_1056 = arith.shli %get3A_1050, %shift_left3A_1055 : vector<16xi32>
      %bitcast3A_1057 = vector.bitcast %shift_left3A_1056 : vector<16xi32> to vector<16xf32>
      %add3A_1058 = arith.addf %add3A_1044, %bitcast3A_1053 : vector<16xf32>
      %add3A_1059 = arith.addf %add3A_1045, %bitcast3A_1057 : vector<16xf32>
      %add3A_1060 = arith.constant 14 : i32
      %add3A_1061 = arith.addi %mul3A_871, %add3A_1060 : i32
      %get3A_1062 = arith.index_cast %add3A_1061 : i32 to index
      %get3A_1063 = arith.constant 0 : index
      %get3A_1064 = tpu.vector_load %arg14[%get3A_1062, %get3A_1063] {strides = array<i32>} : memref<2560x16xi32, #tpu.memory_space<vmem>>, vector<16xi32>,
      %and3A_1065 = vector.broadcast %scan3A_863 : i32 to vector<16xi32>
      %and3A_1066 = arith.andi %get3A_1064, %and3A_1065 : vector<16xi32>
      %bitcast3A_1067 = vector.bitcast %and3A_1066 : vector<16xi32> to vector<16xf32>
      %shift_left3A_1068 = arith.constant 16 : i32
      %shift_left3A_1069 = vector.broadcast %shift_left3A_1068 : i32 to vector<16xi32>
      %shift_left3A_1070 = arith.shli %get3A_1064, %shift_left3A_1069 : vector<16xi32>
      %bitcast3A_1071 = vector.bitcast %shift_left3A_1070 : vector<16xi32> to vector<16xf32>
      %add3A_1072 = arith.addf %add3A_1058, %bitcast3A_1067 : vector<16xf32>
      %add3A_1073 = arith.addf %add3A_1059, %bitcast3A_1071 : vector<16xf32>
      %add3A_1074 = arith.constant 15 : i32
      %add3A_1075 = arith.addi %mul3A_871, %add3A_1074 : i32
      %get3A_1076 = arith.index_cast %add3A_1075 : i32 to index
      %get3A_1077 = arith.constant 0 : index
      %get3A_1078 = tpu.vector_load %arg14[%get3A_1076, %get3A_1077] {strides = array<i32>} : memref<2560x16xi32, #tpu.memory_space<vmem>>, vector<16xi32>,
      %and3A_1079 = vector.broadcast %scan3A_863 : i32 to vector<16xi32>
      %and3A_1080 = arith.andi %get3A_1078, %and3A_1079 : vector<16xi32>
      %bitcast3A_1081 = vector.bitcast %and3A_1080 : vector<16xi32> to vector<16xf32>
      %shift_left3A_1082 = arith.constant 16 : i32
      %shift_left3A_1083 = vector.broadcast %shift_left3A_1082 : i32 to vector<16xi32>
      %shift_left3A_1084 = arith.shli %get3A_1078, %shift_left3A_1083 : vector<16xi32>
      %bitcast3A_1085 = vector.bitcast %shift_left3A_1084 : vector<16xi32> to vector<16xf32>
      %add3A_1086 = arith.addf %add3A_1072, %bitcast3A_1081 : vector<16xf32>
      %add3A_1087 = arith.addf %add3A_1073, %bitcast3A_1085 : vector<16xf32>
      %add3A_1088 = arith.constant 16 : i32
      %add3A_1089 = arith.addi %mul3A_871, %add3A_1088 : i32
      %get3A_1090 = arith.index_cast %add3A_1089 : i32 to index
      %get3A_1091 = arith.constant 0 : index
      %get3A_1092 = tpu.vector_load %arg14[%get3A_1090, %get3A_1091] {strides = array<i32>} : memref<2560x16xi32, #tpu.memory_space<vmem>>, vector<16xi32>,
      %and3A_1093 = vector.broadcast %scan3A_863 : i32 to vector<16xi32>
      %and3A_1094 = arith.andi %get3A_1092, %and3A_1093 : vector<16xi32>
      %bitcast3A_1095 = vector.bitcast %and3A_1094 : vector<16xi32> to vector<16xf32>
      %shift_left3A_1096 = arith.constant 16 : i32
      %shift_left3A_1097 = vector.broadcast %shift_left3A_1096 : i32 to vector<16xi32>
      %shift_left3A_1098 = arith.shli %get3A_1092, %shift_left3A_1097 : vector<16xi32>
      %bitcast3A_1099 = vector.bitcast %shift_left3A_1098 : vector<16xi32> to vector<16xf32>
      %add3A_1100 = arith.addf %add3A_1086, %bitcast3A_1095 : vector<16xf32>
      %add3A_1101 = arith.addf %add3A_1087, %bitcast3A_1099 : vector<16xf32>
      %add3A_1102 = arith.constant 17 : i32
      %add3A_1103 = arith.addi %mul3A_871, %add3A_1102 : i32
      %get3A_1104 = arith.index_cast %add3A_1103 : i32 to index
      %get3A_1105 = arith.constant 0 : index
      %get3A_1106 = tpu.vector_load %arg14[%get3A_1104, %get3A_1105] {strides = array<i32>} : memref<2560x16xi32, #tpu.memory_space<vmem>>, vector<16xi32>,
      %and3A_1107 = vector.broadcast %scan3A_863 : i32 to vector<16xi32>
      %and3A_1108 = arith.andi %get3A_1106, %and3A_1107 : vector<16xi32>
      %bitcast3A_1109 = vector.bitcast %and3A_1108 : vector<16xi32> to vector<16xf32>
      %shift_left3A_1110 = arith.constant 16 : i32
      %shift_left3A_1111 = vector.broadcast %shift_left3A_1110 : i32 to vector<16xi32>
      %shift_left3A_1112 = arith.shli %get3A_1106, %shift_left3A_1111 : vector<16xi32>
      %bitcast3A_1113 = vector.bitcast %shift_left3A_1112 : vector<16xi32> to vector<16xf32>
      %add3A_1114 = arith.addf %add3A_1100, %bitcast3A_1109 : vector<16xf32>
      %add3A_1115 = arith.addf %add3A_1101, %bitcast3A_1113 : vector<16xf32>
      %add3A_1116 = arith.constant 18 : i32
      %add3A_1117 = arith.addi %mul3A_871, %add3A_1116 : i32
      %get3A_1118 = arith.index_cast %add3A_1117 : i32 to index
      %get3A_1119 = arith.constant 0 : index
      %get3A_1120 = tpu.vector_load %arg14[%get3A_1118, %get3A_1119] {strides = array<i32>} : memref<2560x16xi32, #tpu.memory_space<vmem>>, vector<16xi32>,
      %and3A_1121 = vector.broadcast %scan3A_863 : i32 to vector<16xi32>
      %and3A_1122 = arith.andi %get3A_1120, %and3A_1121 : vector<16xi32>
      %bitcast3A_1123 = vector.bitcast %and3A_1122 : vector<16xi32> to vector<16xf32>
      %shift_left3A_1124 = arith.constant 16 : i32
      %shift_left3A_1125 = vector.broadcast %shift_left3A_1124 : i32 to vector<16xi32>
      %shift_left3A_1126 = arith.shli %get3A_1120, %shift_left3A_1125 : vector<16xi32>
      %bitcast3A_1127 = vector.bitcast %shift_left3A_1126 : vector<16xi32> to vector<16xf32>
      %add3A_1128 = arith.addf %add3A_1114, %bitcast3A_1123 : vector<16xf32>
      %add3A_1129 = arith.addf %add3A_1115, %bitcast3A_1127 : vector<16xf32>
      %add3A_1130 = arith.constant 19 : i32
      %add3A_1131 = arith.addi %mul3A_871, %add3A_1130 : i32
      %get3A_1132 = arith.index_cast %add3A_1131 : i32 to index
      %get3A_1133 = arith.constant 0 : index
      %get3A_1134 = tpu.vector_load %arg14[%get3A_1132, %get3A_1133] {strides = array<i32>} : memref<2560x16xi32, #tpu.memory_space<vmem>>, vector<16xi32>,
      %and3A_1135 = vector.broadcast %scan3A_863 : i32 to vector<16xi32>
      %and3A_1136 = arith.andi %get3A_1134, %and3A_1135 : vector<16xi32>
      %bitcast3A_1137 = vector.bitcast %and3A_1136 : vector<16xi32> to vector<16xf32>
      %shift_left3A_1138 = arith.constant 16 : i32
      %shift_left3A_1139 = vector.broadcast %shift_left3A_1138 : i32 to vector<16xi32>
      %shift_left3A_1140 = arith.shli %get3A_1134, %shift_left3A_1139 : vector<16xi32>
      %bitcast3A_1141 = vector.bitcast %shift_left3A_1140 : vector<16xi32> to vector<16xf32>
      %add3A_1142 = arith.addf %add3A_1128, %bitcast3A_1137 : vector<16xf32>
      %add3A_1143 = arith.addf %add3A_1129, %bitcast3A_1141 : vector<16xf32>
      %swap3A = arith.index_cast %scan3A_869 : i32 to index
      %swap3A_1144 = arith.constant 0 : index
      %swap3A_1145 = tpu.vector_load %arg16[%swap3A, %swap3A_1144] {strides = array<i32>} : memref<128x32xf32, #tpu.memory_space<vmem>>, vector<16xf32>,
      tpu.vector_store %arg16[%swap3A, %swap3A_1144], %add3A_1142 {strides = array<i32>} : memref<128x32xf32, #tpu.memory_space<vmem>>, vector<16xf32>,
      %swap3A_1146 = arith.index_cast %scan3A_869 : i32 to index
      %swap3A_1147 = arith.constant 16 : index
      %swap3A_1148 = tpu.vector_load %arg16[%swap3A_1146, %swap3A_1147] {strides = array<i32>} : memref<128x32xf32, #tpu.memory_space<vmem>>, vector<16xf32>,
      tpu.vector_store %arg16[%swap3A_1146, %swap3A_1147], %add3A_1143 {strides = array<i32>} : memref<128x32xf32, #tpu.memory_space<vmem>>, vector<16xf32>,
    }
    %scan3A_868 = arith.constant 128 : i32
    "tpu.region"() ({
      %run_scoped3A_869 = tpu.sem_alloc : memref<!tpu.dma_semaphore, #tpu.memory_space<semaphore_mem>>
      %dma_start3A_870 = arith.constant 0 : i32
      %dma_start3A_871 = tpu.memref_slice %arg10[%mul3A_2, %dma_start3A_870] : memref<4096x32xf32, #tpu.memory_space<hbm>> -> memref<128x32xf32, #tpu.memory_space<hbm>>
      %dma_start3A_872 = arith.constant 0 : i32
      %dma_start3A_873 = tpu.memref_slice %arg10[%mul3A_2, %dma_start3A_872] : memref<4096x32xf32, #tpu.memory_space<hbm>> -> memref<128x32xf32, #tpu.memory_space<hbm>>
      tpu.enqueue_dma source(%arg16 : memref<128x32xf32, #tpu.memory_space<vmem>>) target(%dma_start3A_873 : memref<128x32xf32, #tpu.memory_space<hbm>>) target_semaphore(%run_scoped3A_869 : memref<!tpu.dma_semaphore, #tpu.memory_space<semaphore_mem>>)
      %dma_wait3A_874 = arith.constant 0 : i32
      %dma_wait3A_875 = tpu.memref_slice %arg10[%mul3A_2, %dma_wait3A_874] : memref<4096x32xf32, #tpu.memory_space<hbm>> -> memref<128x32xf32, #tpu.memory_space<hbm>>
      %dma_wait3A_876 = arith.constant 0 : i32
      %dma_wait3A_877 = tpu.memref_slice %arg10[%mul3A_2, %dma_wait3A_876] : memref<4096x32xf32, #tpu.memory_space<hbm>> -> memref<128x32xf32, #tpu.memory_space<hbm>>
      tpu.wait_dma2 semaphore(%run_scoped3A_869 : memref<!tpu.dma_semaphore, #tpu.memory_space<semaphore_mem>>) src(%arg16 : memref<128x32xf32, #tpu.memory_space<vmem>>) dst(%dma_wait3A_877 : memref<128x32xf32, #tpu.memory_space<hbm>>)
      tpu.yield
    }) : () -> ()
    return
  }
}

module attributes {stable_mosaic.version = 14 : i64} {
  func.func @_repack_body(%arg0: i32, %arg1: memref<32x65536xf32, #tpu.memory_space<vmem>>, %arg2: memref<256x128xf32, #tpu.memory_space<vmem>>, %arg3: memref<256x128xf32, #tpu.memory_space<vmem>>, %arg4: memref<8192x128xi32, #tpu.memory_space<vmem>>) attributes {dimension_semantics = [#tpu.dimension_semantics<arbitrary>], iteration_bounds = array<i64: 16>, scalar_prefetch = 0 : i64, scratch_operands = 0 : i64, tpu.core_type = #tpu.core_type<tc>, window_params = [{transform_indices = @transform_0, window_bounds = array<i64: 32, 65536>}, {pipeline_mode = #tpu.pipeline_mode<synchronous>, transform_indices = @transform_1, window_bounds = array<i64: 256, 128>}, {pipeline_mode = #tpu.pipeline_mode<synchronous>, transform_indices = @transform_2, window_bounds = array<i64: 256, 128>}, {transform_indices = @transform_3, window_bounds = array<i64: 8192, 128>}]} {
    %get3A = arith.constant 0 : index
    %get3A_0 = arith.constant 0 : index
    %get3A_1 = vector.load %arg1[%get3A, %get3A_0] : memref<32x65536xf32, #tpu.memory_space<vmem>>, vector<32x65536xf32>
    %mul3A = arith.constant 65536 : i32
    %mul3A_2 = arith.muli %arg0, %mul3A : i32
    %iota3A = tpu.iota {dimensions = array<i32: 1>} : vector<32x65536xi32>
    %add3A = vector.broadcast %mul3A_2 : i32 to vector<32x65536xi32>
    %add3A_3 = arith.addi %add3A, %iota3A : vector<32x65536xi32>
    %lt3A = arith.constant 1000000 : i32
    %lt3A_4 = vector.broadcast %lt3A : i32 to vector<32x65536xi32>
    %lt3A_5 = arith.cmpi slt, %add3A_3, %lt3A_4 : vector<32x65536xi32>
    %jit3A = arith.constant 0.000000e+00 : f32
    %broadcast_in_dim3A = vector.broadcast %jit3A : f32 to vector<32x65536xf32>
    %select_n3A = arith.select %lt3A_5, %get3A_1, %broadcast_in_dim3A : vector<32x65536xi1>, vector<32x65536xf32>
    %slice3A = vector.extract_strided_slice %select_n3A {offsets = [0, 0], sizes = [32, 8192], strides = [1, 1]} : vector<32x65536xf32> to vector<32x8192xf32>
    %slice3A_6 = vector.extract_strided_slice %select_n3A {offsets = [0, 8192], sizes = [32, 8192], strides = [1, 1]} : vector<32x65536xf32> to vector<32x8192xf32>
    %slice3A_7 = vector.extract_strided_slice %select_n3A {offsets = [0, 16384], sizes = [32, 8192], strides = [1, 1]} : vector<32x65536xf32> to vector<32x8192xf32>
    %slice3A_8 = vector.extract_strided_slice %select_n3A {offsets = [0, 24576], sizes = [32, 8192], strides = [1, 1]} : vector<32x65536xf32> to vector<32x8192xf32>
    %slice3A_9 = vector.extract_strided_slice %select_n3A {offsets = [0, 32768], sizes = [32, 8192], strides = [1, 1]} : vector<32x65536xf32> to vector<32x8192xf32>
    %slice3A_10 = vector.extract_strided_slice %select_n3A {offsets = [0, 40960], sizes = [32, 8192], strides = [1, 1]} : vector<32x65536xf32> to vector<32x8192xf32>
    %slice3A_11 = vector.extract_strided_slice %select_n3A {offsets = [0, 49152], sizes = [32, 8192], strides = [1, 1]} : vector<32x65536xf32> to vector<32x8192xf32>
    %slice3A_12 = vector.extract_strided_slice %select_n3A {offsets = [0, 57344], sizes = [32, 8192], strides = [1, 1]} : vector<32x65536xf32> to vector<32x8192xf32>
    %concatenate3A = tpu.concatenate %slice3A, %slice3A_6, %slice3A_7, %slice3A_8, %slice3A_9, %slice3A_10, %slice3A_11, %slice3A_12 in 0 : vector<32x8192xf32>, vector<32x8192xf32>, vector<32x8192xf32>, vector<32x8192xf32>, vector<32x8192xf32>, vector<32x8192xf32>, vector<32x8192xf32>, vector<32x8192xf32> -> vector<256x8192xf32>
    %get3A_13 = arith.constant 0 : index
    %get3A_14 = arith.constant 0 : index
    %get3A_15 = vector.load %arg2[%get3A_13, %get3A_14] : memref<256x128xf32, #tpu.memory_space<vmem>>, vector<256x128xf32>
    %dot_general3A = arith.constant dense<0.000000e+00> : vector<8192x128xf32>
    %dot_general3A_16 = tpu.matmul %concatenate3A, %get3A_15, %dot_general3A {dimension_numbers = #tpu.dot_dimension_numbers<[0], [0], [1], [1], [0, 1, 1, 1], [], []>, transpose_lhs_hint = false} : vector<256x8192xf32>, vector<256x128xf32>, vector<8192x128xf32> -> vector<8192x128xf32>
    %get3A_17 = arith.constant 0 : index
    %get3A_18 = arith.constant 0 : index
    %get3A_19 = vector.load %arg3[%get3A_17, %get3A_18] : memref<256x128xf32, #tpu.memory_space<vmem>>, vector<256x128xf32>
    %dot_general3A_20 = arith.constant dense<0.000000e+00> : vector<8192x128xf32>
    %dot_general3A_21 = tpu.matmul %concatenate3A, %get3A_19, %dot_general3A_20 {dimension_numbers = #tpu.dot_dimension_numbers<[0], [0], [1], [1], [0, 1, 1, 1], [], []>, transpose_lhs_hint = false} : vector<256x8192xf32>, vector<256x128xf32>, vector<8192x128xf32> -> vector<8192x128xf32>
    %bitcast_convert_type3A = tpu.bitcast %dot_general3A_16 : vector<8192x128xf32> -> vector<8192x128xi32>
    %bitcast_convert_type3A_22 = tpu.bitcast %dot_general3A_21 : vector<8192x128xf32> -> vector<8192x128xi32>
    %add3A_23 = arith.constant 32768 : i32
    %add3A_24 = vector.broadcast %add3A_23 : i32 to vector<8192x128xi32>
    %add3A_25 = arith.addi %bitcast_convert_type3A, %add3A_24 : vector<8192x128xi32>
    %and3A = arith.constant -65536 : i32
    %and3A_26 = vector.broadcast %and3A : i32 to vector<8192x128xi32>
    %and3A_27 = arith.andi %add3A_25, %and3A_26 : vector<8192x128xi32>
    %add3A_28 = arith.constant 32768 : i32
    %add3A_29 = vector.broadcast %add3A_28 : i32 to vector<8192x128xi32>
    %add3A_30 = arith.addi %bitcast_convert_type3A_22, %add3A_29 : vector<8192x128xi32>
    %shift_right_logical3A = arith.constant 16 : i32
    %shift_right_logical3A_31 = vector.broadcast %shift_right_logical3A : i32 to vector<8192x128xi32>
    %shift_right_logical3A_32 = arith.shrui %add3A_30, %shift_right_logical3A_31 : vector<8192x128xi32>
    %or3A = arith.ori %and3A_27, %shift_right_logical3A_32 : vector<8192x128xi32>
    %swap3A = arith.constant 0 : index
    %swap3A_33 = arith.constant 0 : index
    %swap3A_34 = vector.load %arg4[%swap3A, %swap3A_33] : memref<8192x128xi32, #tpu.memory_space<vmem>>, vector<8192x128xi32>
    tpu.vector_store %arg4[%swap3A, %swap3A_33], %or3A {strides = array<i32>} : memref<8192x128xi32, #tpu.memory_space<vmem>>, vector<8192x128xi32>,
    return
  }
  func.func @transform_0(%arg0: i32) -> (i32, i32) {
    %c0_i32 = arith.constant 0 : i32
    %c0_i32_0 = arith.constant 0 : i32
    return %c0_i32, %arg0 : i32, i32
  }
  func.func @transform_1(%arg0: i32) -> (i32, i32) {
    %c0_i32 = arith.constant 0 : i32
    %c0_i32_0 = arith.constant 0 : i32
    %c0_i32_1 = arith.constant 0 : i32
    return %c0_i32, %c0_i32_0 : i32, i32
  }
  func.func @transform_2(%arg0: i32) -> (i32, i32) {
    %c0_i32 = arith.constant 0 : i32
    %c0_i32_0 = arith.constant 0 : i32
    %c0_i32_1 = arith.constant 0 : i32
    return %c0_i32, %c0_i32_0 : i32, i32
  }
  func.func @transform_3(%arg0: i32) -> (i32, i32) {
    %c0_i32 = arith.constant 0 : i32
    %c0_i32_0 = arith.constant 0 : i32
    return %arg0, %c0_i32 : i32, i32
  }
}

module attributes {stable_mosaic.version = 14 : i64} {
  func.func @_tc_loss_body(%arg0: memref<4096x32xf32, #tpu.memory_space<vmem>>, %arg1: memref<4096x32xf32, #tpu.memory_space<vmem>>, %arg2: memref<4096x32xf32, #tpu.memory_space<vmem>>, %arg3: memref<4096x32xf32, #tpu.memory_space<vmem>>, %arg4: memref<1x32xf32, #tpu.memory_space<vmem>>, %arg5: memref<1x1xf32, #tpu.memory_space<smem>>) attributes {dimension_semantics = [], scalar_prefetch = 0 : i64, scratch_operands = 0 : i64, tpu.core_type = #tpu.core_type<tc>} {
    %get3A = arith.constant 0 : index
    %get3A_0 = arith.constant 0 : index
    %get3A_1 = vector.load %arg4[%get3A, %get3A_0] : memref<1x32xf32, #tpu.memory_space<vmem>>, vector<1x32xf32>
    %get3A_2 = arith.constant 0 : index
    %get3A_3 = arith.constant 0 : index
    %get3A_4 = vector.load %arg0[%get3A_2, %get3A_3] : memref<4096x32xf32, #tpu.memory_space<vmem>>, vector<4096x32xf32>
    %mul3A = arith.mulf %get3A_4, %get3A_4 : vector<4096x32xf32>
    %reduce_sum3A = arith.constant dense<0.000000e+00> : vector<4096xf32>
    %reduce_sum3A_5 = vector.multi_reduction <add>, %mul3A, %reduce_sum3A [1] : vector<4096x32xf32> to vector<4096xf32>
    %broadcast_in_dim3A = vector.shape_cast %reduce_sum3A_5 : vector<4096xf32> to vector<4096x1xf32>
    %mul3A_6 = arith.constant 3.125000e-02 : f32
    %mul3A_7 = vector.broadcast %mul3A_6 : f32 to vector<4096x1xf32>
    %mul3A_8 = arith.mulf %broadcast_in_dim3A, %mul3A_7 : vector<4096x1xf32>
    %sqrt3A = math.sqrt %mul3A_8 : vector<4096x1xf32>
    %add3A = arith.constant 9.99999993E-9 : f32
    %add3A_9 = vector.broadcast %add3A : f32 to vector<4096x1xf32>
    %add3A_10 = arith.addf %sqrt3A, %add3A_9 : vector<4096x1xf32>
    %div3A = vector.broadcast %add3A_10 : vector<4096x1xf32> to vector<4096x32xf32>
    %div3A_11 = arith.divf %get3A_4, %div3A : vector<4096x32xf32>
    %mul3A_12 = vector.broadcast %get3A_1 : vector<1x32xf32> to vector<4096x32xf32>
    %mul3A_13 = arith.mulf %div3A_11, %mul3A_12 : vector<4096x32xf32>
    %get3A_14 = arith.constant 0 : index
    %get3A_15 = arith.constant 0 : index
    %get3A_16 = vector.load %arg1[%get3A_14, %get3A_15] : memref<4096x32xf32, #tpu.memory_space<vmem>>, vector<4096x32xf32>
    %mul3A_17 = arith.mulf %get3A_16, %get3A_16 : vector<4096x32xf32>
    %reduce_sum3A_18 = arith.constant dense<0.000000e+00> : vector<4096xf32>
    %reduce_sum3A_19 = vector.multi_reduction <add>, %mul3A_17, %reduce_sum3A_18 [1] : vector<4096x32xf32> to vector<4096xf32>
    %broadcast_in_dim3A_20 = vector.shape_cast %reduce_sum3A_19 : vector<4096xf32> to vector<4096x1xf32>
    %mul3A_21 = arith.constant 3.125000e-02 : f32
    %mul3A_22 = vector.broadcast %mul3A_21 : f32 to vector<4096x1xf32>
    %mul3A_23 = arith.mulf %broadcast_in_dim3A_20, %mul3A_22 : vector<4096x1xf32>
    %sqrt3A_24 = math.sqrt %mul3A_23 : vector<4096x1xf32>
    %add3A_25 = arith.constant 9.99999993E-9 : f32
    %add3A_26 = vector.broadcast %add3A_25 : f32 to vector<4096x1xf32>
    %add3A_27 = arith.addf %sqrt3A_24, %add3A_26 : vector<4096x1xf32>
    %div3A_28 = vector.broadcast %add3A_27 : vector<4096x1xf32> to vector<4096x32xf32>
    %div3A_29 = arith.divf %get3A_16, %div3A_28 : vector<4096x32xf32>
    %mul3A_30 = vector.broadcast %get3A_1 : vector<1x32xf32> to vector<4096x32xf32>
    %mul3A_31 = arith.mulf %div3A_29, %mul3A_30 : vector<4096x32xf32>
    %get3A_32 = arith.constant 0 : index
    %get3A_33 = arith.constant 0 : index
    %get3A_34 = vector.load %arg2[%get3A_32, %get3A_33] : memref<4096x32xf32, #tpu.memory_space<vmem>>, vector<4096x32xf32>
    %mul3A_35 = arith.constant 5.000000e-02 : f32
    %mul3A_36 = vector.broadcast %mul3A_35 : f32 to vector<4096x32xf32>
    %mul3A_37 = arith.mulf %get3A_34, %mul3A_36 : vector<4096x32xf32>
    %mul3A_38 = arith.mulf %mul3A_37, %mul3A_37 : vector<4096x32xf32>
    %reduce_sum3A_39 = arith.constant dense<0.000000e+00> : vector<4096xf32>
    %reduce_sum3A_40 = vector.multi_reduction <add>, %mul3A_38, %reduce_sum3A_39 [1] : vector<4096x32xf32> to vector<4096xf32>
    %broadcast_in_dim3A_41 = vector.shape_cast %reduce_sum3A_40 : vector<4096xf32> to vector<4096x1xf32>
    %mul3A_42 = arith.constant 3.125000e-02 : f32
    %mul3A_43 = vector.broadcast %mul3A_42 : f32 to vector<4096x1xf32>
    %mul3A_44 = arith.mulf %broadcast_in_dim3A_41, %mul3A_43 : vector<4096x1xf32>
    %sqrt3A_45 = math.sqrt %mul3A_44 : vector<4096x1xf32>
    %add3A_46 = arith.constant 9.99999993E-9 : f32
    %add3A_47 = vector.broadcast %add3A_46 : f32 to vector<4096x1xf32>
    %add3A_48 = arith.addf %sqrt3A_45, %add3A_47 : vector<4096x1xf32>
    %div3A_49 = vector.broadcast %add3A_48 : vector<4096x1xf32> to vector<4096x32xf32>
    %div3A_50 = arith.divf %mul3A_37, %div3A_49 : vector<4096x32xf32>
    %mul3A_51 = vector.broadcast %get3A_1 : vector<1x32xf32> to vector<4096x32xf32>
    %mul3A_52 = arith.mulf %div3A_50, %mul3A_51 : vector<4096x32xf32>
    %get3A_53 = arith.constant 0 : index
    %get3A_54 = arith.constant 0 : index
    %get3A_55 = vector.load %arg3[%get3A_53, %get3A_54] : memref<4096x32xf32, #tpu.memory_space<vmem>>, vector<4096x32xf32>
    %mul3A_56 = arith.constant 5.000000e-02 : f32
    %mul3A_57 = vector.broadcast %mul3A_56 : f32 to vector<4096x32xf32>
    %mul3A_58 = arith.mulf %get3A_55, %mul3A_57 : vector<4096x32xf32>
    %mul3A_59 = arith.mulf %mul3A_58, %mul3A_58 : vector<4096x32xf32>
    %reduce_sum3A_60 = arith.constant dense<0.000000e+00> : vector<4096xf32>
    %reduce_sum3A_61 = vector.multi_reduction <add>, %mul3A_59, %reduce_sum3A_60 [1] : vector<4096x32xf32> to vector<4096xf32>
    %broadcast_in_dim3A_62 = vector.shape_cast %reduce_sum3A_61 : vector<4096xf32> to vector<4096x1xf32>
    %mul3A_63 = arith.constant 3.125000e-02 : f32
    %mul3A_64 = vector.broadcast %mul3A_63 : f32 to vector<4096x1xf32>
    %mul3A_65 = arith.mulf %broadcast_in_dim3A_62, %mul3A_64 : vector<4096x1xf32>
    %sqrt3A_66 = math.sqrt %mul3A_65 : vector<4096x1xf32>
    %add3A_67 = arith.constant 9.99999993E-9 : f32
    %add3A_68 = vector.broadcast %add3A_67 : f32 to vector<4096x1xf32>
    %add3A_69 = arith.addf %sqrt3A_66, %add3A_68 : vector<4096x1xf32>
    %div3A_70 = vector.broadcast %add3A_69 : vector<4096x1xf32> to vector<4096x32xf32>
    %div3A_71 = arith.divf %mul3A_58, %div3A_70 : vector<4096x32xf32>
    %mul3A_72 = vector.broadcast %get3A_1 : vector<1x32xf32> to vector<4096x32xf32>
    %mul3A_73 = arith.mulf %div3A_71, %mul3A_72 : vector<4096x32xf32>
    %mul3A_74 = arith.mulf %mul3A_13, %mul3A_31 : vector<4096x32xf32>
    %reduce_sum3A_75 = arith.constant dense<0.000000e+00> : vector<4096xf32>
    %reduce_sum3A_76 = vector.multi_reduction <add>, %mul3A_74, %reduce_sum3A_75 [1] : vector<4096x32xf32> to vector<4096xf32>
    %broadcast_in_dim3A_77 = vector.shape_cast %reduce_sum3A_76 : vector<4096xf32> to vector<4096x1xf32>
    %mul3A_78 = arith.mulf %mul3A_52, %mul3A_73 : vector<4096x32xf32>
    %reduce_sum3A_79 = arith.constant dense<0.000000e+00> : vector<4096xf32>
    %reduce_sum3A_80 = vector.multi_reduction <add>, %mul3A_78, %reduce_sum3A_79 [1] : vector<4096x32xf32> to vector<4096xf32>
    %broadcast_in_dim3A_81 = vector.shape_cast %reduce_sum3A_80 : vector<4096xf32> to vector<4096x1xf32>
    %mul3A_82 = arith.constant 3.125000e-02 : f32
    %mul3A_83 = vector.broadcast %mul3A_82 : f32 to vector<4096x1xf32>
    %mul3A_84 = arith.mulf %broadcast_in_dim3A_77, %mul3A_83 : vector<4096x1xf32>
    %neg3A = arith.constant 0.000000e+00 : f32
    %neg3A_85 = vector.broadcast %neg3A : f32 to vector<4096x1xf32>
    %neg3A_86 = arith.subf %neg3A_85, %mul3A_84 : vector<4096x1xf32>
    %exp3A = math.exp %neg3A_86 : vector<4096x1xf32>
    %add3A_87 = arith.constant 1.000000e+00 : f32
    %add3A_88 = vector.broadcast %add3A_87 : f32 to vector<4096x1xf32>
    %add3A_89 = arith.addf %add3A_88, %exp3A : vector<4096x1xf32>
    %div3A_90 = arith.constant 1.000000e+00 : f32
    %div3A_91 = vector.broadcast %div3A_90 : f32 to vector<4096x1xf32>
    %div3A_92 = arith.divf %div3A_91, %add3A_89 : vector<4096x1xf32>
    %add3A_93 = arith.constant 1.000000e-07 : f32
    %add3A_94 = vector.broadcast %add3A_93 : f32 to vector<4096x1xf32>
    %add3A_95 = arith.addf %div3A_92, %add3A_94 : vector<4096x1xf32>
    %log3A = math.log %add3A_95 : vector<4096x1xf32>
    %mul3A_96 = arith.constant 3.125000e-02 : f32
    %mul3A_97 = vector.broadcast %mul3A_96 : f32 to vector<4096x1xf32>
    %mul3A_98 = arith.mulf %broadcast_in_dim3A_81, %mul3A_97 : vector<4096x1xf32>
    %neg3A_99 = arith.constant 0.000000e+00 : f32
    %neg3A_100 = vector.broadcast %neg3A_99 : f32 to vector<4096x1xf32>
    %neg3A_101 = arith.subf %neg3A_100, %mul3A_98 : vector<4096x1xf32>
    %exp3A_102 = math.exp %neg3A_101 : vector<4096x1xf32>
    %add3A_103 = arith.constant 1.000000e+00 : f32
    %add3A_104 = vector.broadcast %add3A_103 : f32 to vector<4096x1xf32>
    %add3A_105 = arith.addf %add3A_104, %exp3A_102 : vector<4096x1xf32>
    %div3A_106 = arith.constant 1.000000e+00 : f32
    %div3A_107 = vector.broadcast %div3A_106 : f32 to vector<4096x1xf32>
    %div3A_108 = arith.divf %div3A_107, %add3A_105 : vector<4096x1xf32>
    %sub3A = arith.constant 1.000000e+00 : f32
    %sub3A_109 = vector.broadcast %sub3A : f32 to vector<4096x1xf32>
    %sub3A_110 = arith.subf %sub3A_109, %div3A_108 : vector<4096x1xf32>
    %add3A_111 = arith.constant 1.000000e-07 : f32
    %add3A_112 = vector.broadcast %add3A_111 : f32 to vector<4096x1xf32>
    %add3A_113 = arith.addf %sub3A_110, %add3A_112 : vector<4096x1xf32>
    %log3A_114 = math.log %add3A_113 : vector<4096x1xf32>
    %add3A_115 = arith.addf %log3A, %log3A_114 : vector<4096x1xf32>
    %neg3A_116 = arith.constant 0.000000e+00 : f32
    %neg3A_117 = vector.broadcast %neg3A_116 : f32 to vector<4096x1xf32>
    %neg3A_118 = arith.subf %neg3A_117, %broadcast_in_dim3A_77 : vector<4096x1xf32>
    %exp3A_119 = math.exp %neg3A_118 : vector<4096x1xf32>
    %add3A_120 = arith.constant 1.000000e+00 : f32
    %add3A_121 = vector.broadcast %add3A_120 : f32 to vector<4096x1xf32>
    %add3A_122 = arith.addf %add3A_121, %exp3A_119 : vector<4096x1xf32>
    %div3A_123 = arith.constant 1.000000e+00 : f32
    %div3A_124 = vector.broadcast %div3A_123 : f32 to vector<4096x1xf32>
    %div3A_125 = arith.divf %div3A_124, %add3A_122 : vector<4096x1xf32>
    %add3A_126 = arith.constant 1.000000e-07 : f32
    %add3A_127 = vector.broadcast %add3A_126 : f32 to vector<4096x1xf32>
    %add3A_128 = arith.addf %div3A_125, %add3A_127 : vector<4096x1xf32>
    %log3A_129 = math.log %add3A_128 : vector<4096x1xf32>
    %neg3A_130 = arith.constant 0.000000e+00 : f32
    %neg3A_131 = vector.broadcast %neg3A_130 : f32 to vector<4096x1xf32>
    %neg3A_132 = arith.subf %neg3A_131, %broadcast_in_dim3A_81 : vector<4096x1xf32>
    %exp3A_133 = math.exp %neg3A_132 : vector<4096x1xf32>
    %add3A_134 = arith.constant 1.000000e+00 : f32
    %add3A_135 = vector.broadcast %add3A_134 : f32 to vector<4096x1xf32>
    %add3A_136 = arith.addf %add3A_135, %exp3A_133 : vector<4096x1xf32>
    %div3A_137 = arith.constant 1.000000e+00 : f32
    %div3A_138 = vector.broadcast %div3A_137 : f32 to vector<4096x1xf32>
    %div3A_139 = arith.divf %div3A_138, %add3A_136 : vector<4096x1xf32>
    %sub3A_140 = arith.constant 1.000000e+00 : f32
    %sub3A_141 = vector.broadcast %sub3A_140 : f32 to vector<4096x1xf32>
    %sub3A_142 = arith.subf %sub3A_141, %div3A_139 : vector<4096x1xf32>
    %add3A_143 = arith.constant 1.000000e-07 : f32
    %add3A_144 = vector.broadcast %add3A_143 : f32 to vector<4096x1xf32>
    %add3A_145 = arith.addf %sub3A_142, %add3A_144 : vector<4096x1xf32>
    %log3A_146 = math.log %add3A_145 : vector<4096x1xf32>
    %add3A_147 = arith.addf %log3A_129, %log3A_146 : vector<4096x1xf32>
    %reduce_sum3A_148 = vector.shape_cast %add3A_115 : vector<4096x1xf32> to vector<1x4096x1xf32>
    %reduce_sum3A_149 = arith.constant dense<0.000000e+00> : vector<1xf32>
    %reduce_sum3A_150 = vector.multi_reduction <add>, %reduce_sum3A_148, %reduce_sum3A_149 [1, 2] : vector<1x4096x1xf32> to vector<1xf32>
    %reduce_sum3A_151 = vector.shape_cast %reduce_sum3A_150 : vector<1xf32> to vector<1x1x1xf32>
    %reduce_sum3A_152 = vector.extract %reduce_sum3A_151[0, 0, 0] : f32 from vector<1x1x1xf32>
    %reduce_sum3A_153 = vector.shape_cast %add3A_147 : vector<4096x1xf32> to vector<1x4096x1xf32>
    %reduce_sum3A_154 = arith.constant dense<0.000000e+00> : vector<1xf32>
    %reduce_sum3A_155 = vector.multi_reduction <add>, %reduce_sum3A_153, %reduce_sum3A_154 [1, 2] : vector<1x4096x1xf32> to vector<1xf32>
    %reduce_sum3A_156 = vector.shape_cast %reduce_sum3A_155 : vector<1xf32> to vector<1x1x1xf32>
    %reduce_sum3A_157 = vector.extract %reduce_sum3A_156[0, 0, 0] : f32 from vector<1x1x1xf32>
    %add3A_158 = arith.addf %reduce_sum3A_152, %reduce_sum3A_157 : f32
    %neg3A_159 = arith.constant 0.000000e+00 : f32
    %neg3A_160 = arith.subf %neg3A_159, %add3A_158 : f32
    %mul3A_161 = arith.constant 2.44140625E-4 : f32
    %mul3A_162 = arith.mulf %neg3A_160, %mul3A_161 : f32
    %swap3A = arith.constant 0 : index
    %swap3A_163 = arith.constant 0 : index
    %swap3A_164 = memref.load %arg5[%swap3A, %swap3A_163] : memref<1x1xf32, #tpu.memory_space<smem>>
    memref.store %mul3A_162, %arg5[%swap3A, %swap3A_163] : memref<1x1xf32, #tpu.memory_space<smem>>
    return
  }
}

</mosaic_0001>

<sc_bundles>
// kernel: kernel.5.cloned.1.call-start
scs
__scs_entry_jumppad:
0x0: {  	(pc) =	sbr.rel $0x88, $3  }
0x1: {  	(tag) =	ssettag $0x0;
	lr =	simm.s32 $0x1  }
0x2: {  	[smem:$0x3F9D] =	sst lr;
	_ =	strace $0xD0000000  }
0x3: {  	_ = 	snop  }
0x4: {  	_ = 	snop  }
0x5: {  	_ = 	snop  }
0x6: {  	_ = 	snop  }
0x7: {  	_ = 	snop  }
__scs_overlays_trampoline_lowered:
0x8: {  	[smem:$0x3FAC] =	sst s0  }
0x9: {  	[smem:$0x3FAD] =	sst s1  }
0xa: {  	[smem:$0x3FAE] =	sst s2  }
0xb: {  	[smem:$0x3FAF] =	sst s3  }
0xc: {  	[smem:$0x3FB0] =	sst s4  }
0xd: {  	[smem:$0x3FB1] =	sst s5  }
0xe: {  	[smem:$0x3FB2] =	sst s6  }
0xf: {  	[smem:$0x3FB3] =	sst s7  }
0x10: {  	[smem:$0x3FB4] =	sst s8  }
0x11: {  	[smem:$0x3FB5] =	sst s9;
	s0 =	simm.s32 @!p0 $0x0  }
0x12: {  	s1 =	sld [smem:$0x3F9B];
	s0 =	simm.s32 @p0 $0x1  }
0x13: {  	[smem:$0x3FB6] =	sst s0;
	s0 =	simm.s32 @!p1 $0x0  }
0x14: {  	s2 =	sld [smem:$0x3F9A];
	s0 =	simm.s32 @p1 $0x1  }
0x15: {  	[smem:$0x3FB7] =	sst s0;
	s0 =	simm.s32 @!p2 $0x0  }
0x16: {  	s3 =	sld [smem:$0x3FDB];
	s0 =	simm.s32 @p2 $0x1  }
0x17: {  	s4 =	simm.s32 $0x1BF5;
	[smem:$0x3FB9] =	sst s0  }
0x18: {  	s0 =	sld [smem:$0x3F9C];
	_ =	swait.ge [sflag:s4], $0x0  }
0x19: {  	s7 =	sld [smem:$0x3F9D]  }
0x1a: {  	s8 =	sadd.s32 $0xFFFFE003, lr  }
0x1b: {  	s9 =	sadd.s32 $0xFFFFFEF7, lr;
	s5 =	simm.s32 $0xFFFFFFFF;
	p2 =	slt.u32 s8, $0xFFFFF086  }
0x1c: {  	p1 =	slt.u32 s9, $0xF7A;
	s5 =	simm.s32 @!p2 $0x0  }
0x1d: {  	s5 =	simm.s32 @p1 $0x1;
	p0 =	seq.s32 s7, s2  }
0x1e: {  	s7 =	smul.u32 @!p0 $0xF7A, s2;
	p2 =	seq.s32 @!p0 s5, $0x0  }
0x1f: {  	s9 =	smul.u32 $0xF7A, s1;
	s8 =	simm.s32 @!p0 $0x1BF5;
	p2 =	por !p2, p0  }
0x20: {  	[sflag:s8] =	ssyncset.s32 @!p0 $0xFFFFF086;
	s6 =	sadd.s32 @!p0 s3, s7;
	s7 =	simm.s32 @!p0 $0x108  }
0x21: {  	s3 =	sadd.s32 s3, s9;
	s6 =	sadd.s32 @!p0 $0x88, s6;
	s7 =	simm.s32 @p2 $0x1082  }
0x22: {  	[simem:s7], [sflag:s8] =	dma.local @!p0 [hbm:s6], $0xF7A  }
0x23: {  	s9 =	sor.u32 $0xD0000000, s2;
	s6 =	simm.s32 $0x108;
	_ =	swait.ge @!p0 [sflag:s8], $0x0  }
0x24: {  	s3 =	sadd.s32 $0x88, s3;
	s6 =	simm.s32 @!p1 $0x1082;
	[sflag:s4] =	ssyncset.s32 $0xFFFFF086  }
0x25: {  	[simem:s6], [sflag:s4] =	dma.local [hbm:s3], $0xF7A  }
0x26: {  	[smem:$0x3F9D] =	sst s1;
	(tag) =	ssettag s2;
	_ =	strace s9  }
0x27: {  	s1 =	sld [smem:$0x3FAD]  }
0x28: {  	s2 =	sld [smem:$0x3FAE]  }
0x29: {  	s4 =	sld [smem:$0x3FB0]  }
0x2a: {  	p0 =	seq.s32 s5, $0x0;
	s5 =	sld [smem:$0x3FB1]  }
0x2b: {  	s6 =	sld [smem:$0x3FB2]  }
0x2c: {  	s7 =	sld [smem:$0x3FB3]  }
0x2d: {  	s3 =	simm.s32 $0x108;
	s8 =	sld [smem:$0x3FB4]  }
0x2e: {  	s3 =	simm.s32 @!p0 $0x1082;
	s9 =	sld [smem:$0x3FB5]  }
0x2f: {  	lr =	sadd.s32 s0, s3;
	s0 =	sld [smem:$0x3FAC]  }
0x30: {  	s3 =	sld [smem:$0x3FAF]  }
0x31: {  	[smem:$0x3FB8] =	sst s10  }
0x32: {  	s10 =	sld [smem:$0x3FB6];
	_ =	sdelay $0x3  }
0x33: {  	p0 =	seq.s32 s10, $0x1;
	s10 =	sld [smem:$0x3FB8];
	_ =	sdelay $0x3  }
0x34: {  	[smem:$0x3FB8] =	sst s10  }
0x35: {  	s10 =	sld [smem:$0x3FB7];
	_ =	sdelay $0x3  }
0x36: {  	p1 =	seq.s32 s10, $0x1;
	s10 =	sld [smem:$0x3FB8];
	_ =	sdelay $0x3  }
0x37: {  	[smem:$0x3FB8] =	sst s10  }
0x38: {  	s10 =	sld [smem:$0x3FB9]  }
0x39: {  	_ = 	snop;
	(pc) =	sbr.ind lr, $3  }
0x3a: {  	_ = 	snop  }
0x3b: {  	_ = 	snop  }
0x3c: {  	p2 =	seq.s32 s10, $0x1;
	s10 =	sld [smem:$0x3FB8]  }
0x3d: {  	_ =	shalt  }
0x3e: {  	_ =	shalt  }
0x3f: {  	_ =	shalt  }
0x40: {  	_ =	shalt  }
0x41: {  	_ =	shalt  }
0x42: {  	_ =	shalt  }
0x43: {  	_ =	shalt  }
0x44: {  	_ =	shalt  }
0x45: {  	_ =	shalt  }
0x46: {  	_ =	shalt  }
0x47: {  	_ =	shalt  }
0x48: {  	_ =	shalt  }
0x49: {  	_ =	shalt  }
0x4a: {  	_ =	shalt  }
0x4b: {  	_ =	shalt  }
0x4c: {  	_ =	shalt  }
0x4d: {  	_ =	shalt  }
0x4e: {  	_ =	shalt  }
0x4f: {  	_ =	shalt  }
0x50: {  	_ =	shalt  }
0x51: {  	_ =	shalt  }
0x52: {  	_ =	shalt  }
0x53: {  	_ =	shalt  }
0x54: {  	_ =	shalt  }
0x55: {  	_ =	shalt  }
0x56: {  	_ =	shalt  }
0x57: {  	_ =	shalt  }
0x58: {  	_ =	shalt  }
0x59: {  	_ =	shalt  }
0x5a: {  	_ =	shalt  }
0x5b: {  	_ =	shalt  }
0x5c: {  	_ =	shalt  }
0x5d: {  	_ =	shalt  }
0x5e: {  	_ =	shalt  }
0x5f: {  	_ =	shalt  }
0x60: {  	_ =	shalt  }
0x61: {  	_ =	shalt  }
0x62: {  	_ =	shalt  }
0x63: {  	_ =	shalt  }
0x64: {  	_ =	shalt  }
0x65: {  	_ =	shalt  }
0x66: {  	_ =	shalt  }
0x67: {  	_ =	shalt  }
0x68: {  	_ =	shalt  }
0x69: {  	_ =	shalt  }
0x6a: {  	_ =	shalt  }
0x6b: {  	_ =	shalt  }
0x6c: {  	_ =	shalt  }
0x6d: {  	_ =	shalt  }
0x6e: {  	_ =	shalt  }
0x6f: {  	_ =	shalt  }
0x70: {  	_ =	shalt  }
0x71: {  	_ =	shalt  }
0x72: {  	_ =	shalt  }
0x73: {  	_ =	shalt  }
0x74: {  	_ =	shalt  }
0x75: {  	_ =	shalt  }
0x76: {  	_ =	shalt  }
0x77: {  	_ =	shalt  }
0x78: {  	_ =	shalt  }
0x79: {  	_ =	shalt  }
0x7a: {  	_ =	shalt  }
0x7b: {  	_ =	shalt  }
0x7c: {  	_ =	shalt  }
0x7d: {  	_ =	shalt  }
0x7e: {  	_ =	shalt  }
0x7f: {  	_ =	shalt  }
0x80: {  	_ =	shalt  }
0x81: {  	_ =	shalt  }
0x82: {  	_ =	shalt  }
0x83: {  	_ =	shalt  }
0x84: {  	_ =	shalt  }
0x85: {  	_ =	shalt  }
0x86: {  	_ =	shalt  }
0x87: {  	_ =	shalt  }
.Lfunc_end0:
.L_simem_size_0:
called_computation_lowered:
.L_overlay_start_0:
0x88: {  	s2 =	sld [smem:$0x3FD9]  }
0x89: {  	s3 =	sld [smem:$0x3FFE];
	_ =	sdelay $0x1  }
0x8a: {  	s1 =	srdreg.scid  }
0x8b: {  	s0 =	sand.u32 $0x1, s1  }
0x8c: {  	s16 =	sshll.u32 s0, $0xA;
	s2 =	sadd.s32 s3, s2  }
0x8d: {  	s2 =	sadd.s32 s2, s16  }
0x8e: {  	[smem:$0x3FC4] =	sst s2  }
0x8f: {  	_ = 	snop  }
0x90: {  	(tm) =	ssettm $0x1  }
0x91: {  	s17 =	sld [smem:$0x3FFB];
	_ =	sdelay $0x3  }
0x92: {  	_ =	strace s17  }
0x93: {  	s2 =	sld [smem:$0x3FFC];
	_ =	sdelay $0x3  }
0x94: {  	_ =	strace s2  }
0x95: {  	s2 =	sld [smem:$0x3FFD];
	_ =	sdelay $0x3  }
0x96: {  	_ =	strace s2  }
0x97: {  	_ =	strace $0x8FFFFFFF  }
0x98: {  	s18 =	sld [smem:$0x3FDB];
	_ =	sdelay $0x1  }
0x99: {  	s19 =	simm.s32 $_scs_section_size  }
0x9a: {  	s4 =	simm.s32 $_size__tile_overlayer_lowered;
	s5 =	simm.s32 $_tile_overlayer_lowered  }
0x9b: {  	s22 =	simm.s32 $0x1BFF;
	s21 =	sshll.u32 s5, $0x1;
	s2 =	sadd.s32 s19, s18  }
0x9c: {  	s6 =	simm.s32 $0x0;
	s20 =	sshll.u32 s4, $0x1;
	s4 =	sadd.s32 s21, s2  }
0x9d: {  	[timem:s6], [sflag:s22] =	dma.local [hbm:s4], s20  }
0x9e: {  	_ =	swait.ge [sflag:s22], s20  }
0x9f: {  	s3 =	ssub.s32 $0x0, s20;
	[sflag:s22] =	ssyncset.done $0x0  }
0xa0: {  	[sflag:s22] =	ssyncadd.s32 s3;
	_ =	sdelay $0x1  }
0xa1: {  	s23 =	simm.s32 $0x1B8B  }
0xa2: {  	_ =	swait.ge [sflag:s23], $0x1  }
0xa3: {  	[sflag:s23] =	ssyncset.done $0x0  }
0xa4: {  	s25 =	simm.s32 $0x1B8E;
	s24 =	sld [smem:$0x3FFE];
	[sflag:s23] =	ssyncadd.s32 $0xFFFFFFFF  }
0xa5: {  	s26 =	simm.s32 $execute0_lowered;
	[smem:$0x3FD2] =	sst s25  }
0xa6: {  	s4 =	sshll.u32 s26, $0x1;
	_ =	strace $0x80000046;
	[dreg:$0x1] =	wrdreg $0xFFFFFFFF  }
0xa7: {  	s28 =	simm.s32 $_size_execute0_lowered;
	s2 =	sadd.s32 s2, s4;
	[dreg:$0x0] =	wrdreg $0x0  }
0xa8: {  	s4 =	sshll.u32 s28, $0x1;
	[dreg:$0x2] =	wrdreg s2  }
0xa9: {  	[dreg:$0x3] =	wrdreg s4  }
0xaa: {  	[dreg:$0x4] =	wrdreg $0xC0  }
0xab: {  	_ =	task [dreg:s6], $0x5FFFF  }
0xac: {  	[dreg:$0x1] =	wrdreg $0xFFFFFFFF  }
0xad: {  	[dreg:$0x0] =	wrdreg $0x60  }
0xae: {  	[dreg:$0x2] =	wrdreg s24  }
0xaf: {  	[dreg:$0x3] =	wrdreg $0x9  }
0xb0: {  	_ =	task.clear_ibuf [dreg:s6], $0x4FFFF;
	_ =	strace $0x90000046  }
0xb1: {  	s29 =	simm.s32 $0x9;
	_ =	strace $0x80000048  }
0xb2: {  	_ =	swait.ge [sflag:s29], $0x1  }
0xb3: {  	[sflag:s29] =	ssyncadd.s32 $0xFFFFFFFF  }
0xb4: {  	_ =	strace $0x90000048  }
0xb5: {  	_ =	sfence  }
0xb6: {  	s30 =	sld [smem:$0x0];
	_ =	sdelay $0x2  }
0xb7: {  	s31 =	sshll.u32 s1, $0xD;
	s1 =	sshrl.u32 s1, $0x2  }
0xb8: {  	s3 =	sand.u32 $0x4000, s31;
	s1 =	sadd.s32 s1, s30  }
0xb9: {  	s0 =	sor.u32 s3, s0;
	s1 =	sshll.u32 s1, $0x11  }
0xba: {  	s0 =	sor.u32 s1, s0  }
0xbb: {  	s0 =	sadd.s32 $0x8F2B, s0  }
0xbc: {  	[sflag:s0] =	ssyncadd.remote.s32 $0x1  }
0xbd: {  	_ =	sfence.sel $0xFFFF  }
0xbe: {  	[dreg:$0x0] =	wrdreg $0xFFFFFFFF;
	(pc) =	sbr.abs _section_cstart, $3  }
0xbf: {  	[dreg:$0x1] =	wrdreg $0xFFFFFFFF  }
0xc0: {  	_ =	task.clear_ibuf [dreg:s6], $0x2FFFF;
	_ =	strace $0x9FFFFFFF  }
0xc1: {  	(tm) =	ssettm $0x7FFFFFFF  }
tec
execute0_lowered:
.L_overlay_start_1:
0x0: {  	(tag) =	ssettag $0x1  }
0x1: {  	s0 =	srdreg.scid;
	s2 =	stileid.u32  }
0x2: {  	s1 =	rddreg [dreg:$0x0];
	s13 =	simm.s32 $0x1400;
	s14 =	simm.s32 $0x4  }
0x3: {  	s15 =	simm.s32 $0x1480;
	s16 =	simm.s32 $0xA00;
	s17 =	simm.s32 $0x80  }
0x4: {  	s18 =	simm.s32 $0x1300;
	s19 =	simm.s32 $0x14500;
	s20 =	simm.s32 $0x1380  }
0x5: {  	s21 =	simm.s32 $0x14D00;
	s22 =	simm.s32 $0x1;
	s23 =	simm.s32 $0x16500  }
0x6: {  	s24 =	simm.s32 $0x2;
	s0 =	sand.u32 $0x1, s0;
	s3 =	sshll.u32 s2, $0x1  }
0x7: {  	s25 =	simm.s32 $0x3;
	s2 =	simm.s32 $0x0;
	s4 =	sor.u32 s0, s3  }
0x8: {  	[smem:$0x7FF] =	sst s2;
	s3 =	sadd.s32 $0x6E00, s1;
	s0 =	ssub.s32 $0x2, s0  }
0x9: {  	s5 =	smul.u32 $0x140, s4;
	_ =	strace $0x80000047;
	s6 =	sshll.u32 s4, $0x4  }
0xa: {  	s4 =	sshll.u32 s4, $0x9;
	s10 =	sshrl.u32 s0, $0x1;
	s6 =	sadd.s32 s6, s1  }
0xb: {  	s0 =	ssub.s32 s0, s10;
	s7 =	sadd.s32 s5, s1;
	s1 =	sadd.s32 s4, s1  }
0xc: {  	s4 =	sadd.s32 $0x6C00, s6;
	s5 =	sadd.s32 $0x6A00, s6;
	s12 =	smax.u32 s0, $0x1  }
0xd: {  	s0 =	simm.s32 $0x13D00;
	s6 =	sadd.s32 $0x4200, s7;
	s8 =	sadd.s32 $0x212E00, s1  }
0xe: {  	s26 =	simm.s32 $0x0;
	s9 =	sadd.s32 $0x20EE00, s1;
	s10 =	sadd.s32 $0x20AE00, s1  }
0xf: {  	s7 =	sadd.s32 $0x1A00, s7;
	s11 =	sadd.s32 $0x206E00, s1;
	s1 =	simm.s32 $0x1280  }
.LBB2_1:
0x10: {  	[tilespmem:s13], [sflag:$0x4] =	stream.linear.gather [hbm4b:s4+s2], $0x80, $0x38;
	[tilespmem:$0x17500] =	vst v63  }
0x11: {  	_ =	swait.ge [sflag:s14], $0x80  }
0x12: {  	[sflag:s14] =	ssyncset.done $0x0  }
0x13: {  	[sflag:s14] =	ssyncadd.s32 $0xFFFFFF80  }
0x14: {  	[tilespmem:s15], [sflag:$0x4] =	stream.linear.gather [hbm4b:s5+s2], $0x80, $0x38;
	[tilespmem:$0x17500] =	vst v63  }
0x15: {  	_ =	swait.ge [sflag:s14], $0x80  }
0x16: {  	[sflag:s14] =	ssyncset.done $0x0  }
0x17: {  	[sflag:s14] =	ssyncadd.s32 $0xFFFFFF80  }
0x18: {  	[tilespmem:s2], [sflag:$0x4] =	stream.linear.gather [hbm4b:s6+s2], $0xA00, $0x38;
	[tilespmem:$0x17500] =	vst v63  }
0x19: {  	_ =	swait.ge [sflag:s14], $0xA00  }
0x1a: {  	[sflag:s14] =	ssyncset.done $0x0  }
0x1b: {  	[sflag:s14] =	ssyncadd.s32 $0xFFFFF600  }
0x1c: {  	[tilespmem:s16], [sflag:$0x4] =	stream.linear.gather [hbm4b:s7+s2], $0xA00, $0x38;
	[tilespmem:$0x17500] =	vst v63  }
0x1d: {  	_ =	swait.ge [sflag:s14], $0xA00  }
0x1e: {  	[sflag:s14] =	ssyncset.done $0x0  }
0x1f: {  	s28 =	simm.s32 $0x15500;
	[sflag:s14] =	ssyncadd.s32 $0xFFFFF600  }
0x20: {  	[tilespmem:s28], [sflag:$0x1] =	stream.indirect.gather [hbm4b:s3+s17], $0x10, s13, s17, $0xb8;
	[tilespmem:$0x17500] =	vst v63  }
0x21: {  	s28 =	simm.s32 $0x15D00  }
0x22: {  	[tilespmem:s28], [sflag:$0x1] =	stream.indirect.gather [hbm4b:s3+s17], $0x10, s15, s17, $0xb8;
	[tilespmem:$0x17500] =	vst v63  }
0x23: {  	s28 =	simm.s32 $0x1500  }
0x24: {  	[tilespmem:s28], [sflag:$0x2] =	stream.indirect.gather [hbm4b:s3+s17], $0x10, s2, s17, $0xb8;
	[tilespmem:$0x17500] =	vst v63  }
0x25: {  	s28 =	simm.s32 $0x1D00  }
0x26: {  	[tilespmem:s28], [sflag:$0x2] =	stream.indirect.gather [hbm4b:s3+s17], $0x10, s17, s17, $0xb8;
	[tilespmem:$0x17500] =	vst v63  }
0x27: {  	s29 =	simm.s32 $0x2500;
	s28 =	simm.s32 $0x100  }
0x28: {  	[tilespmem:s29], [sflag:$0x2] =	stream.indirect.gather [hbm4b:s3+s17], $0x10, s28, s17, $0xb8;
	[tilespmem:$0x17500] =	vst v63  }
0x29: {  	s28 =	simm.s32 $0x180;
	s29 =	simm.s32 $0x2D00  }
0x2a: {  	[tilespmem:s29], [sflag:$0x2] =	stream.indirect.gather [hbm4b:s3+s17], $0x10, s28, s17, $0xb8;
	[tilespmem:$0x17500] =	vst v63  }
0x2b: {  	s28 =	simm.s32 $0x200;
	s29 =	simm.s32 $0x3500  }
0x2c: {  	[tilespmem:s29], [sflag:$0x2] =	stream.indirect.gather [hbm4b:s3+s17], $0x10, s28, s17, $0xb8;
	[tilespmem:$0x17500] =	vst v63  }
0x2d: {  	s28 =	simm.s32 $0x280;
	s29 =	simm.s32 $0x3D00  }
0x2e: {  	[tilespmem:s29], [sflag:$0x2] =	stream.indirect.gather [hbm4b:s3+s17], $0x10, s28, s17, $0xb8;
	[tilespmem:$0x17500] =	vst v63  }
0x2f: {  	s28 =	simm.s32 $0x300;
	s29 =	simm.s32 $0x4500  }
0x30: {  	[tilespmem:s29], [sflag:$0x2] =	stream.indirect.gather [hbm4b:s3+s17], $0x10, s28, s17, $0xb8;
	[tilespmem:$0x17500] =	vst v63  }
0x31: {  	s28 =	simm.s32 $0x380;
	s29 =	simm.s32 $0x4D00  }
0x32: {  	[tilespmem:s29], [sflag:$0x2] =	stream.indirect.gather [hbm4b:s3+s17], $0x10, s28, s17, $0xb8;
	[tilespmem:$0x17500] =	vst v63  }
0x33: {  	s28 =	simm.s32 $0x400;
	s29 =	simm.s32 $0x5500  }
0x34: {  	[tilespmem:s29], [sflag:$0x2] =	stream.indirect.gather [hbm4b:s3+s17], $0x10, s28, s17, $0xb8;
	[tilespmem:$0x17500] =	vst v63  }
0x35: {  	s28 =	simm.s32 $0x480;
	s29 =	simm.s32 $0x5D00  }
0x36: {  	[tilespmem:s29], [sflag:$0x2] =	stream.indirect.gather [hbm4b:s3+s17], $0x10, s28, s17, $0xb8;
	[tilespmem:$0x17500] =	vst v63  }
0x37: {  	s28 =	simm.s32 $0x500;
	s29 =	simm.s32 $0x6500  }
0x38: {  	[tilespmem:s29], [sflag:$0x2] =	stream.indirect.gather [hbm4b:s3+s17], $0x10, s28, s17, $0xb8;
	[tilespmem:$0x17500] =	vst v63  }
0x39: {  	s28 =	simm.s32 $0x580;
	s29 =	simm.s32 $0x6D00  }
0x3a: {  	[tilespmem:s29], [sflag:$0x2] =	stream.indirect.gather [hbm4b:s3+s17], $0x10, s28, s17, $0xb8;
	[tilespmem:$0x17500] =	vst v63  }
0x3b: {  	s28 =	simm.s32 $0x600;
	s29 =	simm.s32 $0x7500  }
0x3c: {  	[tilespmem:s29], [sflag:$0x2] =	stream.indirect.gather [hbm4b:s3+s17], $0x10, s28, s17, $0xb8;
	[tilespmem:$0x17500] =	vst v63  }
0x3d: {  	s28 =	simm.s32 $0x680;
	s29 =	simm.s32 $0x7D00  }
0x3e: {  	[tilespmem:s29], [sflag:$0x2] =	stream.indirect.gather [hbm4b:s3+s17], $0x10, s28, s17, $0xb8;
	[tilespmem:$0x17500] =	vst v63  }
0x3f: {  	s28 =	simm.s32 $0x700;
	s29 =	simm.s32 $0x8500  }
0x40: {  	[tilespmem:s29], [sflag:$0x2] =	stream.indirect.gather [hbm4b:s3+s17], $0x10, s28, s17, $0xb8;
	[tilespmem:$0x17500] =	vst v63  }
0x41: {  	s28 =	simm.s32 $0x780;
	s29 =	simm.s32 $0x8D00  }
0x42: {  	[tilespmem:s29], [sflag:$0x2] =	stream.indirect.gather [hbm4b:s3+s17], $0x10, s28, s17, $0xb8;
	[tilespmem:$0x17500] =	vst v63  }
0x43: {  	s28 =	simm.s32 $0x800;
	s29 =	simm.s32 $0x9500  }
0x44: {  	[tilespmem:s29], [sflag:$0x2] =	stream.indirect.gather [hbm4b:s3+s17], $0x10, s28, s17, $0xb8;
	[tilespmem:$0x17500] =	vst v63  }
0x45: {  	s28 =	simm.s32 $0x880;
	s29 =	simm.s32 $0x9D00  }
0x46: {  	[tilespmem:s29], [sflag:$0x2] =	stream.indirect.gather [hbm4b:s3+s17], $0x10, s28, s17, $0xb8;
	[tilespmem:$0x17500] =	vst v63  }
0x47: {  	s28 =	simm.s32 $0x900;
	s29 =	simm.s32 $0xA500  }
0x48: {  	[tilespmem:s29], [sflag:$0x2] =	stream.indirect.gather [hbm4b:s3+s17], $0x10, s28, s17, $0xb8;
	[tilespmem:$0x17500] =	vst v63  }
0x49: {  	s28 =	simm.s32 $0x980;
	s29 =	simm.s32 $0xAD00  }
0x4a: {  	[tilespmem:s29], [sflag:$0x2] =	stream.indirect.gather [hbm4b:s3+s17], $0x10, s28, s17, $0xb8;
	[tilespmem:$0x17500] =	vst v63  }
0x4b: {  	s28 =	simm.s32 $0xB500  }
0x4c: {  	[tilespmem:s28], [sflag:$0x3] =	stream.indirect.gather [hbm4b:s3+s17], $0x10, s16, s17, $0xb8;
	[tilespmem:$0x17500] =	vst v63  }
0x4d: {  	s29 =	simm.s32 $0xBD00;
	s28 =	simm.s32 $0xA80  }
0x4e: {  	[tilespmem:s29], [sflag:$0x3] =	stream.indirect.gather [hbm4b:s3+s17], $0x10, s28, s17, $0xb8;
	[tilespmem:$0x17500] =	vst v63  }
0x4f: {  	s28 =	simm.s32 $0xB00;
	s29 =	simm.s32 $0xC500  }
0x50: {  	[tilespmem:s29], [sflag:$0x3] =	stream.indirect.gather [hbm4b:s3+s17], $0x10, s28, s17, $0xb8;
	[tilespmem:$0x17500] =	vst v63  }
0x51: {  	s28 =	simm.s32 $0xB80;
	s29 =	simm.s32 $0xCD00  }
0x52: {  	[tilespmem:s29], [sflag:$0x3] =	stream.indirect.gather [hbm4b:s3+s17], $0x10, s28, s17, $0xb8;
	[tilespmem:$0x17500] =	vst v63  }
0x53: {  	s28 =	simm.s32 $0xC00;
	s29 =	simm.s32 $0xD500  }
0x54: {  	[tilespmem:s29], [sflag:$0x3] =	stream.indirect.gather [hbm4b:s3+s17], $0x10, s28, s17, $0xb8;
	[tilespmem:$0x17500] =	vst v63  }
0x55: {  	s28 =	simm.s32 $0xC80;
	s29 =	simm.s32 $0xDD00  }
0x56: {  	[tilespmem:s29], [sflag:$0x3] =	stream.indirect.gather [hbm4b:s3+s17], $0x10, s28, s17, $0xb8;
	[tilespmem:$0x17500] =	vst v63  }
0x57: {  	s28 =	simm.s32 $0xD00;
	s29 =	simm.s32 $0xE500  }
0x58: {  	[tilespmem:s29], [sflag:$0x3] =	stream.indirect.gather [hbm4b:s3+s17], $0x10, s28, s17, $0xb8;
	[tilespmem:$0x17500] =	vst v63  }
0x59: {  	s28 =	simm.s32 $0xD80;
	s29 =	simm.s32 $0xED00  }
0x5a: {  	[tilespmem:s29], [sflag:$0x3] =	stream.indirect.gather [hbm4b:s3+s17], $0x10, s28, s17, $0xb8;
	[tilespmem:$0x17500] =	vst v63  }
0x5b: {  	s28 =	simm.s32 $0xE00;
	s29 =	simm.s32 $0xF500  }
0x5c: {  	[tilespmem:s29], [sflag:$0x3] =	stream.indirect.gather [hbm4b:s3+s17], $0x10, s28, s17, $0xb8;
	[tilespmem:$0x17500] =	vst v63  }
0x5d: {  	s28 =	simm.s32 $0xE80;
	s29 =	simm.s32 $0xFD00  }
0x5e: {  	[tilespmem:s29], [sflag:$0x3] =	stream.indirect.gather [hbm4b:s3+s17], $0x10, s28, s17, $0xb8;
	[tilespmem:$0x17500] =	vst v63  }
0x5f: {  	s28 =	simm.s32 $0xF00;
	s29 =	simm.s32 $0x10500  }
0x60: {  	[tilespmem:s29], [sflag:$0x3] =	stream.indirect.gather [hbm4b:s3+s17], $0x10, s28, s17, $0xb8;
	[tilespmem:$0x17500] =	vst v63  }
0x61: {  	s28 =	simm.s32 $0xF80;
	s29 =	simm.s32 $0x10D00  }
0x62: {  	[tilespmem:s29], [sflag:$0x3] =	stream.indirect.gather [hbm4b:s3+s17], $0x10, s28, s17, $0xb8;
	[tilespmem:$0x17500] =	vst v63  }
0x63: {  	s28 =	simm.s32 $0x1000;
	s29 =	simm.s32 $0x11500  }
0x64: {  	[tilespmem:s29], [sflag:$0x3] =	stream.indirect.gather [hbm4b:s3+s17], $0x10, s28, s17, $0xb8;
	[tilespmem:$0x17500] =	vst v63  }
0x65: {  	s28 =	simm.s32 $0x1080;
	s29 =	simm.s32 $0x11D00  }
0x66: {  	[tilespmem:s29], [sflag:$0x3] =	stream.indirect.gather [hbm4b:s3+s17], $0x10, s28, s17, $0xb8;
	[tilespmem:$0x17500] =	vst v63  }
0x67: {  	s28 =	simm.s32 $0x1100;
	s29 =	simm.s32 $0x12500  }
0x68: {  	[tilespmem:s29], [sflag:$0x3] =	stream.indirect.gather [hbm4b:s3+s17], $0x10, s28, s17, $0xb8;
	[tilespmem:$0x17500] =	vst v63  }
0x69: {  	s28 =	simm.s32 $0x1180;
	s29 =	simm.s32 $0x12D00  }
0x6a: {  	[tilespmem:s29], [sflag:$0x3] =	stream.indirect.gather [hbm4b:s3+s17], $0x10, s28, s17, $0xb8;
	[tilespmem:$0x17500] =	vst v63  }
0x6b: {  	s28 =	simm.s32 $0x1200;
	s29 =	simm.s32 $0x13500  }
0x6c: {  	[tilespmem:s29], [sflag:$0x3] =	stream.indirect.gather [hbm4b:s3+s17], $0x10, s28, s17, $0xb8;
	[tilespmem:$0x17500] =	vst v63  }
0x6d: {  	_ = 	snop  }
0x6e: {  	[tilespmem:s0], [sflag:$0x3] =	stream.indirect.gather [hbm4b:s3+s17], $0x10, s1, s17, $0xb8;
	[tilespmem:$0x17500] =	vst v63  }
0x6f: {  	_ = 	snop  }
0x70: {  	[tilespmem:s19], [sflag:$0x3] =	stream.indirect.gather [hbm4b:s3+s17], $0x10, s18, s17, $0xb8;
	[tilespmem:$0x17500] =	vst v63  }
0x71: {  	_ = 	snop  }
0x72: {  	[tilespmem:s21], [sflag:$0x3] =	stream.indirect.gather [hbm4b:s3+s17], $0x10, s20, s17, $0xb8;
	[tilespmem:$0x17500] =	vst v63  }
0x73: {  	_ =	swait.ge [sflag:s22], $0x800  }
0x74: {  	[sflag:s22] =	ssyncset.done $0x0  }
0x75: {  	[sflag:s22] =	ssyncadd.s32 $0xFFFFF800  }
0x76: {  	_ =	swait.ge [sflag:s22], $0x800  }
0x77: {  	[sflag:s22] =	ssyncset.done $0x0  }
0x78: {  	s28 =	simm.s32 $0x0;
	[sflag:s22] =	ssyncadd.s32 $0xFFFFF800  }
0x79: {  	v0 =	vld [tilespmem:s28+$0x15500];
	_ =	sdelay $0x4  }
0x7a: {  	s28 =	simm.s32 $0x16510;
	v1 =	vand.u32 $0xFFFF0000, v0  }
0x7b: {  	v0 =	vshll.u32 v0, $0x10;
	[tilespmem:s28+$0xFFFFFFF0] =	vst v1  }
0x7c: {  	s30 =	simm.s32 $0x10;
	s29 =	simm.s32 $0x80;
	[tilespmem:s28+$0x0] =	vst v0  }
.LBB2_2:
0x7d: {  	p0 =	sne.s32 s29, $0x1FC0;
	v0 =	vld [tilespmem:s30+$0x15500];
	_ =	sdelay $0x2  }
.Ltmp0:
0x7e: {  	(pc) =	sbr.rel @p0 .LBB2_2-.Ltmp0, $4  }
0x7f: {  	_ = 	snop  }
0x80: {  	s28 =	sadd.s32 $0x20, s28;
	v1 =	vand.u32 $0xFFFF0000, v0;
	v0 =	vshll.u32 v0, $0x10  }
0x81: {  	[tilespmem:s28+$0xFFFFFFF0] =	vst v1  }
0x82: {  	s30 =	sshra.s32 s29, $0x2;
	s29 =	sadd.s32 $0x40, s29;
	[tilespmem:s28+$0x0] =	vst v0  }
0x83: {  	v0 =	vld [tilespmem:s30+$0x15500];
	_ =	sdelay $0x4  }
0x84: {  	s28 =	sadd.s32 $0x20, s28;
	v1 =	vand.u32 $0xFFFF0000, v0  }
0x85: {  	v0 =	vshll.u32 v0, $0x10;
	[tilespmem:s28+$0xFFFFFFF0] =	vst v1  }
0x86: {  	[tilespmem:s28+$0x0] =	vst v0;
	s28 =	simm.s32 $0x0  }
0x87: {  	[hbm4b:s8+s28] =	stream.linear.scatter [tilespmem:s23], [sflag:$0x4], $0x1000, $0x38;
	[tilespmem:$0x17500] =	vst v63  }
0x88: {  	_ =	swait.ge [sflag:s14], $0x1000  }
0x89: {  	[sflag:s14] =	ssyncset.done $0x0  }
0x8a: {  	s28 =	simm.s32 $0x0;
	[sflag:s14] =	ssyncadd.s32 $0xFFFFF000  }
0x8b: {  	v62 =	vld [tilespmem:s28+$0x15D00];
	_ =	sdelay $0x4  }
0x8c: {  	s28 =	simm.s32 $0x16510;
	v63 =	vand.u32 $0xFFFF0000, v62  }
0x8d: {  	v0 =	vshll.u32 v62, $0x10;
	[tilespmem:s28+$0xFFFFFFF0] =	vst v63  }
0x8e: {  	s30 =	simm.s32 $0x10;
	s29 =	simm.s32 $0x80;
	[tilespmem:s28+$0x0] =	vst v0  }
.LBB2_4:
0x8f: {  	p0 =	sne.s32 s29, $0x1FC0;
	v0 =	vld [tilespmem:s30+$0x15D00];
	_ =	sdelay $0x2  }
.Ltmp1:
0x90: {  	(pc) =	sbr.rel @p0 .LBB2_4-.Ltmp1, $4  }
0x91: {  	_ = 	snop  }
0x92: {  	s28 =	sadd.s32 $0x20, s28;
	v1 =	vand.u32 $0xFFFF0000, v0;
	v0 =	vshll.u32 v0, $0x10  }
0x93: {  	[tilespmem:s28+$0xFFFFFFF0] =	vst v1  }
0x94: {  	s30 =	sshra.s32 s29, $0x2;
	s29 =	sadd.s32 $0x40, s29;
	[tilespmem:s28+$0x0] =	vst v0  }
0x95: {  	v0 =	vld [tilespmem:s30+$0x15D00];
	_ =	sdelay $0x4  }
0x96: {  	s28 =	sadd.s32 $0x20, s28;
	v1 =	vand.u32 $0xFFFF0000, v0  }
0x97: {  	v0 =	vshll.u32 v0, $0x10;
	[tilespmem:s28+$0xFFFFFFF0] =	vst v1  }
0x98: {  	[tilespmem:s28+$0x0] =	vst v0;
	s28 =	simm.s32 $0x0  }
0x99: {  	[hbm4b:s9+s28] =	stream.linear.scatter [tilespmem:s23], [sflag:$0x4], $0x1000, $0x38;
	[tilespmem:$0x17500] =	vst v63  }
0x9a: {  	_ =	swait.ge [sflag:s14], $0x1000  }
0x9b: {  	[sflag:s14] =	ssyncset.done $0x0  }
0x9c: {  	[sflag:s14] =	ssyncadd.s32 $0xFFFFF000  }
0x9d: {  	_ =	swait.ge [sflag:s24], $0x800  }
0x9e: {  	[sflag:s24] =	ssyncset.done $0x0  }
0x9f: {  	[sflag:s24] =	ssyncadd.s32 $0xFFFFF800  }
0xa0: {  	_ =	swait.ge [sflag:s24], $0x800  }
0xa1: {  	[sflag:s24] =	ssyncset.done $0x0  }
0xa2: {  	[sflag:s24] =	ssyncadd.s32 $0xFFFFF800  }
0xa3: {  	_ =	swait.ge [sflag:s24], $0x800  }
0xa4: {  	[sflag:s24] =	ssyncset.done $0x0  }
0xa5: {  	[sflag:s24] =	ssyncadd.s32 $0xFFFFF800  }
0xa6: {  	_ =	swait.ge [sflag:s24], $0x800  }
0xa7: {  	[sflag:s24] =	ssyncset.done $0x0  }
0xa8: {  	[sflag:s24] =	ssyncadd.s32 $0xFFFFF800  }
0xa9: {  	_ =	swait.ge [sflag:s24], $0x800  }
0xaa: {  	[sflag:s24] =	ssyncset.done $0x0  }
0xab: {  	[sflag:s24] =	ssyncadd.s32 $0xFFFFF800  }
0xac: {  	_ =	swait.ge [sflag:s24], $0x800  }
0xad: {  	[sflag:s24] =	ssyncset.done $0x0  }
0xae: {  	[sflag:s24] =	ssyncadd.s32 $0xFFFFF800  }
0xaf: {  	_ =	swait.ge [sflag:s24], $0x800  }
0xb0: {  	[sflag:s24] =	ssyncset.done $0x0  }
0xb1: {  	[sflag:s24] =	ssyncadd.s32 $0xFFFFF800  }
0xb2: {  	_ =	swait.ge [sflag:s24], $0x800  }
0xb3: {  	[sflag:s24] =	ssyncset.done $0x0  }
0xb4: {  	[sflag:s24] =	ssyncadd.s32 $0xFFFFF800  }
0xb5: {  	_ =	swait.ge [sflag:s24], $0x800  }
0xb6: {  	[sflag:s24] =	ssyncset.done $0x0  }
0xb7: {  	[sflag:s24] =	ssyncadd.s32 $0xFFFFF800  }
0xb8: {  	_ =	swait.ge [sflag:s24], $0x800  }
0xb9: {  	[sflag:s24] =	ssyncset.done $0x0  }
0xba: {  	[sflag:s24] =	ssyncadd.s32 $0xFFFFF800  }
0xbb: {  	_ =	swait.ge [sflag:s24], $0x800  }
0xbc: {  	[sflag:s24] =	ssyncset.done $0x0  }
0xbd: {  	[sflag:s24] =	ssyncadd.s32 $0xFFFFF800  }
0xbe: {  	_ =	swait.ge [sflag:s24], $0x800  }
0xbf: {  	[sflag:s24] =	ssyncset.done $0x0  }
0xc0: {  	[sflag:s24] =	ssyncadd.s32 $0xFFFFF800  }
0xc1: {  	_ =	swait.ge [sflag:s24], $0x800  }
0xc2: {  	[sflag:s24] =	ssyncset.done $0x0  }
0xc3: {  	[sflag:s24] =	ssyncadd.s32 $0xFFFFF800  }
0xc4: {  	_ =	swait.ge [sflag:s24], $0x800  }
0xc5: {  	[sflag:s24] =	ssyncset.done $0x0  }
0xc6: {  	[sflag:s24] =	ssyncadd.s32 $0xFFFFF800  }
0xc7: {  	_ =	swait.ge [sflag:s24], $0x800  }
0xc8: {  	[sflag:s24] =	ssyncset.done $0x0  }
0xc9: {  	[sflag:s24] =	ssyncadd.s32 $0xFFFFF800  }
0xca: {  	_ =	swait.ge [sflag:s24], $0x800  }
0xcb: {  	[sflag:s24] =	ssyncset.done $0x0  }
0xcc: {  	[sflag:s24] =	ssyncadd.s32 $0xFFFFF800  }
0xcd: {  	_ =	swait.ge [sflag:s24], $0x800  }
0xce: {  	[sflag:s24] =	ssyncset.done $0x0  }
0xcf: {  	[sflag:s24] =	ssyncadd.s32 $0xFFFFF800  }
0xd0: {  	_ =	swait.ge [sflag:s24], $0x800  }
0xd1: {  	[sflag:s24] =	ssyncset.done $0x0  }
0xd2: {  	[sflag:s24] =	ssyncadd.s32 $0xFFFFF800  }
0xd3: {  	_ =	swait.ge [sflag:s24], $0x800  }
0xd4: {  	[sflag:s24] =	ssyncset.done $0x0  }
0xd5: {  	[sflag:s24] =	ssyncadd.s32 $0xFFFFF800  }
0xd6: {  	_ =	swait.ge [sflag:s24], $0x800  }
0xd7: {  	[sflag:s24] =	ssyncset.done $0x0  }
0xd8: {  	s28 =	simm.s32 $0x15A0;
	[sflag:s24] =	ssyncadd.s32 $0xFFFFF800  }
0xd9: {  	v0 =	vld [tilespmem:s28+$0xFFFFFF60]  }
0xda: {  	v1 =	vld [tilespmem:s28+$0xFFFFFF70];
	_ =	sdelay $0x1  }
0xdb: {  	v2 =	vld [tilespmem:s28+$0xFFFFFF80];
	_ =	sdelay $0x1  }
0xdc: {  	v4 =	vld [tilespmem:s28+$0xFFFFFF90];
	v3 =	vand.u32 $0xFFFF0000, v0  }
0xdd: {  	v0 =	vshll.u32 v0, $0x10;
	v5 =	vand.u32 $0xFFFF0000, v1;
	v1 =	vshll.u32 v1, $0x10  }
0xde: {  	v3 =	vadd.f32 v5, v3;
	v0 =	vadd.f32 v1, v0;
	v1 =	vld [tilespmem:s28+$0xFFFFFFA0]  }
0xdf: {  	v42 =	vand.u32 $0xFFFF0000, v2;
	v2 =	vshll.u32 v2, $0x10  }
0xe0: {  	v3 =	vadd.f32 v42, v3;
	v0 =	vadd.f32 v2, v0;
	v2 =	vld [tilespmem:s28+$0xFFFFFFB0]  }
0xe1: {  	v43 =	vand.u32 $0xFFFF0000, v4;
	v4 =	vshll.u32 v4, $0x10  }
0xe2: {  	v44 =	vld [tilespmem:s28+$0xFFFFFFC0];
	v3 =	vadd.f32 v43, v3;
	v0 =	vadd.f32 v4, v0  }
0xe3: {  	v45 =	vand.u32 $0xFFFF0000, v1;
	v1 =	vshll.u32 v1, $0x10  }
0xe4: {  	v3 =	vadd.f32 v45, v3;
	v0 =	vadd.f32 v1, v0;
	v1 =	vld [tilespmem:s28+$0xFFFFFFD0]  }
0xe5: {  	v46 =	vand.u32 $0xFFFF0000, v2;
	v2 =	vshll.u32 v2, $0x10  }
0xe6: {  	v3 =	vadd.f32 v46, v3;
	v0 =	vadd.f32 v2, v0;
	v2 =	vld [tilespmem:s28+$0xFFFFFFE0]  }
0xe7: {  	v47 =	vand.u32 $0xFFFF0000, v44;
	v4 =	vshll.u32 v44, $0x10  }
0xe8: {  	v48 =	vld [tilespmem:s28+$0xFFFFFFF0];
	v3 =	vadd.f32 v47, v3;
	v0 =	vadd.f32 v4, v0  }
0xe9: {  	v49 =	vand.u32 $0xFFFF0000, v1;
	v1 =	vshll.u32 v1, $0x10  }
0xea: {  	v3 =	vadd.f32 v49, v3;
	v0 =	vadd.f32 v1, v0;
	v1 =	vld [tilespmem:s28+$0x0]  }
0xeb: {  	v50 =	vand.u32 $0xFFFF0000, v2;
	v2 =	vshll.u32 v2, $0x10  }
0xec: {  	v3 =	vadd.f32 v50, v3;
	v0 =	vadd.f32 v2, v0;
	v2 =	vld [tilespmem:s28+$0x10]  }
0xed: {  	v51 =	vand.u32 $0xFFFF0000, v48;
	v4 =	vshll.u32 v48, $0x10  }
0xee: {  	v52 =	vld [tilespmem:s28+$0x20];
	v3 =	vadd.f32 v51, v3;
	v0 =	vadd.f32 v4, v0  }
0xef: {  	v53 =	vand.u32 $0xFFFF0000, v1;
	v1 =	vshll.u32 v1, $0x10  }
0xf0: {  	v3 =	vadd.f32 v53, v3;
	v0 =	vadd.f32 v1, v0;
	v1 =	vld [tilespmem:s28+$0x30]  }
0xf1: {  	v54 =	vand.u32 $0xFFFF0000, v2;
	v2 =	vshll.u32 v2, $0x10  }
0xf2: {  	v3 =	vadd.f32 v54, v3;
	v0 =	vadd.f32 v2, v0;
	v2 =	vld [tilespmem:s28+$0x40]  }
0xf3: {  	v55 =	vand.u32 $0xFFFF0000, v52;
	v4 =	vshll.u32 v52, $0x10  }
0xf4: {  	v56 =	vld [tilespmem:s28+$0x50];
	v3 =	vadd.f32 v55, v3;
	v0 =	vadd.f32 v4, v0  }
0xf5: {  	v57 =	vand.u32 $0xFFFF0000, v1;
	v1 =	vshll.u32 v1, $0x10  }
0xf6: {  	v3 =	vadd.f32 v57, v3;
	v0 =	vadd.f32 v1, v0;
	v1 =	vld [tilespmem:s28+$0x60]  }
0xf7: {  	v58 =	vand.u32 $0xFFFF0000, v2;
	v2 =	vshll.u32 v2, $0x10  }
0xf8: {  	v3 =	vadd.f32 v58, v3;
	v0 =	vadd.f32 v2, v0;
	v2 =	vld [tilespmem:s28+$0x70]  }
0xf9: {  	v59 =	vand.u32 $0xFFFF0000, v56;
	v4 =	vshll.u32 v56, $0x10  }
0xfa: {  	v60 =	vld [tilespmem:s28+$0x80];
	v3 =	vadd.f32 v59, v3;
	v0 =	vadd.f32 v4, v0  }
0xfb: {  	v61 =	vand.u32 $0xFFFF0000, v1;
	v1 =	vshll.u32 v1, $0x10  }
0xfc: {  	v3 =	vadd.f32 v61, v3;
	v0 =	vadd.f32 v1, v0;
	v1 =	vld [tilespmem:s28+$0x90]  }
0xfd: {  	v62 =	vand.u32 $0xFFFF0000, v2;
	v2 =	vshll.u32 v2, $0x10  }
0xfe: {  	v3 =	vadd.f32 v62, v3;
	v0 =	vadd.f32 v2, v0  }
0xff: {  	v4 =	vshll.u32 v60, $0x10;
	v2 =	vand.u32 $0xFFFF0000, v60  }
0x100: {  	v2 =	vadd.f32 v2, v3;
	v0 =	vadd.f32 v4, v0  }
0x101: {  	v3 =	vand.u32 $0xFFFF0000, v1;
	v63 =	vshll.u32 v1, $0x10  }
0x102: {  	s29 =	simm.s32 $0x80;
	s31 =	simm.s32 $0x0;
	v1 =	vadd.f32 v3, v2;
	v0 =	vadd.f32 v63, v0  }
.LBB2_6:
0x103: {  	p0 =	sne.s32 s29, $0x3F80  }
0x104: {  	[tilespmem:s31+$0x16500] =	vst v1;
	s28 =	sadd.s32 $0x140, s28;
	s30 =	smov.u32 s29;
	s29 =	sadd.s32 $0x80, s29  }
0x105: {  	[tilespmem:s31+$0x16510] =	vst v0  }
0x106: {  	v0 =	vld [tilespmem:s28+$0xFFFFFF60]  }
0x107: {  	v1 =	vld [tilespmem:s28+$0xFFFFFF70];
	_ =	sdelay $0x1  }
0x108: {  	v2 =	vld [tilespmem:s28+$0xFFFFFF80];
	_ =	sdelay $0x1  }
0x109: {  	v3 =	vand.u32 $0xFFFF0000, v0;
	v4 =	vld [tilespmem:s28+$0xFFFFFF90]  }
0x10a: {  	v0 =	vshll.u32 v0, $0x10;
	v5 =	vand.u32 $0xFFFF0000, v1;
	v1 =	vshll.u32 v1, $0x10  }
0x10b: {  	v3 =	vadd.f32 v5, v3;
	v0 =	vadd.f32 v1, v0;
	v1 =	vld [tilespmem:s28+$0xFFFFFFA0]  }
0x10c: {  	v5 =	vand.u32 $0xFFFF0000, v2;
	v2 =	vshll.u32 v2, $0x10  }
0x10d: {  	v3 =	vadd.f32 v5, v3;
	v0 =	vadd.f32 v2, v0;
	v2 =	vld [tilespmem:s28+$0xFFFFFFB0]  }
0x10e: {  	v5 =	vand.u32 $0xFFFF0000, v4;
	v4 =	vshll.u32 v4, $0x10  }
0x10f: {  	v3 =	vadd.f32 v5, v3;
	v0 =	vadd.f32 v4, v0;
	v4 =	vld [tilespmem:s28+$0xFFFFFFC0]  }
0x110: {  	v5 =	vand.u32 $0xFFFF0000, v1;
	v1 =	vshll.u32 v1, $0x10  }
0x111: {  	v3 =	vadd.f32 v5, v3;
	v0 =	vadd.f32 v1, v0;
	v1 =	vld [tilespmem:s28+$0xFFFFFFD0]  }
0x112: {  	v5 =	vand.u32 $0xFFFF0000, v2;
	v2 =	vshll.u32 v2, $0x10  }
0x113: {  	v3 =	vadd.f32 v5, v3;
	v0 =	vadd.f32 v2, v0;
	v2 =	vld [tilespmem:s28+$0xFFFFFFE0]  }
0x114: {  	v5 =	vand.u32 $0xFFFF0000, v4;
	v4 =	vshll.u32 v4, $0x10  }
0x115: {  	v3 =	vadd.f32 v5, v3;
	v0 =	vadd.f32 v4, v0;
	v4 =	vld [tilespmem:s28+$0xFFFFFFF0]  }
0x116: {  	v5 =	vand.u32 $0xFFFF0000, v1;
	v1 =	vshll.u32 v1, $0x10  }
0x117: {  	v3 =	vadd.f32 v5, v3;
	v0 =	vadd.f32 v1, v0;
	v1 =	vld [tilespmem:s28+$0x0]  }
0x118: {  	v5 =	vand.u32 $0xFFFF0000, v2;
	v2 =	vshll.u32 v2, $0x10  }
0x119: {  	v3 =	vadd.f32 v5, v3;
	v0 =	vadd.f32 v2, v0;
	v2 =	vld [tilespmem:s28+$0x10]  }
0x11a: {  	v5 =	vand.u32 $0xFFFF0000, v4;
	v4 =	vshll.u32 v4, $0x10  }
0x11b: {  	v3 =	vadd.f32 v5, v3;
	v0 =	vadd.f32 v4, v0;
	v4 =	vld [tilespmem:s28+$0x20]  }
0x11c: {  	v5 =	vand.u32 $0xFFFF0000, v1;
	v1 =	vshll.u32 v1, $0x10  }
0x11d: {  	v3 =	vadd.f32 v5, v3;
	v0 =	vadd.f32 v1, v0;
	v1 =	vld [tilespmem:s28+$0x30]  }
0x11e: {  	v5 =	vand.u32 $0xFFFF0000, v2;
	v2 =	vshll.u32 v2, $0x10  }
0x11f: {  	v3 =	vadd.f32 v5, v3;
	v0 =	vadd.f32 v2, v0;
	v2 =	vld [tilespmem:s28+$0x40]  }
0x120: {  	v5 =	vand.u32 $0xFFFF0000, v4;
	v4 =	vshll.u32 v4, $0x10  }
0x121: {  	v3 =	vadd.f32 v5, v3;
	v0 =	vadd.f32 v4, v0;
	v4 =	vld [tilespmem:s28+$0x50]  }
0x122: {  	v5 =	vand.u32 $0xFFFF0000, v1;
	v1 =	vshll.u32 v1, $0x10  }
0x123: {  	v3 =	vadd.f32 v5, v3;
	v0 =	vadd.f32 v1, v0;
	v1 =	vld [tilespmem:s28+$0x60]  }
0x124: {  	v5 =	vand.u32 $0xFFFF0000, v2;
	v2 =	vshll.u32 v2, $0x10  }
0x125: {  	v3 =	vadd.f32 v5, v3;
	v0 =	vadd.f32 v2, v0;
	v2 =	vld [tilespmem:s28+$0x70]  }
0x126: {  	v5 =	vand.u32 $0xFFFF0000, v4;
	v4 =	vshll.u32 v4, $0x10  }
0x127: {  	v3 =	vadd.f32 v5, v3;
	v0 =	vadd.f32 v4, v0;
	v4 =	vld [tilespmem:s28+$0x80]  }
0x128: {  	v5 =	vand.u32 $0xFFFF0000, v1;
	v1 =	vshll.u32 v1, $0x10  }
0x129: {  	v3 =	vadd.f32 v5, v3;
	v0 =	vadd.f32 v1, v0;
	v1 =	vld [tilespmem:s28+$0x90]  }
0x12a: {  	v5 =	vand.u32 $0xFFFF0000, v2;
	v2 =	vshll.u32 v2, $0x10  }
0x12b: {  	v3 =	vadd.f32 v5, v3;
	v0 =	vadd.f32 v2, v0  }
.Ltmp2:
0x12c: {  	v2 =	vand.u32 $0xFFFF0000, v4;
	v4 =	vshll.u32 v4, $0x10;
	(pc) =	sbr.rel @p0 .LBB2_6-.Ltmp2, $4  }
0x12d: {  	v2 =	vadd.f32 v2, v3;
	v0 =	vadd.f32 v4, v0  }
0x12e: {  	v3 =	vand.u32 $0xFFFF0000, v1;
	v4 =	vshll.u32 v1, $0x10  }
0x12f: {  	v1 =	vadd.f32 v3, v2;
	v0 =	vadd.f32 v4, v0  }
0x130: {  	s31 =	sshra.s32 s30, $0x2  }
0x131: {  	[tilespmem:s31+$0x16500] =	vst v1  }
0x132: {  	[tilespmem:s31+$0x16510] =	vst v0;
	s28 =	simm.s32 $0x0  }
0x133: {  	[hbm4b:s10+s28] =	stream.linear.scatter [tilespmem:s23], [sflag:$0x4], $0x1000, $0x38;
	[tilespmem:$0x17500] =	vst v63  }
0x134: {  	_ =	swait.ge [sflag:s14], $0x1000  }
0x135: {  	[sflag:s14] =	ssyncset.done $0x0  }
0x136: {  	[sflag:s14] =	ssyncadd.s32 $0xFFFFF000  }
0x137: {  	_ =	swait.ge [sflag:s25], $0x800  }
0x138: {  	[sflag:s25] =	ssyncset.done $0x0  }
0x139: {  	[sflag:s25] =	ssyncadd.s32 $0xFFFFF800  }
0x13a: {  	_ =	swait.ge [sflag:s25], $0x800  }
0x13b: {  	[sflag:s25] =	ssyncset.done $0x0  }
0x13c: {  	[sflag:s25] =	ssyncadd.s32 $0xFFFFF800  }
0x13d: {  	_ =	swait.ge [sflag:s25], $0x800  }
0x13e: {  	[sflag:s25] =	ssyncset.done $0x0  }
0x13f: {  	[sflag:s25] =	ssyncadd.s32 $0xFFFFF800  }
0x140: {  	_ =	swait.ge [sflag:s25], $0x800  }
0x141: {  	[sflag:s25] =	ssyncset.done $0x0  }
0x142: {  	[sflag:s25] =	ssyncadd.s32 $0xFFFFF800  }
0x143: {  	_ =	swait.ge [sflag:s25], $0x800  }
0x144: {  	[sflag:s25] =	ssyncset.done $0x0  }
0x145: {  	[sflag:s25] =	ssyncadd.s32 $0xFFFFF800  }
0x146: {  	_ =	swait.ge [sflag:s25], $0x800  }
0x147: {  	[sflag:s25] =	ssyncset.done $0x0  }
0x148: {  	[sflag:s25] =	ssyncadd.s32 $0xFFFFF800  }
0x149: {  	_ =	swait.ge [sflag:s25], $0x800  }
0x14a: {  	[sflag:s25] =	ssyncset.done $0x0  }
0x14b: {  	[sflag:s25] =	ssyncadd.s32 $0xFFFFF800  }
0x14c: {  	_ =	swait.ge [sflag:s25], $0x800  }
0x14d: {  	[sflag:s25] =	ssyncset.done $0x0  }
0x14e: {  	[sflag:s25] =	ssyncadd.s32 $0xFFFFF800  }
0x14f: {  	_ =	swait.ge [sflag:s25], $0x800  }
0x150: {  	[sflag:s25] =	ssyncset.done $0x0  }
0x151: {  	[sflag:s25] =	ssyncadd.s32 $0xFFFFF800  }
0x152: {  	_ =	swait.ge [sflag:s25], $0x800  }
0x153: {  	[sflag:s25] =	ssyncset.done $0x0  }
0x154: {  	[sflag:s25] =	ssyncadd.s32 $0xFFFFF800  }
0x155: {  	_ =	swait.ge [sflag:s25], $0x800  }
0x156: {  	[sflag:s25] =	ssyncset.done $0x0  }
0x157: {  	[sflag:s25] =	ssyncadd.s32 $0xFFFFF800  }
0x158: {  	_ =	swait.ge [sflag:s25], $0x800  }
0x159: {  	[sflag:s25] =	ssyncset.done $0x0  }
0x15a: {  	[sflag:s25] =	ssyncadd.s32 $0xFFFFF800  }
0x15b: {  	_ =	swait.ge [sflag:s25], $0x800  }
0x15c: {  	[sflag:s25] =	ssyncset.done $0x0  }
0x15d: {  	[sflag:s25] =	ssyncadd.s32 $0xFFFFF800  }
0x15e: {  	_ =	swait.ge [sflag:s25], $0x800  }
0x15f: {  	[sflag:s25] =	ssyncset.done $0x0  }
0x160: {  	[sflag:s25] =	ssyncadd.s32 $0xFFFFF800  }
0x161: {  	_ =	swait.ge [sflag:s25], $0x800  }
0x162: {  	[sflag:s25] =	ssyncset.done $0x0  }
0x163: {  	[sflag:s25] =	ssyncadd.s32 $0xFFFFF800  }
0x164: {  	_ =	swait.ge [sflag:s25], $0x800  }
0x165: {  	[sflag:s25] =	ssyncset.done $0x0  }
0x166: {  	[sflag:s25] =	ssyncadd.s32 $0xFFFFF800  }
0x167: {  	_ =	swait.ge [sflag:s25], $0x800  }
0x168: {  	[sflag:s25] =	ssyncset.done $0x0  }
0x169: {  	[sflag:s25] =	ssyncadd.s32 $0xFFFFF800  }
0x16a: {  	_ =	swait.ge [sflag:s25], $0x800  }
0x16b: {  	[sflag:s25] =	ssyncset.done $0x0  }
0x16c: {  	[sflag:s25] =	ssyncadd.s32 $0xFFFFF800  }
0x16d: {  	_ =	swait.ge [sflag:s25], $0x800  }
0x16e: {  	[sflag:s25] =	ssyncset.done $0x0  }
0x16f: {  	[sflag:s25] =	ssyncadd.s32 $0xFFFFF800  }
0x170: {  	_ =	swait.ge [sflag:s25], $0x800  }
0x171: {  	[sflag:s25] =	ssyncset.done $0x0  }
0x172: {  	s28 =	simm.s32 $0xB5A0;
	[sflag:s25] =	ssyncadd.s32 $0xFFFFF800  }
0x173: {  	v0 =	vld [tilespmem:s28+$0xFFFFFF60]  }
0x174: {  	v1 =	vld [tilespmem:s28+$0xFFFFFF70];
	_ =	sdelay $0x1  }
0x175: {  	v2 =	vld [tilespmem:s28+$0xFFFFFF80];
	_ =	sdelay $0x1  }
0x176: {  	v4 =	vld [tilespmem:s28+$0xFFFFFF90];
	v3 =	vand.u32 $0xFFFF0000, v0  }
0x177: {  	v0 =	vshll.u32 v0, $0x10;
	v5 =	vand.u32 $0xFFFF0000, v1;
	v1 =	vshll.u32 v1, $0x10  }
0x178: {  	v3 =	vadd.f32 v5, v3;
	v0 =	vadd.f32 v1, v0;
	v1 =	vld [tilespmem:s28+$0xFFFFFFA0]  }
0x179: {  	v42 =	vand.u32 $0xFFFF0000, v2;
	v2 =	vshll.u32 v2, $0x10  }
0x17a: {  	v3 =	vadd.f32 v42, v3;
	v0 =	vadd.f32 v2, v0;
	v2 =	vld [tilespmem:s28+$0xFFFFFFB0]  }
0x17b: {  	v43 =	vand.u32 $0xFFFF0000, v4;
	v4 =	vshll.u32 v4, $0x10  }
0x17c: {  	v44 =	vld [tilespmem:s28+$0xFFFFFFC0];
	v3 =	vadd.f32 v43, v3;
	v0 =	vadd.f32 v4, v0  }
0x17d: {  	v45 =	vand.u32 $0xFFFF0000, v1;
	v1 =	vshll.u32 v1, $0x10  }
0x17e: {  	v3 =	vadd.f32 v45, v3;
	v0 =	vadd.f32 v1, v0;
	v1 =	vld [tilespmem:s28+$0xFFFFFFD0]  }
0x17f: {  	v46 =	vand.u32 $0xFFFF0000, v2;
	v2 =	vshll.u32 v2, $0x10  }
0x180: {  	v3 =	vadd.f32 v46, v3;
	v0 =	vadd.f32 v2, v0;
	v2 =	vld [tilespmem:s28+$0xFFFFFFE0]  }
0x181: {  	v47 =	vand.u32 $0xFFFF0000, v44;
	v4 =	vshll.u32 v44, $0x10  }
0x182: {  	v48 =	vld [tilespmem:s28+$0xFFFFFFF0];
	v3 =	vadd.f32 v47, v3;
	v0 =	vadd.f32 v4, v0  }
0x183: {  	v49 =	vand.u32 $0xFFFF0000, v1;
	v1 =	vshll.u32 v1, $0x10  }
0x184: {  	v3 =	vadd.f32 v49, v3;
	v0 =	vadd.f32 v1, v0;
	v1 =	vld [tilespmem:s28+$0x0]  }
0x185: {  	v50 =	vand.u32 $0xFFFF0000, v2;
	v2 =	vshll.u32 v2, $0x10  }
0x186: {  	v3 =	vadd.f32 v50, v3;
	v0 =	vadd.f32 v2, v0;
	v2 =	vld [tilespmem:s28+$0x10]  }
0x187: {  	v51 =	vand.u32 $0xFFFF0000, v48;
	v4 =	vshll.u32 v48, $0x10  }
0x188: {  	v52 =	vld [tilespmem:s28+$0x20];
	v3 =	vadd.f32 v51, v3;
	v0 =	vadd.f32 v4, v0  }
0x189: {  	v53 =	vand.u32 $0xFFFF0000, v1;
	v1 =	vshll.u32 v1, $0x10  }
0x18a: {  	v3 =	vadd.f32 v53, v3;
	v0 =	vadd.f32 v1, v0;
	v1 =	vld [tilespmem:s28+$0x30]  }
0x18b: {  	v54 =	vand.u32 $0xFFFF0000, v2;
	v2 =	vshll.u32 v2, $0x10  }
0x18c: {  	v3 =	vadd.f32 v54, v3;
	v0 =	vadd.f32 v2, v0;
	v2 =	vld [tilespmem:s28+$0x40]  }
0x18d: {  	v55 =	vand.u32 $0xFFFF0000, v52;
	v4 =	vshll.u32 v52, $0x10  }
0x18e: {  	v56 =	vld [tilespmem:s28+$0x50];
	v3 =	vadd.f32 v55, v3;
	v0 =	vadd.f32 v4, v0  }
0x18f: {  	v57 =	vand.u32 $0xFFFF0000, v1;
	v1 =	vshll.u32 v1, $0x10  }
0x190: {  	v3 =	vadd.f32 v57, v3;
	v0 =	vadd.f32 v1, v0;
	v1 =	vld [tilespmem:s28+$0x60]  }
0x191: {  	v58 =	vand.u32 $0xFFFF0000, v2;
	v2 =	vshll.u32 v2, $0x10  }
0x192: {  	v3 =	vadd.f32 v58, v3;
	v0 =	vadd.f32 v2, v0;
	v2 =	vld [tilespmem:s28+$0x70]  }
0x193: {  	v59 =	vand.u32 $0xFFFF0000, v56;
	v4 =	vshll.u32 v56, $0x10  }
0x194: {  	v60 =	vld [tilespmem:s28+$0x80];
	v3 =	vadd.f32 v59, v3;
	v0 =	vadd.f32 v4, v0  }
0x195: {  	v61 =	vand.u32 $0xFFFF0000, v1;
	v1 =	vshll.u32 v1, $0x10  }
0x196: {  	v3 =	vadd.f32 v61, v3;
	v0 =	vadd.f32 v1, v0;
	v1 =	vld [tilespmem:s28+$0x90]  }
0x197: {  	v62 =	vand.u32 $0xFFFF0000, v2;
	v2 =	vshll.u32 v2, $0x10  }
0x198: {  	v3 =	vadd.f32 v62, v3;
	v0 =	vadd.f32 v2, v0  }
0x199: {  	v4 =	vshll.u32 v60, $0x10;
	v2 =	vand.u32 $0xFFFF0000, v60  }
0x19a: {  	v2 =	vadd.f32 v2, v3;
	v0 =	vadd.f32 v4, v0  }
0x19b: {  	v3 =	vand.u32 $0xFFFF0000, v1;
	v63 =	vshll.u32 v1, $0x10  }
0x19c: {  	s29 =	simm.s32 $0x80;
	s31 =	simm.s32 $0x0;
	v1 =	vadd.f32 v3, v2;
	v0 =	vadd.f32 v63, v0  }
.LBB2_8:
0x19d: {  	p0 =	sne.s32 s29, $0x3F80  }
0x19e: {  	[tilespmem:s31+$0x16500] =	vst v1;
	s28 =	sadd.s32 $0x140, s28;
	s30 =	smov.u32 s29;
	s29 =	sadd.s32 $0x80, s29  }
0x19f: {  	[tilespmem:s31+$0x16510] =	vst v0  }
0x1a0: {  	v0 =	vld [tilespmem:s28+$0xFFFFFF60]  }
0x1a1: {  	v1 =	vld [tilespmem:s28+$0xFFFFFF70];
	_ =	sdelay $0x1  }
0x1a2: {  	v2 =	vld [tilespmem:s28+$0xFFFFFF80];
	_ =	sdelay $0x1  }
0x1a3: {  	v3 =	vand.u32 $0xFFFF0000, v0;
	v4 =	vld [tilespmem:s28+$0xFFFFFF90]  }
0x1a4: {  	v0 =	vshll.u32 v0, $0x10;
	v5 =	vand.u32 $0xFFFF0000, v1;
	v1 =	vshll.u32 v1, $0x10  }
0x1a5: {  	v3 =	vadd.f32 v5, v3;
	v0 =	vadd.f32 v1, v0;
	v1 =	vld [tilespmem:s28+$0xFFFFFFA0]  }
0x1a6: {  	v5 =	vand.u32 $0xFFFF0000, v2;
	v2 =	vshll.u32 v2, $0x10  }
0x1a7: {  	v3 =	vadd.f32 v5, v3;
	v0 =	vadd.f32 v2, v0;
	v2 =	vld [tilespmem:s28+$0xFFFFFFB0]  }
0x1a8: {  	v5 =	vand.u32 $0xFFFF0000, v4;
	v4 =	vshll.u32 v4, $0x10  }
0x1a9: {  	v3 =	vadd.f32 v5, v3;
	v0 =	vadd.f32 v4, v0;
	v4 =	vld [tilespmem:s28+$0xFFFFFFC0]  }
0x1aa: {  	v5 =	vand.u32 $0xFFFF0000, v1;
	v1 =	vshll.u32 v1, $0x10  }
0x1ab: {  	v3 =	vadd.f32 v5, v3;
	v0 =	vadd.f32 v1, v0;
	v1 =	vld [tilespmem:s28+$0xFFFFFFD0]  }
0x1ac: {  	v5 =	vand.u32 $0xFFFF0000, v2;
	v2 =	vshll.u32 v2, $0x10  }
0x1ad: {  	v3 =	vadd.f32 v5, v3;
	v0 =	vadd.f32 v2, v0;
	v2 =	vld [tilespmem:s28+$0xFFFFFFE0]  }
0x1ae: {  	v5 =	vand.u32 $0xFFFF0000, v4;
	v4 =	vshll.u32 v4, $0x10  }
0x1af: {  	v3 =	vadd.f32 v5, v3;
	v0 =	vadd.f32 v4, v0;
	v4 =	vld [tilespmem:s28+$0xFFFFFFF0]  }
0x1b0: {  	v5 =	vand.u32 $0xFFFF0000, v1;
	v1 =	vshll.u32 v1, $0x10  }
0x1b1: {  	v3 =	vadd.f32 v5, v3;
	v0 =	vadd.f32 v1, v0;
	v1 =	vld [tilespmem:s28+$0x0]  }
0x1b2: {  	v5 =	vand.u32 $0xFFFF0000, v2;
	v2 =	vshll.u32 v2, $0x10  }
0x1b3: {  	v3 =	vadd.f32 v5, v3;
	v0 =	vadd.f32 v2, v0;
	v2 =	vld [tilespmem:s28+$0x10]  }
0x1b4: {  	v5 =	vand.u32 $0xFFFF0000, v4;
	v4 =	vshll.u32 v4, $0x10  }
0x1b5: {  	v3 =	vadd.f32 v5, v3;
	v0 =	vadd.f32 v4, v0;
	v4 =	vld [tilespmem:s28+$0x20]  }
0x1b6: {  	v5 =	vand.u32 $0xFFFF0000, v1;
	v1 =	vshll.u32 v1, $0x10  }
0x1b7: {  	v3 =	vadd.f32 v5, v3;
	v0 =	vadd.f32 v1, v0;
	v1 =	vld [tilespmem:s28+$0x30]  }
0x1b8: {  	v5 =	vand.u32 $0xFFFF0000, v2;
	v2 =	vshll.u32 v2, $0x10  }
0x1b9: {  	v3 =	vadd.f32 v5, v3;
	v0 =	vadd.f32 v2, v0;
	v2 =	vld [tilespmem:s28+$0x40]  }
0x1ba: {  	v5 =	vand.u32 $0xFFFF0000, v4;
	v4 =	vshll.u32 v4, $0x10  }
0x1bb: {  	v3 =	vadd.f32 v5, v3;
	v0 =	vadd.f32 v4, v0;
	v4 =	vld [tilespmem:s28+$0x50]  }
0x1bc: {  	v5 =	vand.u32 $0xFFFF0000, v1;
	v1 =	vshll.u32 v1, $0x10  }
0x1bd: {  	v3 =	vadd.f32 v5, v3;
	v0 =	vadd.f32 v1, v0;
	v1 =	vld [tilespmem:s28+$0x60]  }
0x1be: {  	v5 =	vand.u32 $0xFFFF0000, v2;
	v2 =	vshll.u32 v2, $0x10  }
0x1bf: {  	v3 =	vadd.f32 v5, v3;
	v0 =	vadd.f32 v2, v0;
	v2 =	vld [tilespmem:s28+$0x70]  }
0x1c0: {  	v5 =	vand.u32 $0xFFFF0000, v4;
	v4 =	vshll.u32 v4, $0x10  }
0x1c1: {  	v3 =	vadd.f32 v5, v3;
	v0 =	vadd.f32 v4, v0;
	v4 =	vld [tilespmem:s28+$0x80]  }
0x1c2: {  	v5 =	vand.u32 $0xFFFF0000, v1;
	v1 =	vshll.u32 v1, $0x10  }
0x1c3: {  	v3 =	vadd.f32 v5, v3;
	v0 =	vadd.f32 v1, v0;
	v1 =	vld [tilespmem:s28+$0x90]  }
0x1c4: {  	v5 =	vand.u32 $0xFFFF0000, v2;
	v2 =	vshll.u32 v2, $0x10  }
0x1c5: {  	v3 =	vadd.f32 v5, v3;
	v0 =	vadd.f32 v2, v0  }
.Ltmp3:
0x1c6: {  	v2 =	vand.u32 $0xFFFF0000, v4;
	v4 =	vshll.u32 v4, $0x10;
	(pc) =	sbr.rel @p0 .LBB2_8-.Ltmp3, $4  }
0x1c7: {  	v2 =	vadd.f32 v2, v3;
	v0 =	vadd.f32 v4, v0  }
0x1c8: {  	v3 =	vand.u32 $0xFFFF0000, v1;
	v4 =	vshll.u32 v1, $0x10  }
0x1c9: {  	v1 =	vadd.f32 v3, v2;
	v0 =	vadd.f32 v4, v0  }
0x1ca: {  	s31 =	sshra.s32 s30, $0x2  }
0x1cb: {  	s26 =	sadd.s32 $0x1, s26  }
0x1cc: {  	[tilespmem:s31+$0x16500] =	vst v1;
	p0 =	sne.s32 s26, s12  }
.Ltmp4:
0x1cd: {  	[tilespmem:s31+$0x16510] =	vst v0;
	(pc) =	sbr.rel @p0 .LBB2_1-.Ltmp4, $4  }
0x1ce: {  	[hbm4b:s11+s2] =	stream.linear.scatter [tilespmem:s23], [sflag:$0x4], $0x1000, $0x38;
	[tilespmem:$0x17500] =	vst v63  }
0x1cf: {  	_ =	swait.ge [sflag:s14], $0x1000  }
0x1d0: {  	[sflag:s14] =	ssyncset.done $0x0  }
0x1d1: {  	[sflag:s14] =	ssyncadd.s32 $0xFFFFF000  }
0x1d2: {  	_ =	sfence.sel $0x180000  }
0x1d3: {  	[bflag:$0x0] =	sbarrier.arrive $0xFFFF  }
0x1d4: {  	_ =	strace $0x90000047  }
0x1d5: {  	s0 =	stileid.u32;
	[bflag:$0x2] =	sbarrier.arrive $0xFFFF  }
0x1d6: {  	p0 =	sne.s32 s0, $0x0;
	s0 =	rddreg [dreg:$0x1]  }
0x1d7: {  	s0 =	sadd.s32 @!p0 $0x100000, s0  }
0x1d8: {  	[sflag:s0] =	ssyncadd.tile.s32 @!p0 $0x1;
	_ =	shalt  }
.Lfunc_end2:
_tile_overlayer_lowered:
.L_overlay_start_2:
0x1d9: {  	(tag) =	ssettag $0x2  }
0x1da: {  	s0 =	rddreg [dreg:$0x0];
	s2 =	stileid.u32  }
0x1db: {  	s1 =	rddreg [dreg:$0x1];
	p0 =	sne.s32 s2, $0x0  }
0x1dc: {  	s3 =	rddreg [dreg:$0x2];
	[bflag:$0x3] =	sbarrier.arrive $0xFFFF;
	s2 =	simm.s32 @!p0 $0x1C04  }
0x1dd: {  	[timem:s3], [sflag:s2] =	dma.local @!p0 [hbm:s0], s1  }
0x1de: {  	s0 =	simm.s32 @!p0 $0x4  }
0x1df: {  	_ =	swait.ge @!p0 [sflag:s0], s1  }
0x1e0: {  	s1 =	ssub.s32 @!p0 $0x0, s1;
	[sflag:s0] =	ssyncset.done @!p0 $0x0  }
0x1e1: {  	[sflag:s0] =	ssyncadd.s32 @!p0 s1  }
0x1e2: {  	[bflag:$0x3] =	sbarrier.arrive $0xFFFF  }
0x1e3: {  	_ =	shalt  }

</sc_bundles>
